<compile_context>
chip_gen: v7x
topology: tpu7x:2x2x1
jax: 0.10.2.dev20260603
libtpu: 0.0.44.dev20260713+nightly
codegen_flags: <defaults>
</compile_context>

<pallas_src>
import jax
import jax.numpy as jnp
from jax import lax
from jax.experimental import pallas as pl
from jax.experimental.pallas import tpu as pltpu
from jax.experimental.pallas import tpu_sc as plsc

B, L, D = 16, 2048, 768
N = B * L
V = 1024

N_SC = 8192
N_TC = N - N_SC

NUM_CORES = 2
NUM_SUBCORES = 16
HD = D // NUM_CORES
TPW = N_SC // NUM_SUBCORES
C = 16
NCHUNK = TPW // C
NVEC = HD // 16

TB = 1024
GRID = N_TC // TB


def _sc_body(x0s, y0s, x1s, y1s,
             x0_t, y0_t, x1_t, y1_t, w_t, h_t,
             out_hbm,
             x0_v, y0_v, x1_v, y1_v,
             b00, b01, b02, b03, b04, b05,
             b10, b11, b12, b13, b14, b15,
             sem_g, sem_o):
    hid = lax.axis_index("c")
    tid = lax.axis_index("s")
    base = tid * TPW
    hoff = hid * HD
    tables = (x0_t, y0_t, x1_t, y1_t, w_t, h_t)
    bufs = ((b00, b01, b02, b03, b04, b05),
            (b10, b11, b12, b13, b14, b15))

    pltpu.sync_copy(x0s.at[pl.ds(base, TPW)], x0_v)
    pltpu.sync_copy(y0s.at[pl.ds(base, TPW)], y0_v)
    pltpu.sync_copy(x1s.at[pl.ds(base, TPW)], x1_v)
    pltpu.sync_copy(y1s.at[pl.ds(base, TPW)], y1_v)

    def indices(i):
        off = i * C
        x0 = x0_v[pl.ds(off, C)]
        y0 = y0_v[pl.ds(off, C)]
        x1 = x1_v[pl.ds(off, C)]
        y1 = y1_v[pl.ds(off, C)]
        zero = jnp.zeros((C,), jnp.int32)
        hi = jnp.full((C,), V - 1, jnp.int32)
        x0c = jnp.minimum(jnp.maximum(x0, zero), hi)
        y0c = jnp.minimum(jnp.maximum(y0, zero), hi)
        x1c = jnp.minimum(jnp.maximum(x1, zero), hi)
        y1c = jnp.minimum(jnp.maximum(y1, zero), hi)
        wc = jnp.minimum(jnp.maximum(x1c - x0c, zero), hi)
        hc = jnp.minimum(jnp.maximum(y1c - y0c, zero), hi)
        return (x0c, y0c, x1c, y1c, wc, hc)

    def fire(i, slot):
        idx = indices(i)
        for t in range(6):
            pltpu.async_copy(tables[t].at[idx[t], pl.ds(hoff, HD)],
                             bufs[slot][t], sem_g)

    def wait_gathers(i, slot):
        idx = indices(i)
        for t in range(6):
            pltpu.make_async_copy(tables[t].at[idx[t], pl.ds(hoff, HD)],
                                  bufs[slot][t], sem_g).wait()

    def out_slice(i):
        return out_hbm.at[pl.ds(base + i * C, C), pl.ds(hoff, HD)]

    def sum_and_store(i, slot):
        sb = bufs[slot]

        def jstep(j, _):
            for v in range(NVEC):
                sl = pl.ds(v * 16, 16)
                acc = ((sb[0][j, sl] + sb[1][j, sl])
                       + (sb[2][j, sl] + sb[3][j, sl])
                       + (sb[4][j, sl] + sb[5][j, sl]))
                sb[0][j, sl] = acc
            return 0

        lax.fori_loop(0, C, jstep, 0)
        pltpu.async_copy(sb[0], out_slice(i), sem_o)

    def wait_out(i, slot):
        pltpu.make_async_copy(bufs[slot][0], out_slice(i), sem_o).wait()

    fire(0, 0)

    def step2(g, _):
        for s in range(2):
            i = g * 2 + s
            ns = 1 - s

            @pl.when(i + 1 < NCHUNK)
            def _():
                @pl.when(i >= 1)
                def _():
                    wait_out(i - 1, ns)
                fire(i + 1, ns)

            wait_gathers(i, s)
            sum_and_store(i, s)
        return 0

    lax.fori_loop(0, NCHUNK // 2, step2, 0)
    wait_out(NCHUNK - 2, 0)
    wait_out(NCHUNK - 1, 1)


def _sc_run(x0s, y0s, x1s, y1s, x0_t, y0_t, x1_t, y1_t, w_t, h_t):
    mesh = plsc.VectorSubcoreMesh(
        core_axis_name="c", subcore_axis_name="s",
        num_cores=NUM_CORES, num_subcores=NUM_SUBCORES)
    buf = pltpu.VMEM((C, HD), jnp.float32)
    f = pl.kernel(
        _sc_body,
        out_type=jax.ShapeDtypeStruct((N_SC, D), jnp.float32),
        mesh=mesh,
        scratch_types=[
            pltpu.VMEM((TPW,), jnp.int32),
            pltpu.VMEM((TPW,), jnp.int32),
            pltpu.VMEM((TPW,), jnp.int32),
            pltpu.VMEM((TPW,), jnp.int32),
            buf, buf, buf, buf, buf, buf,
            buf, buf, buf, buf, buf, buf,
            pltpu.SemaphoreType.DMA,
            pltpu.SemaphoreType.DMA,
        ],
    )
    return f(x0s, y0s, x1s, y1s, x0_t, y0_t, x1_t, y1_t, w_t, h_t)


def _tc_body(x0_r, y0_r, x1_r, y1_r, t0, t1, t2, t3, t4, t5, out_r):
    iota = lax.broadcasted_iota(jnp.int32, (TB, V), 1)
    x0 = jnp.clip(x0_r[0, 0, :], 0, V - 1)
    y0 = jnp.clip(y0_r[0, 0, :], 0, V - 1)
    x1 = jnp.clip(x1_r[0, 0, :], 0, V - 1)
    y1 = jnp.clip(y1_r[0, 0, :], 0, V - 1)
    w = jnp.clip(x1 - x0, 0, V - 1)
    h = jnp.clip(y1 - y0, 0, V - 1)
    acc = jnp.zeros((TB, D), jnp.float32)
    for idx, tab in ((x0, t0), (y0, t1), (x1, t2), (y1, t3), (w, t4), (h, t5)):
        oh = (iota == idx[:, None]).astype(jnp.bfloat16)
        acc = acc + jnp.dot(oh, tab[...],
                            preferred_element_type=jnp.float32)
    out_r[...] = acc


def _tc_run(x0s, y0s, x1s, y1s, t0, t1, t2, t3, t4, t5):
    comp_spec = pl.BlockSpec((1, 1, TB), lambda g: (g, 0, 0))
    tab_spec = pl.BlockSpec((V, D), lambda g: (0, 0))
    return pl.pallas_call(
        _tc_body,
        grid=(GRID,),
        in_specs=[comp_spec] * 4 + [tab_spec] * 6,
        out_specs=pl.BlockSpec((TB, D), lambda g: (g + N_SC // TB, 0)),
        out_shape=jax.ShapeDtypeStruct((N, D), jnp.float32),
        compiler_params=pltpu.CompilerParams(
            dimension_semantics=("arbitrary",)),
    )(x0s, y0s, x1s, y1s, t0, t1, t2, t3, t4, t5)


@jax.jit
def _run(bbox, x0_embed, y0_embed, x1_embed, y1_embed, w_embed, h_embed):
    flat = bbox.reshape(N, 4)
    x0s, y0s, x1s, y1s = (flat[:, k] for k in range(4))

    cast = lambda t: t.astype(jnp.bfloat16)
    comps = [c[N_SC:].reshape(GRID, 1, TB) for c in (x0s, y0s, x1s, y1s)]
    out_tc = _tc_run(*comps,
                     cast(x0_embed), cast(y0_embed), cast(x1_embed),
                     cast(y1_embed), cast(w_embed), cast(h_embed))

    out_sc = _sc_run(x0s[:N_SC], y0s[:N_SC], x1s[:N_SC], y1s[:N_SC],
                     x0_embed, y0_embed, x1_embed, y1_embed,
                     w_embed, h_embed)

    return lax.dynamic_update_slice(out_tc, out_sc, (0, 0)).reshape(B, L, D)


def kernel(bbox, x0_embed, y0_embed, x1_embed, y1_embed, w_embed, h_embed):
    return _run(bbox, x0_embed, y0_embed, x1_embed, y1_embed,
                w_embed, h_embed)

# --- scband reference (transcript-rebuilt; emitter-appended) ---
"""Pipeline reference for scband-layout2-dposition-embedding-76605036691562 (READ-ONLY COPY).

The authoritative reference and input builder live on the scoring server;
editing this copy changes nothing except your own understanding.
"""

import jax, jax.numpy as jnp
import numpy as np

B, L, D = 16, 2048, 768
MAX_X, MAX_Y, MAX_W, MAX_H = 1024, 1024, 1024, 1024

def setup_inputs(seed: int = 0) -> dict:
    key = jax.random.key(seed)
    ks = jax.random.split(key, 7)
    bbox = jax.random.randint(ks[0], (B, L, 4), 0, 1024, dtype=jnp.int32)
    x0_embed = jax.random.normal(ks[1], (MAX_X, D), dtype=jnp.float32) * 0.02
    y0_embed = jax.random.normal(ks[2], (MAX_Y, D), dtype=jnp.float32) * 0.02
    x1_embed = jax.random.normal(ks[3], (MAX_X, D), dtype=jnp.float32) * 0.02
    y1_embed = jax.random.normal(ks[4], (MAX_Y, D), dtype=jnp.float32) * 0.02
    w_embed = jax.random.normal(ks[5], (MAX_W, D), dtype=jnp.float32) * 0.02
    h_embed = jax.random.normal(ks[6], (MAX_H, D), dtype=jnp.float32) * 0.02
    return {"bbox": bbox, "x0_embed": x0_embed, "y0_embed": y0_embed, "x1_embed": x1_embed, "y1_embed": y1_embed, "w_embed": w_embed, "h_embed": h_embed}

def reference(bbox, x0_embed, y0_embed, x1_embed, y1_embed, w_embed, h_embed):
    x0 = jnp.clip(bbox[..., 0], 0, MAX_X - 1)
    y0 = jnp.clip(bbox[..., 1], 0, MAX_Y - 1)
    x1 = jnp.clip(bbox[..., 2], 0, MAX_X - 1)
    y1 = jnp.clip(bbox[..., 3], 0, MAX_Y - 1)
    w = jnp.clip(x1 - x0, 0, MAX_W - 1)
    h = jnp.clip(y1 - y0, 0, MAX_H - 1)
    out = (jnp.take(x0_embed, x0, axis=0)
           + jnp.take(y0_embed, y0, axis=0)
           + jnp.take(x1_embed, x1, axis=0)
           + jnp.take(y1_embed, y1, axis=0)
           + jnp.take(w_embed, w, axis=0)
           + jnp.take(h_embed, h, axis=0))
    return out

if __name__ == "__main__":
    import jax
    _d = setup_inputs()
    print(jax.jit(kernel)(*tuple(_d.values())))

</pallas_src>

<mosaic_0001>
#map = affine_map<(d0, d1) -> (0)>
#map1 = affine_map<(d0, d1) -> (0, 0)>
module attributes {stable_mosaic.version = 14 : i64} {
  func.func @_sc_body(%arg0: i32, %arg1: i32, %arg2: memref<8192xi32, #tpu.memory_space<hbm>>, %arg3: memref<8192xi32, #tpu.memory_space<hbm>>, %arg4: memref<8192xi32, #tpu.memory_space<hbm>>, %arg5: memref<8192xi32, #tpu.memory_space<hbm>>, %arg6: memref<1024x768xf32, #tpu.memory_space<hbm>>, %arg7: memref<1024x768xf32, #tpu.memory_space<hbm>>, %arg8: memref<1024x768xf32, #tpu.memory_space<hbm>>, %arg9: memref<1024x768xf32, #tpu.memory_space<hbm>>, %arg10: memref<1024x768xf32, #tpu.memory_space<hbm>>, %arg11: memref<1024x768xf32, #tpu.memory_space<hbm>>, %arg12: memref<8192x768xf32, #tpu.memory_space<hbm>>, %arg13: memref<512xi32, #tpu.memory_space<vmem>>, %arg14: memref<512xi32, #tpu.memory_space<vmem>>, %arg15: memref<512xi32, #tpu.memory_space<vmem>>, %arg16: memref<512xi32, #tpu.memory_space<vmem>>, %arg17: memref<16x384xf32, #tpu.memory_space<vmem>>, %arg18: memref<16x384xf32, #tpu.memory_space<vmem>>, %arg19: memref<16x384xf32, #tpu.memory_space<vmem>>, %arg20: memref<16x384xf32, #tpu.memory_space<vmem>>, %arg21: memref<16x384xf32, #tpu.memory_space<vmem>>, %arg22: memref<16x384xf32, #tpu.memory_space<vmem>>, %arg23: memref<16x384xf32, #tpu.memory_space<vmem>>, %arg24: memref<16x384xf32, #tpu.memory_space<vmem>>, %arg25: memref<16x384xf32, #tpu.memory_space<vmem>>, %arg26: memref<16x384xf32, #tpu.memory_space<vmem>>, %arg27: memref<16x384xf32, #tpu.memory_space<vmem>>, %arg28: memref<16x384xf32, #tpu.memory_space<vmem>>, %arg29: memref<!tpu.dma_semaphore, #tpu.memory_space<semaphore_mem>>, %arg30: memref<!tpu.dma_semaphore, #tpu.memory_space<semaphore_mem>>) attributes {dimension_semantics = [#tpu.dimension_semantics<core_parallel>, #tpu.dimension_semantics<subcore_parallel>], iteration_bounds = array<i64: 2, 16>, scalar_prefetch = 0 : i64, scratch_operands = 18 : i64, tpu.core_type = #tpu.core_type<sc_vector_subcore>, window_params = [{transform_indices = #map}, {transform_indices = #map}, {transform_indices = #map}, {transform_indices = #map}, {transform_indices = #map1}, {transform_indices = #map1}, {transform_indices = #map1}, {transform_indices = #map1}, {transform_indices = #map1}, {transform_indices = #map1}, {transform_indices = #map1}]} {
    %mul3A = arith.constant 512 : i32
    %mul3A_0 = arith.muli %arg1, %mul3A : i32
    %mul3A_1 = arith.constant 384 : i32
    %mul3A_2 = arith.muli %arg0, %mul3A_1 : i32
    "tpu.region"() ({
      %run_scoped3A = tpu.sem_alloc : memref<!tpu.dma_semaphore, #tpu.memory_space<semaphore_mem>>
      %dma_start3A_51 = tpu.memref_slice %arg2[%mul3A_0] : memref<8192xi32, #tpu.memory_space<hbm>> -> memref<512xi32, #tpu.memory_space<hbm>>
      %dma_start3A_52 = tpu.memref_slice %arg2[%mul3A_0] : memref<8192xi32, #tpu.memory_space<hbm>> -> memref<512xi32, #tpu.memory_space<hbm>>
      tpu.enqueue_dma source(%dma_start3A_52 : memref<512xi32, #tpu.memory_space<hbm>>) target(%arg13 : memref<512xi32, #tpu.memory_space<vmem>>) target_semaphore(%run_scoped3A : memref<!tpu.dma_semaphore, #tpu.memory_space<semaphore_mem>>)
      %dma_wait3A_53 = tpu.memref_slice %arg2[%mul3A_0] : memref<8192xi32, #tpu.memory_space<hbm>> -> memref<512xi32, #tpu.memory_space<hbm>>
      %dma_wait3A_54 = tpu.memref_slice %arg2[%mul3A_0] : memref<8192xi32, #tpu.memory_space<hbm>> -> memref<512xi32, #tpu.memory_space<hbm>>
      tpu.wait_dma2 semaphore(%run_scoped3A : memref<!tpu.dma_semaphore, #tpu.memory_space<semaphore_mem>>) src(%dma_wait3A_54 : memref<512xi32, #tpu.memory_space<hbm>>) dst(%arg13 : memref<512xi32, #tpu.memory_space<vmem>>)
      tpu.yield
    }) : () -> ()
    "tpu.region"() ({
      %run_scoped3A = tpu.sem_alloc : memref<!tpu.dma_semaphore, #tpu.memory_space<semaphore_mem>>
      %dma_start3A_51 = tpu.memref_slice %arg3[%mul3A_0] : memref<8192xi32, #tpu.memory_space<hbm>> -> memref<512xi32, #tpu.memory_space<hbm>>
      %dma_start3A_52 = tpu.memref_slice %arg3[%mul3A_0] : memref<8192xi32, #tpu.memory_space<hbm>> -> memref<512xi32, #tpu.memory_space<hbm>>
      tpu.enqueue_dma source(%dma_start3A_52 : memref<512xi32, #tpu.memory_space<hbm>>) target(%arg14 : memref<512xi32, #tpu.memory_space<vmem>>) target_semaphore(%run_scoped3A : memref<!tpu.dma_semaphore, #tpu.memory_space<semaphore_mem>>)
      %dma_wait3A_53 = tpu.memref_slice %arg3[%mul3A_0] : memref<8192xi32, #tpu.memory_space<hbm>> -> memref<512xi32, #tpu.memory_space<hbm>>
      %dma_wait3A_54 = tpu.memref_slice %arg3[%mul3A_0] : memref<8192xi32, #tpu.memory_space<hbm>> -> memref<512xi32, #tpu.memory_space<hbm>>
      tpu.wait_dma2 semaphore(%run_scoped3A : memref<!tpu.dma_semaphore, #tpu.memory_space<semaphore_mem>>) src(%dma_wait3A_54 : memref<512xi32, #tpu.memory_space<hbm>>) dst(%arg14 : memref<512xi32, #tpu.memory_space<vmem>>)
      tpu.yield
    }) : () -> ()
    "tpu.region"() ({
      %run_scoped3A = tpu.sem_alloc : memref<!tpu.dma_semaphore, #tpu.memory_space<semaphore_mem>>
      %dma_start3A_51 = tpu.memref_slice %arg4[%mul3A_0] : memref<8192xi32, #tpu.memory_space<hbm>> -> memref<512xi32, #tpu.memory_space<hbm>>
      %dma_start3A_52 = tpu.memref_slice %arg4[%mul3A_0] : memref<8192xi32, #tpu.memory_space<hbm>> -> memref<512xi32, #tpu.memory_space<hbm>>
      tpu.enqueue_dma source(%dma_start3A_52 : memref<512xi32, #tpu.memory_space<hbm>>) target(%arg15 : memref<512xi32, #tpu.memory_space<vmem>>) target_semaphore(%run_scoped3A : memref<!tpu.dma_semaphore, #tpu.memory_space<semaphore_mem>>)
      %dma_wait3A_53 = tpu.memref_slice %arg4[%mul3A_0] : memref<8192xi32, #tpu.memory_space<hbm>> -> memref<512xi32, #tpu.memory_space<hbm>>
      %dma_wait3A_54 = tpu.memref_slice %arg4[%mul3A_0] : memref<8192xi32, #tpu.memory_space<hbm>> -> memref<512xi32, #tpu.memory_space<hbm>>
      tpu.wait_dma2 semaphore(%run_scoped3A : memref<!tpu.dma_semaphore, #tpu.memory_space<semaphore_mem>>) src(%dma_wait3A_54 : memref<512xi32, #tpu.memory_space<hbm>>) dst(%arg15 : memref<512xi32, #tpu.memory_space<vmem>>)
      tpu.yield
    }) : () -> ()
    "tpu.region"() ({
      %run_scoped3A = tpu.sem_alloc : memref<!tpu.dma_semaphore, #tpu.memory_space<semaphore_mem>>
      %dma_start3A_51 = tpu.memref_slice %arg5[%mul3A_0] : memref<8192xi32, #tpu.memory_space<hbm>> -> memref<512xi32, #tpu.memory_space<hbm>>
      %dma_start3A_52 = tpu.memref_slice %arg5[%mul3A_0] : memref<8192xi32, #tpu.memory_space<hbm>> -> memref<512xi32, #tpu.memory_space<hbm>>
      tpu.enqueue_dma source(%dma_start3A_52 : memref<512xi32, #tpu.memory_space<hbm>>) target(%arg16 : memref<512xi32, #tpu.memory_space<vmem>>) target_semaphore(%run_scoped3A : memref<!tpu.dma_semaphore, #tpu.memory_space<semaphore_mem>>)
      %dma_wait3A_53 = tpu.memref_slice %arg5[%mul3A_0] : memref<8192xi32, #tpu.memory_space<hbm>> -> memref<512xi32, #tpu.memory_space<hbm>>
      %dma_wait3A_54 = tpu.memref_slice %arg5[%mul3A_0] : memref<8192xi32, #tpu.memory_space<hbm>> -> memref<512xi32, #tpu.memory_space<hbm>>
      tpu.wait_dma2 semaphore(%run_scoped3A : memref<!tpu.dma_semaphore, #tpu.memory_space<semaphore_mem>>) src(%dma_wait3A_54 : memref<512xi32, #tpu.memory_space<hbm>>) dst(%arg16 : memref<512xi32, #tpu.memory_space<vmem>>)
      tpu.yield
    }) : () -> ()
    %get3A = arith.constant 0 : index
    %get3A_3 = tpu.vector_load %arg13[%get3A] {strides = array<i32>} : memref<512xi32, #tpu.memory_space<vmem>>, vector<16xi32>,
    %get3A_4 = vector.shape_cast %get3A_3 : vector<16xi32> to vector<16xi32>
    %get3A_5 = arith.constant 0 : index
    %get3A_6 = tpu.vector_load %arg14[%get3A_5] {strides = array<i32>} : memref<512xi32, #tpu.memory_space<vmem>>, vector<16xi32>,
    %get3A_7 = vector.shape_cast %get3A_6 : vector<16xi32> to vector<16xi32>
    %get3A_8 = arith.constant 0 : index
    %get3A_9 = tpu.vector_load %arg15[%get3A_8] {strides = array<i32>} : memref<512xi32, #tpu.memory_space<vmem>>, vector<16xi32>,
    %get3A_10 = vector.shape_cast %get3A_9 : vector<16xi32> to vector<16xi32>
    %get3A_11 = arith.constant 0 : index
    %get3A_12 = tpu.vector_load %arg16[%get3A_11] {strides = array<i32>} : memref<512xi32, #tpu.memory_space<vmem>>, vector<16xi32>,
    %get3A_13 = vector.shape_cast %get3A_12 : vector<16xi32> to vector<16xi32>
    %broadcast_in_dim3A = arith.constant 0 : i32
    %broadcast_in_dim3A_14 = vector.broadcast %broadcast_in_dim3A : i32 to vector<16xi32>
    %broadcast_in_dim3A_15 = arith.constant 1023 : i32
    %broadcast_in_dim3A_16 = vector.broadcast %broadcast_in_dim3A_15 : i32 to vector<16xi32>
    %max3A = arith.maxsi %get3A_4, %broadcast_in_dim3A_14 : vector<16xi32>
    %min3A = arith.minsi %max3A, %broadcast_in_dim3A_16 : vector<16xi32>
    %max3A_17 = arith.maxsi %get3A_7, %broadcast_in_dim3A_14 : vector<16xi32>
    %min3A_18 = arith.minsi %max3A_17, %broadcast_in_dim3A_16 : vector<16xi32>
    %max3A_19 = arith.maxsi %get3A_10, %broadcast_in_dim3A_14 : vector<16xi32>
    %min3A_20 = arith.minsi %max3A_19, %broadcast_in_dim3A_16 : vector<16xi32>
    %max3A_21 = arith.maxsi %get3A_13, %broadcast_in_dim3A_14 : vector<16xi32>
    %min3A_22 = arith.minsi %max3A_21, %broadcast_in_dim3A_16 : vector<16xi32>
    %sub3A = arith.subi %min3A_20, %min3A : vector<16xi32>
    %max3A_23 = arith.maxsi %sub3A, %broadcast_in_dim3A_14 : vector<16xi32>
    %min3A_24 = arith.minsi %max3A_23, %broadcast_in_dim3A_16 : vector<16xi32>
    %sub3A_25 = arith.subi %min3A_22, %min3A_18 : vector<16xi32>
    %max3A_26 = arith.maxsi %sub3A_25, %broadcast_in_dim3A_14 : vector<16xi32>
    %min3A_27 = arith.minsi %max3A_26, %broadcast_in_dim3A_16 : vector<16xi32>
    %dma_start3A = arith.constant 0 : i32
    %dma_start3A_28 = tpu.memref_slice %arg6[%dma_start3A, %mul3A_2] : memref<1024x768xf32, #tpu.memory_space<hbm>> -> memref<1024x384xf32, #tpu.memory_space<hbm>>
    tpu.enqueue_indirect_dma source(%dma_start3A_28 : memref<1024x384xf32, #tpu.memory_space<hbm>>) target(%arg17 : memref<16x384xf32, #tpu.memory_space<vmem>>) offsets(%min3A : vector<16xi32>) semaphore(%arg29 : memref<!tpu.dma_semaphore, #tpu.memory_space<semaphore_mem>>)
    %dma_start3A_29 = arith.constant 0 : i32
    %dma_start3A_30 = tpu.memref_slice %arg7[%dma_start3A_29, %mul3A_2] : memref<1024x768xf32, #tpu.memory_space<hbm>> -> memref<1024x384xf32, #tpu.memory_space<hbm>>
    tpu.enqueue_indirect_dma source(%dma_start3A_30 : memref<1024x384xf32, #tpu.memory_space<hbm>>) target(%arg18 : memref<16x384xf32, #tpu.memory_space<vmem>>) offsets(%min3A_18 : vector<16xi32>) semaphore(%arg29 : memref<!tpu.dma_semaphore, #tpu.memory_space<semaphore_mem>>)
    %dma_start3A_31 = arith.constant 0 : i32
    %dma_start3A_32 = tpu.memref_slice %arg8[%dma_start3A_31, %mul3A_2] : memref<1024x768xf32, #tpu.memory_space<hbm>> -> memref<1024x384xf32, #tpu.memory_space<hbm>>
    tpu.enqueue_indirect_dma source(%dma_start3A_32 : memref<1024x384xf32, #tpu.memory_space<hbm>>) target(%arg19 : memref<16x384xf32, #tpu.memory_space<vmem>>) offsets(%min3A_20 : vector<16xi32>) semaphore(%arg29 : memref<!tpu.dma_semaphore, #tpu.memory_space<semaphore_mem>>)
    %dma_start3A_33 = arith.constant 0 : i32
    %dma_start3A_34 = tpu.memref_slice %arg9[%dma_start3A_33, %mul3A_2] : memref<1024x768xf32, #tpu.memory_space<hbm>> -> memref<1024x384xf32, #tpu.memory_space<hbm>>
    tpu.enqueue_indirect_dma source(%dma_start3A_34 : memref<1024x384xf32, #tpu.memory_space<hbm>>) target(%arg20 : memref<16x384xf32, #tpu.memory_space<vmem>>) offsets(%min3A_22 : vector<16xi32>) semaphore(%arg29 : memref<!tpu.dma_semaphore, #tpu.memory_space<semaphore_mem>>)
    %dma_start3A_35 = arith.constant 0 : i32
    %dma_start3A_36 = tpu.memref_slice %arg10[%dma_start3A_35, %mul3A_2] : memref<1024x768xf32, #tpu.memory_space<hbm>> -> memref<1024x384xf32, #tpu.memory_space<hbm>>
    tpu.enqueue_indirect_dma source(%dma_start3A_36 : memref<1024x384xf32, #tpu.memory_space<hbm>>) target(%arg21 : memref<16x384xf32, #tpu.memory_space<vmem>>) offsets(%min3A_24 : vector<16xi32>) semaphore(%arg29 : memref<!tpu.dma_semaphore, #tpu.memory_space<semaphore_mem>>)
    %dma_start3A_37 = arith.constant 0 : i32
    %dma_start3A_38 = tpu.memref_slice %arg11[%dma_start3A_37, %mul3A_2] : memref<1024x768xf32, #tpu.memory_space<hbm>> -> memref<1024x384xf32, #tpu.memory_space<hbm>>
    tpu.enqueue_indirect_dma source(%dma_start3A_38 : memref<1024x384xf32, #tpu.memory_space<hbm>>) target(%arg22 : memref<16x384xf32, #tpu.memory_space<vmem>>) offsets(%min3A_27 : vector<16xi32>) semaphore(%arg29 : memref<!tpu.dma_semaphore, #tpu.memory_space<semaphore_mem>>)
    %scan3A = arith.constant 0 : i32
    %scan3A_39 = arith.constant 0 : i32
    %scan3A_40 = arith.constant 16 : i32
    %scan3A_41 = arith.addi %scan3A_39, %scan3A_40 : i32
    %scan3A_42 = arith.constant 1 : i32
    %scan3A_43 = scf.for %scan3A_51 = %scan3A_39 to %scan3A_41 step %scan3A_42 iter_args(%scan3A_52 = %scan3A) -> (i32)  : i32 {
      %mul3A_53 = arith.constant 2 : i32
      %mul3A_54 = arith.muli %scan3A_51, %mul3A_53 : i32
      %add3A_55 = arith.constant 0 : i32
      %add3A_56 = arith.addi %mul3A_54, %add3A_55 : i32
      %add3A_57 = arith.constant 1 : i32
      %add3A_58 = arith.addi %add3A_56, %add3A_57 : i32
      %lt3A = arith.constant 32 : i32
      %lt3A_59 = arith.cmpi slt, %add3A_58, %lt3A : i32
      %convert_element_type3A = arith.extui %lt3A_59 : i1 to i32
      %cond3A = arith.constant 0 : i32
      %cond3A_60 = arith.cmpi ne, %convert_element_type3A, %cond3A : i32
      scf.if %cond3A_60 {
        %ge3A = arith.constant 1 : i32
        %ge3A_185 = arith.cmpi sge, %add3A_56, %ge3A : i32
        %convert_element_type3A_186 = arith.extui %ge3A_185 : i1 to i32
        %cond3A_187 = arith.constant 0 : i32
        %cond3A_188 = arith.cmpi ne, %convert_element_type3A_186, %cond3A_187 : i32
        scf.if %cond3A_188 {
          %sub3A_235 = arith.constant 1 : i32
          %sub3A_236 = arith.subi %add3A_56, %sub3A_235 : i32
          %mul3A_237 = arith.constant 16 : i32
          %mul3A_238 = arith.muli %sub3A_236, %mul3A_237 : i32
          %add3A_239 = arith.addi %mul3A_0, %mul3A_238 : i32
          %dma_wait3A_240 = tpu.memref_slice %arg12[%add3A_239, %mul3A_2] : memref<8192x768xf32, #tpu.memory_space<hbm>> -> memref<16x384xf32, #tpu.memory_space<hbm>>
          %dma_wait3A_241 = tpu.memref_slice %arg12[%add3A_239, %mul3A_2] : memref<8192x768xf32, #tpu.memory_space<hbm>> -> memref<16x384xf32, #tpu.memory_space<hbm>>
          tpu.wait_dma2 semaphore(%arg30 : memref<!tpu.dma_semaphore, #tpu.memory_space<semaphore_mem>>) src(%arg23 : memref<16x384xf32, #tpu.memory_space<vmem>>) dst(%dma_wait3A_241 : memref<16x384xf32, #tpu.memory_space<hbm>>)
        } else {
        }
        %add3A_189 = arith.constant 1 : i32
        %add3A_190 = arith.addi %add3A_56, %add3A_189 : i32
        %mul3A_191 = arith.constant 16 : i32
        %mul3A_192 = arith.muli %add3A_190, %mul3A_191 : i32
        %get3A_193 = arith.index_cast %mul3A_192 : i32 to index
        %get3A_194 = tpu.vector_load %arg13[%get3A_193] {strides = array<i32>} : memref<512xi32, #tpu.memory_space<vmem>>, vector<16xi32>,
        %get3A_195 = vector.shape_cast %get3A_194 : vector<16xi32> to vector<16xi32>
        %get3A_196 = arith.index_cast %mul3A_192 : i32 to index
        %get3A_197 = tpu.vector_load %arg14[%get3A_196] {strides = array<i32>} : memref<512xi32, #tpu.memory_space<vmem>>, vector<16xi32>,
        %get3A_198 = vector.shape_cast %get3A_197 : vector<16xi32> to vector<16xi32>
        %get3A_199 = arith.index_cast %mul3A_192 : i32 to index
        %get3A_200 = tpu.vector_load %arg15[%get3A_199] {strides = array<i32>} : memref<512xi32, #tpu.memory_space<vmem>>, vector<16xi32>,
        %get3A_201 = vector.shape_cast %get3A_200 : vector<16xi32> to vector<16xi32>
        %get3A_202 = arith.index_cast %mul3A_192 : i32 to index
        %get3A_203 = tpu.vector_load %arg16[%get3A_202] {strides = array<i32>} : memref<512xi32, #tpu.memory_space<vmem>>, vector<16xi32>,
        %get3A_204 = vector.shape_cast %get3A_203 : vector<16xi32> to vector<16xi32>
        %broadcast_in_dim3A_205 = arith.constant 0 : i32
        %broadcast_in_dim3A_206 = vector.broadcast %broadcast_in_dim3A_205 : i32 to vector<16xi32>
        %broadcast_in_dim3A_207 = arith.constant 1023 : i32
        %broadcast_in_dim3A_208 = vector.broadcast %broadcast_in_dim3A_207 : i32 to vector<16xi32>
        %max3A_209 = arith.maxsi %get3A_195, %broadcast_in_dim3A_206 : vector<16xi32>
        %min3A_210 = arith.minsi %max3A_209, %broadcast_in_dim3A_208 : vector<16xi32>
        %max3A_211 = arith.maxsi %get3A_198, %broadcast_in_dim3A_206 : vector<16xi32>
        %min3A_212 = arith.minsi %max3A_211, %broadcast_in_dim3A_208 : vector<16xi32>
        %max3A_213 = arith.maxsi %get3A_201, %broadcast_in_dim3A_206 : vector<16xi32>
        %min3A_214 = arith.minsi %max3A_213, %broadcast_in_dim3A_208 : vector<16xi32>
        %max3A_215 = arith.maxsi %get3A_204, %broadcast_in_dim3A_206 : vector<16xi32>
        %min3A_216 = arith.minsi %max3A_215, %broadcast_in_dim3A_208 : vector<16xi32>
        %sub3A_217 = arith.subi %min3A_214, %min3A_210 : vector<16xi32>
        %max3A_218 = arith.maxsi %sub3A_217, %broadcast_in_dim3A_206 : vector<16xi32>
        %min3A_219 = arith.minsi %max3A_218, %broadcast_in_dim3A_208 : vector<16xi32>
        %sub3A_220 = arith.subi %min3A_216, %min3A_212 : vector<16xi32>
        %max3A_221 = arith.maxsi %sub3A_220, %broadcast_in_dim3A_206 : vector<16xi32>
        %min3A_222 = arith.minsi %max3A_221, %broadcast_in_dim3A_208 : vector<16xi32>
        %dma_start3A_223 = arith.constant 0 : i32
        %dma_start3A_224 = tpu.memref_slice %arg6[%dma_start3A_223, %mul3A_2] : memref<1024x768xf32, #tpu.memory_space<hbm>> -> memref<1024x384xf32, #tpu.memory_space<hbm>>
        tpu.enqueue_indirect_dma source(%dma_start3A_224 : memref<1024x384xf32, #tpu.memory_space<hbm>>) target(%arg23 : memref<16x384xf32, #tpu.memory_space<vmem>>) offsets(%min3A_210 : vector<16xi32>) semaphore(%arg29 : memref<!tpu.dma_semaphore, #tpu.memory_space<semaphore_mem>>)
        %dma_start3A_225 = arith.constant 0 : i32
        %dma_start3A_226 = tpu.memref_slice %arg7[%dma_start3A_225, %mul3A_2] : memref<1024x768xf32, #tpu.memory_space<hbm>> -> memref<1024x384xf32, #tpu.memory_space<hbm>>
        tpu.enqueue_indirect_dma source(%dma_start3A_226 : memref<1024x384xf32, #tpu.memory_space<hbm>>) target(%arg24 : memref<16x384xf32, #tpu.memory_space<vmem>>) offsets(%min3A_212 : vector<16xi32>) semaphore(%arg29 : memref<!tpu.dma_semaphore, #tpu.memory_space<semaphore_mem>>)
        %dma_start3A_227 = arith.constant 0 : i32
        %dma_start3A_228 = tpu.memref_slice %arg8[%dma_start3A_227, %mul3A_2] : memref<1024x768xf32, #tpu.memory_space<hbm>> -> memref<1024x384xf32, #tpu.memory_space<hbm>>
        tpu.enqueue_indirect_dma source(%dma_start3A_228 : memref<1024x384xf32, #tpu.memory_space<hbm>>) target(%arg25 : memref<16x384xf32, #tpu.memory_space<vmem>>) offsets(%min3A_214 : vector<16xi32>) semaphore(%arg29 : memref<!tpu.dma_semaphore, #tpu.memory_space<semaphore_mem>>)
        %dma_start3A_229 = arith.constant 0 : i32
        %dma_start3A_230 = tpu.memref_slice %arg9[%dma_start3A_229, %mul3A_2] : memref<1024x768xf32, #tpu.memory_space<hbm>> -> memref<1024x384xf32, #tpu.memory_space<hbm>>
        tpu.enqueue_indirect_dma source(%dma_start3A_230 : memref<1024x384xf32, #tpu.memory_space<hbm>>) target(%arg26 : memref<16x384xf32, #tpu.memory_space<vmem>>) offsets(%min3A_216 : vector<16xi32>) semaphore(%arg29 : memref<!tpu.dma_semaphore, #tpu.memory_space<semaphore_mem>>)
        %dma_start3A_231 = arith.constant 0 : i32
        %dma_start3A_232 = tpu.memref_slice %arg10[%dma_start3A_231, %mul3A_2] : memref<1024x768xf32, #tpu.memory_space<hbm>> -> memref<1024x384xf32, #tpu.memory_space<hbm>>
        tpu.enqueue_indirect_dma source(%dma_start3A_232 : memref<1024x384xf32, #tpu.memory_space<hbm>>) target(%arg27 : memref<16x384xf32, #tpu.memory_space<vmem>>) offsets(%min3A_219 : vector<16xi32>) semaphore(%arg29 : memref<!tpu.dma_semaphore, #tpu.memory_space<semaphore_mem>>)
        %dma_start3A_233 = arith.constant 0 : i32
        %dma_start3A_234 = tpu.memref_slice %arg11[%dma_start3A_233, %mul3A_2] : memref<1024x768xf32, #tpu.memory_space<hbm>> -> memref<1024x384xf32, #tpu.memory_space<hbm>>
        tpu.enqueue_indirect_dma source(%dma_start3A_234 : memref<1024x384xf32, #tpu.memory_space<hbm>>) target(%arg28 : memref<16x384xf32, #tpu.memory_space<vmem>>) offsets(%min3A_222 : vector<16xi32>) semaphore(%arg29 : memref<!tpu.dma_semaphore, #tpu.memory_space<semaphore_mem>>)
      } else {
      }
      %mul3A_61 = arith.constant 16 : i32
      %mul3A_62 = arith.muli %add3A_56, %mul3A_61 : i32
      %get3A_63 = arith.index_cast %mul3A_62 : i32 to index
      %get3A_64 = tpu.vector_load %arg13[%get3A_63] {strides = array<i32>} : memref<512xi32, #tpu.memory_space<vmem>>, vector<16xi32>,
      %get3A_65 = vector.shape_cast %get3A_64 : vector<16xi32> to vector<16xi32>
      %get3A_66 = arith.index_cast %mul3A_62 : i32 to index
      %get3A_67 = tpu.vector_load %arg14[%get3A_66] {strides = array<i32>} : memref<512xi32, #tpu.memory_space<vmem>>, vector<16xi32>,
      %get3A_68 = vector.shape_cast %get3A_67 : vector<16xi32> to vector<16xi32>
      %get3A_69 = arith.index_cast %mul3A_62 : i32 to index
      %get3A_70 = tpu.vector_load %arg15[%get3A_69] {strides = array<i32>} : memref<512xi32, #tpu.memory_space<vmem>>, vector<16xi32>,
      %get3A_71 = vector.shape_cast %get3A_70 : vector<16xi32> to vector<16xi32>
      %get3A_72 = arith.index_cast %mul3A_62 : i32 to index
      %get3A_73 = tpu.vector_load %arg16[%get3A_72] {strides = array<i32>} : memref<512xi32, #tpu.memory_space<vmem>>, vector<16xi32>,
      %get3A_74 = vector.shape_cast %get3A_73 : vector<16xi32> to vector<16xi32>
      %broadcast_in_dim3A_75 = arith.constant 0 : i32
      %broadcast_in_dim3A_76 = vector.broadcast %broadcast_in_dim3A_75 : i32 to vector<16xi32>
      %broadcast_in_dim3A_77 = arith.constant 1023 : i32
      %broadcast_in_dim3A_78 = vector.broadcast %broadcast_in_dim3A_77 : i32 to vector<16xi32>
      %max3A_79 = arith.maxsi %get3A_65, %broadcast_in_dim3A_76 : vector<16xi32>
      %min3A_80 = arith.minsi %max3A_79, %broadcast_in_dim3A_78 : vector<16xi32>
      %max3A_81 = arith.maxsi %get3A_68, %broadcast_in_dim3A_76 : vector<16xi32>
      %min3A_82 = arith.minsi %max3A_81, %broadcast_in_dim3A_78 : vector<16xi32>
      %max3A_83 = arith.maxsi %get3A_71, %broadcast_in_dim3A_76 : vector<16xi32>
      %min3A_84 = arith.minsi %max3A_83, %broadcast_in_dim3A_78 : vector<16xi32>
      %max3A_85 = arith.maxsi %get3A_74, %broadcast_in_dim3A_76 : vector<16xi32>
      %min3A_86 = arith.minsi %max3A_85, %broadcast_in_dim3A_78 : vector<16xi32>
      %sub3A_87 = arith.subi %min3A_84, %min3A_80 : vector<16xi32>
      %max3A_88 = arith.maxsi %sub3A_87, %broadcast_in_dim3A_76 : vector<16xi32>
      %min3A_89 = arith.minsi %max3A_88, %broadcast_in_dim3A_78 : vector<16xi32>
      %sub3A_90 = arith.subi %min3A_86, %min3A_82 : vector<16xi32>
      %max3A_91 = arith.maxsi %sub3A_90, %broadcast_in_dim3A_76 : vector<16xi32>
      %min3A_92 = arith.minsi %max3A_91, %broadcast_in_dim3A_78 : vector<16xi32>
      %dma_wait3A_93 = arith.constant 0 : i32
      %dma_wait3A_94 = tpu.memref_slice %arg6[%dma_wait3A_93, %mul3A_2] : memref<1024x768xf32, #tpu.memory_space<hbm>> -> memref<1024x384xf32, #tpu.memory_space<hbm>>
      tpu.wait_indirect_dma semaphore(%arg29 : memref<!tpu.dma_semaphore, #tpu.memory_space<semaphore_mem>>) src(%dma_wait3A_94 : memref<1024x384xf32, #tpu.memory_space<hbm>>) dst(%arg17 : memref<16x384xf32, #tpu.memory_space<vmem>>)
      %dma_wait3A_95 = arith.constant 0 : i32
      %dma_wait3A_96 = tpu.memref_slice %arg7[%dma_wait3A_95, %mul3A_2] : memref<1024x768xf32, #tpu.memory_space<hbm>> -> memref<1024x384xf32, #tpu.memory_space<hbm>>
      tpu.wait_indirect_dma semaphore(%arg29 : memref<!tpu.dma_semaphore, #tpu.memory_space<semaphore_mem>>) src(%dma_wait3A_96 : memref<1024x384xf32, #tpu.memory_space<hbm>>) dst(%arg18 : memref<16x384xf32, #tpu.memory_space<vmem>>)
      %dma_wait3A_97 = arith.constant 0 : i32
      %dma_wait3A_98 = tpu.memref_slice %arg8[%dma_wait3A_97, %mul3A_2] : memref<1024x768xf32, #tpu.memory_space<hbm>> -> memref<1024x384xf32, #tpu.memory_space<hbm>>
      tpu.wait_indirect_dma semaphore(%arg29 : memref<!tpu.dma_semaphore, #tpu.memory_space<semaphore_mem>>) src(%dma_wait3A_98 : memref<1024x384xf32, #tpu.memory_space<hbm>>) dst(%arg19 : memref<16x384xf32, #tpu.memory_space<vmem>>)
      %dma_wait3A_99 = arith.constant 0 : i32
      %dma_wait3A_100 = tpu.memref_slice %arg9[%dma_wait3A_99, %mul3A_2] : memref<1024x768xf32, #tpu.memory_space<hbm>> -> memref<1024x384xf32, #tpu.memory_space<hbm>>
      tpu.wait_indirect_dma semaphore(%arg29 : memref<!tpu.dma_semaphore, #tpu.memory_space<semaphore_mem>>) src(%dma_wait3A_100 : memref<1024x384xf32, #tpu.memory_space<hbm>>) dst(%arg20 : memref<16x384xf32, #tpu.memory_space<vmem>>)
      %dma_wait3A_101 = arith.constant 0 : i32
      %dma_wait3A_102 = tpu.memref_slice %arg10[%dma_wait3A_101, %mul3A_2] : memref<1024x768xf32, #tpu.memory_space<hbm>> -> memref<1024x384xf32, #tpu.memory_space<hbm>>
      tpu.wait_indirect_dma semaphore(%arg29 : memref<!tpu.dma_semaphore, #tpu.memory_space<semaphore_mem>>) src(%dma_wait3A_102 : memref<1024x384xf32, #tpu.memory_space<hbm>>) dst(%arg21 : memref<16x384xf32, #tpu.memory_space<vmem>>)
      %dma_wait3A_103 = arith.constant 0 : i32
      %dma_wait3A_104 = tpu.memref_slice %arg11[%dma_wait3A_103, %mul3A_2] : memref<1024x768xf32, #tpu.memory_space<hbm>> -> memref<1024x384xf32, #tpu.memory_space<hbm>>
      tpu.wait_indirect_dma semaphore(%arg29 : memref<!tpu.dma_semaphore, #tpu.memory_space<semaphore_mem>>) src(%dma_wait3A_104 : memref<1024x384xf32, #tpu.memory_space<hbm>>) dst(%arg22 : memref<16x384xf32, #tpu.memory_space<vmem>>)
      %scan3A_105 = arith.constant 0 : i32
      %scan3A_106 = arith.constant 0 : i32
      %scan3A_107 = arith.constant 16 : i32
      %scan3A_108 = arith.addi %scan3A_106, %scan3A_107 : i32
      %scan3A_109 = arith.constant 1 : i32
      %scan3A_110 = scf.for %scan3A_185 = %scan3A_106 to %scan3A_108 step %scan3A_109 iter_args(%scan3A_186 = %scan3A_105) -> (i32)  : i32 {
        %get3A_187 = arith.index_cast %scan3A_185 : i32 to index
        %get3A_188 = arith.constant 0 : index
        %get3A_189 = tpu.vector_load %arg17[%get3A_187, %get3A_188] {strides = array<i32>} : memref<16x384xf32, #tpu.memory_space<vmem>>, vector<1x16xf32>,
        %get3A_190 = vector.shape_cast %get3A_189 : vector<1x16xf32> to vector<16xf32>
        %get3A_191 = arith.index_cast %scan3A_185 : i32 to index
        %get3A_192 = arith.constant 0 : index
        %get3A_193 = tpu.vector_load %arg18[%get3A_191, %get3A_192] {strides = array<i32>} : memref<16x384xf32, #tpu.memory_space<vmem>>, vector<1x16xf32>,
        %get3A_194 = vector.shape_cast %get3A_193 : vector<1x16xf32> to vector<16xf32>
        %add3A_195 = arith.addf %get3A_190, %get3A_194 : vector<16xf32>
        %get3A_196 = arith.index_cast %scan3A_185 : i32 to index
        %get3A_197 = arith.constant 0 : index
        %get3A_198 = tpu.vector_load %arg19[%get3A_196, %get3A_197] {strides = array<i32>} : memref<16x384xf32, #tpu.memory_space<vmem>>, vector<1x16xf32>,
        %get3A_199 = vector.shape_cast %get3A_198 : vector<1x16xf32> to vector<16xf32>
        %get3A_200 = arith.index_cast %scan3A_185 : i32 to index
        %get3A_201 = arith.constant 0 : index
        %get3A_202 = tpu.vector_load %arg20[%get3A_200, %get3A_201] {strides = array<i32>} : memref<16x384xf32, #tpu.memory_space<vmem>>, vector<1x16xf32>,
        %get3A_203 = vector.shape_cast %get3A_202 : vector<1x16xf32> to vector<16xf32>
        %add3A_204 = arith.addf %get3A_199, %get3A_203 : vector<16xf32>
        %add3A_205 = arith.addf %add3A_195, %add3A_204 : vector<16xf32>
        %get3A_206 = arith.index_cast %scan3A_185 : i32 to index
        %get3A_207 = arith.constant 0 : index
        %get3A_208 = tpu.vector_load %arg21[%get3A_206, %get3A_207] {strides = array<i32>} : memref<16x384xf32, #tpu.memory_space<vmem>>, vector<1x16xf32>,
        %get3A_209 = vector.shape_cast %get3A_208 : vector<1x16xf32> to vector<16xf32>
        %get3A_210 = arith.index_cast %scan3A_185 : i32 to index
        %get3A_211 = arith.constant 0 : index
        %get3A_212 = tpu.vector_load %arg22[%get3A_210, %get3A_211] {strides = array<i32>} : memref<16x384xf32, #tpu.memory_space<vmem>>, vector<1x16xf32>,
        %get3A_213 = vector.shape_cast %get3A_212 : vector<1x16xf32> to vector<16xf32>
        %add3A_214 = arith.addf %get3A_209, %get3A_213 : vector<16xf32>
        %add3A_215 = arith.addf %add3A_205, %add3A_214 : vector<16xf32>
        %swap3A = arith.index_cast %scan3A_185 : i32 to index
        %swap3A_216 = arith.constant 0 : index
        %swap3A_217 = tpu.vector_load %arg17[%swap3A, %swap3A_216] {strides = array<i32>} : memref<16x384xf32, #tpu.memory_space<vmem>>, vector<1x16xf32>,
        %swap3A_218 = vector.shape_cast %swap3A_217 : vector<1x16xf32> to vector<16xf32>
        %swap3A_219 = vector.shape_cast %add3A_215 : vector<16xf32> to vector<1x16xf32>
        tpu.vector_store %arg17[%swap3A, %swap3A_216], %swap3A_219 {strides = array<i32>} : memref<16x384xf32, #tpu.memory_space<vmem>>, vector<1x16xf32>,
        %get3A_220 = arith.index_cast %scan3A_185 : i32 to index
        %get3A_221 = arith.constant 16 : index
        %get3A_222 = tpu.vector_load %arg17[%get3A_220, %get3A_221] {strides = array<i32>} : memref<16x384xf32, #tpu.memory_space<vmem>>, vector<1x16xf32>,
        %get3A_223 = vector.shape_cast %get3A_222 : vector<1x16xf32> to vector<16xf32>
        %get3A_224 = arith.index_cast %scan3A_185 : i32 to index
        %get3A_225 = arith.constant 16 : index
        %get3A_226 = tpu.vector_load %arg18[%get3A_224, %get3A_225] {strides = array<i32>} : memref<16x384xf32, #tpu.memory_space<vmem>>, vector<1x16xf32>,
        %get3A_227 = vector.shape_cast %get3A_226 : vector<1x16xf32> to vector<16xf32>
        %add3A_228 = arith.addf %get3A_223, %get3A_227 : vector<16xf32>
        %get3A_229 = arith.index_cast %scan3A_185 : i32 to index
        %get3A_230 = arith.constant 16 : index
        %get3A_231 = tpu.vector_load %arg19[%get3A_229, %get3A_230] {strides = array<i32>} : memref<16x384xf32, #tpu.memory_space<vmem>>, vector<1x16xf32>,
        %get3A_232 = vector.shape_cast %get3A_231 : vector<1x16xf32> to vector<16xf32>
        %get3A_233 = arith.index_cast %scan3A_185 : i32 to index
        %get3A_234 = arith.constant 16 : index
        %get3A_235 = tpu.vector_load %arg20[%get3A_233, %get3A_234] {strides = array<i32>} : memref<16x384xf32, #tpu.memory_space<vmem>>, vector<1x16xf32>,
        %get3A_236 = vector.shape_cast %get3A_235 : vector<1x16xf32> to vector<16xf32>
        %add3A_237 = arith.addf %get3A_232, %get3A_236 : vector<16xf32>
        %add3A_238 = arith.addf %add3A_228, %add3A_237 : vector<16xf32>
        %get3A_239 = arith.index_cast %scan3A_185 : i32 to index
        %get3A_240 = arith.constant 16 : index
        %get3A_241 = tpu.vector_load %arg21[%get3A_239, %get3A_240] {strides = array<i32>} : memref<16x384xf32, #tpu.memory_space<vmem>>, vector<1x16xf32>,
        %get3A_242 = vector.shape_cast %get3A_241 : vector<1x16xf32> to vector<16xf32>
        %get3A_243 = arith.index_cast %scan3A_185 : i32 to index
        %get3A_244 = arith.constant 16 : index
        %get3A_245 = tpu.vector_load %arg22[%get3A_243, %get3A_244] {strides = array<i32>} : memref<16x384xf32, #tpu.memory_space<vmem>>, vector<1x16xf32>,
        %get3A_246 = vector.shape_cast %get3A_245 : vector<1x16xf32> to vector<16xf32>
        %add3A_247 = arith.addf %get3A_242, %get3A_246 : vector<16xf32>
        %add3A_248 = arith.addf %add3A_238, %add3A_247 : vector<16xf32>
        %swap3A_249 = arith.index_cast %scan3A_185 : i32 to index
        %swap3A_250 = arith.constant 16 : index
        %swap3A_251 = tpu.vector_load %arg17[%swap3A_249, %swap3A_250] {strides = array<i32>} : memref<16x384xf32, #tpu.memory_space<vmem>>, vector<1x16xf32>,
        %swap3A_252 = vector.shape_cast %swap3A_251 : vector<1x16xf32> to vector<16xf32>
        %swap3A_253 = vector.shape_cast %add3A_248 : vector<16xf32> to vector<1x16xf32>
        tpu.vector_store %arg17[%swap3A_249, %swap3A_250], %swap3A_253 {strides = array<i32>} : memref<16x384xf32, #tpu.memory_space<vmem>>, vector<1x16xf32>,
        %get3A_254 = arith.index_cast %scan3A_185 : i32 to index
        %get3A_255 = arith.constant 32 : index
        %get3A_256 = tpu.vector_load %arg17[%get3A_254, %get3A_255] {strides = array<i32>} : memref<16x384xf32, #tpu.memory_space<vmem>>, vector<1x16xf32>,
        %get3A_257 = vector.shape_cast %get3A_256 : vector<1x16xf32> to vector<16xf32>
        %get3A_258 = arith.index_cast %scan3A_185 : i32 to index
        %get3A_259 = arith.constant 32 : index
        %get3A_260 = tpu.vector_load %arg18[%get3A_258, %get3A_259] {strides = array<i32>} : memref<16x384xf32, #tpu.memory_space<vmem>>, vector<1x16xf32>,
        %get3A_261 = vector.shape_cast %get3A_260 : vector<1x16xf32> to vector<16xf32>
        %add3A_262 = arith.addf %get3A_257, %get3A_261 : vector<16xf32>
        %get3A_263 = arith.index_cast %scan3A_185 : i32 to index
        %get3A_264 = arith.constant 32 : index
        %get3A_265 = tpu.vector_load %arg19[%get3A_263, %get3A_264] {strides = array<i32>} : memref<16x384xf32, #tpu.memory_space<vmem>>, vector<1x16xf32>,
        %get3A_266 = vector.shape_cast %get3A_265 : vector<1x16xf32> to vector<16xf32>
        %get3A_267 = arith.index_cast %scan3A_185 : i32 to index
        %get3A_268 = arith.constant 32 : index
        %get3A_269 = tpu.vector_load %arg20[%get3A_267, %get3A_268] {strides = array<i32>} : memref<16x384xf32, #tpu.memory_space<vmem>>, vector<1x16xf32>,
        %get3A_270 = vector.shape_cast %get3A_269 : vector<1x16xf32> to vector<16xf32>
        %add3A_271 = arith.addf %get3A_266, %get3A_270 : vector<16xf32>
        %add3A_272 = arith.addf %add3A_262, %add3A_271 : vector<16xf32>
        %get3A_273 = arith.index_cast %scan3A_185 : i32 to index
        %get3A_274 = arith.constant 32 : index
        %get3A_275 = tpu.vector_load %arg21[%get3A_273, %get3A_274] {strides = array<i32>} : memref<16x384xf32, #tpu.memory_space<vmem>>, vector<1x16xf32>,
        %get3A_276 = vector.shape_cast %get3A_275 : vector<1x16xf32> to vector<16xf32>
        %get3A_277 = arith.index_cast %scan3A_185 : i32 to index
        %get3A_278 = arith.constant 32 : index
        %get3A_279 = tpu.vector_load %arg22[%get3A_277, %get3A_278] {strides = array<i32>} : memref<16x384xf32, #tpu.memory_space<vmem>>, vector<1x16xf32>,
        %get3A_280 = vector.shape_cast %get3A_279 : vector<1x16xf32> to vector<16xf32>
        %add3A_281 = arith.addf %get3A_276, %get3A_280 : vector<16xf32>
        %add3A_282 = arith.addf %add3A_272, %add3A_281 : vector<16xf32>
        %swap3A_283 = arith.index_cast %scan3A_185 : i32 to index
        %swap3A_284 = arith.constant 32 : index
        %swap3A_285 = tpu.vector_load %arg17[%swap3A_283, %swap3A_284] {strides = array<i32>} : memref<16x384xf32, #tpu.memory_space<vmem>>, vector<1x16xf32>,
        %swap3A_286 = vector.shape_cast %swap3A_285 : vector<1x16xf32> to vector<16xf32>
        %swap3A_287 = vector.shape_cast %add3A_282 : vector<16xf32> to vector<1x16xf32>
        tpu.vector_store %arg17[%swap3A_283, %swap3A_284], %swap3A_287 {strides = array<i32>} : memref<16x384xf32, #tpu.memory_space<vmem>>, vector<1x16xf32>,
        %get3A_288 = arith.index_cast %scan3A_185 : i32 to index
        %get3A_289 = arith.constant 48 : index
        %get3A_290 = tpu.vector_load %arg17[%get3A_288, %get3A_289] {strides = array<i32>} : memref<16x384xf32, #tpu.memory_space<vmem>>, vector<1x16xf32>,
        %get3A_291 = vector.shape_cast %get3A_290 : vector<1x16xf32> to vector<16xf32>
        %get3A_292 = arith.index_cast %scan3A_185 : i32 to index
        %get3A_293 = arith.constant 48 : index
        %get3A_294 = tpu.vector_load %arg18[%get3A_292, %get3A_293] {strides = array<i32>} : memref<16x384xf32, #tpu.memory_space<vmem>>, vector<1x16xf32>,
        %get3A_295 = vector.shape_cast %get3A_294 : vector<1x16xf32> to vector<16xf32>
        %add3A_296 = arith.addf %get3A_291, %get3A_295 : vector<16xf32>
        %get3A_297 = arith.index_cast %scan3A_185 : i32 to index
        %get3A_298 = arith.constant 48 : index
        %get3A_299 = tpu.vector_load %arg19[%get3A_297, %get3A_298] {strides = array<i32>} : memref<16x384xf32, #tpu.memory_space<vmem>>, vector<1x16xf32>,
        %get3A_300 = vector.shape_cast %get3A_299 : vector<1x16xf32> to vector<16xf32>
        %get3A_301 = arith.index_cast %scan3A_185 : i32 to index
        %get3A_302 = arith.constant 48 : index
        %get3A_303 = tpu.vector_load %arg20[%get3A_301, %get3A_302] {strides = array<i32>} : memref<16x384xf32, #tpu.memory_space<vmem>>, vector<1x16xf32>,
        %get3A_304 = vector.shape_cast %get3A_303 : vector<1x16xf32> to vector<16xf32>
        %add3A_305 = arith.addf %get3A_300, %get3A_304 : vector<16xf32>
        %add3A_306 = arith.addf %add3A_296, %add3A_305 : vector<16xf32>
        %get3A_307 = arith.index_cast %scan3A_185 : i32 to index
        %get3A_308 = arith.constant 48 : index
        %get3A_309 = tpu.vector_load %arg21[%get3A_307, %get3A_308] {strides = array<i32>} : memref<16x384xf32, #tpu.memory_space<vmem>>, vector<1x16xf32>,
        %get3A_310 = vector.shape_cast %get3A_309 : vector<1x16xf32> to vector<16xf32>
        %get3A_311 = arith.index_cast %scan3A_185 : i32 to index
        %get3A_312 = arith.constant 48 : index
        %get3A_313 = tpu.vector_load %arg22[%get3A_311, %get3A_312] {strides = array<i32>} : memref<16x384xf32, #tpu.memory_space<vmem>>, vector<1x16xf32>,
        %get3A_314 = vector.shape_cast %get3A_313 : vector<1x16xf32> to vector<16xf32>
        %add3A_315 = arith.addf %get3A_310, %get3A_314 : vector<16xf32>
        %add3A_316 = arith.addf %add3A_306, %add3A_315 : vector<16xf32>
        %swap3A_317 = arith.index_cast %scan3A_185 : i32 to index
        %swap3A_318 = arith.constant 48 : index
        %swap3A_319 = tpu.vector_load %arg17[%swap3A_317, %swap3A_318] {strides = array<i32>} : memref<16x384xf32, #tpu.memory_space<vmem>>, vector<1x16xf32>,
        %swap3A_320 = vector.shape_cast %swap3A_319 : vector<1x16xf32> to vector<16xf32>
        %swap3A_321 = vector.shape_cast %add3A_316 : vector<16xf32> to vector<1x16xf32>
        tpu.vector_store %arg17[%swap3A_317, %swap3A_318], %swap3A_321 {strides = array<i32>} : memref<16x384xf32, #tpu.memory_space<vmem>>, vector<1x16xf32>,
        %get3A_322 = arith.index_cast %scan3A_185 : i32 to index
        %get3A_323 = arith.constant 64 : index
        %get3A_324 = tpu.vector_load %arg17[%get3A_322, %get3A_323] {strides = array<i32>} : memref<16x384xf32, #tpu.memory_space<vmem>>, vector<1x16xf32>,
        %get3A_325 = vector.shape_cast %get3A_324 : vector<1x16xf32> to vector<16xf32>
        %get3A_326 = arith.index_cast %scan3A_185 : i32 to index
        %get3A_327 = arith.constant 64 : index
        %get3A_328 = tpu.vector_load %arg18[%get3A_326, %get3A_327] {strides = array<i32>} : memref<16x384xf32, #tpu.memory_space<vmem>>, vector<1x16xf32>,
        %get3A_329 = vector.shape_cast %get3A_328 : vector<1x16xf32> to vector<16xf32>
        %add3A_330 = arith.addf %get3A_325, %get3A_329 : vector<16xf32>
        %get3A_331 = arith.index_cast %scan3A_185 : i32 to index
        %get3A_332 = arith.constant 64 : index
        %get3A_333 = tpu.vector_load %arg19[%get3A_331, %get3A_332] {strides = array<i32>} : memref<16x384xf32, #tpu.memory_space<vmem>>, vector<1x16xf32>,
        %get3A_334 = vector.shape_cast %get3A_333 : vector<1x16xf32> to vector<16xf32>
        %get3A_335 = arith.index_cast %scan3A_185 : i32 to index
        %get3A_336 = arith.constant 64 : index
        %get3A_337 = tpu.vector_load %arg20[%get3A_335, %get3A_336] {strides = array<i32>} : memref<16x384xf32, #tpu.memory_space<vmem>>, vector<1x16xf32>,
        %get3A_338 = vector.shape_cast %get3A_337 : vector<1x16xf32> to vector<16xf32>
        %add3A_339 = arith.addf %get3A_334, %get3A_338 : vector<16xf32>
        %add3A_340 = arith.addf %add3A_330, %add3A_339 : vector<16xf32>
        %get3A_341 = arith.index_cast %scan3A_185 : i32 to index
        %get3A_342 = arith.constant 64 : index
        %get3A_343 = tpu.vector_load %arg21[%get3A_341, %get3A_342] {strides = array<i32>} : memref<16x384xf32, #tpu.memory_space<vmem>>, vector<1x16xf32>,
        %get3A_344 = vector.shape_cast %get3A_343 : vector<1x16xf32> to vector<16xf32>
        %get3A_345 = arith.index_cast %scan3A_185 : i32 to index
        %get3A_346 = arith.constant 64 : index
        %get3A_347 = tpu.vector_load %arg22[%get3A_345, %get3A_346] {strides = array<i32>} : memref<16x384xf32, #tpu.memory_space<vmem>>, vector<1x16xf32>,
        %get3A_348 = vector.shape_cast %get3A_347 : vector<1x16xf32> to vector<16xf32>
        %add3A_349 = arith.addf %get3A_344, %get3A_348 : vector<16xf32>
        %add3A_350 = arith.addf %add3A_340, %add3A_349 : vector<16xf32>
        %swap3A_351 = arith.index_cast %scan3A_185 : i32 to index
        %swap3A_352 = arith.constant 64 : index
        %swap3A_353 = tpu.vector_load %arg17[%swap3A_351, %swap3A_352] {strides = array<i32>} : memref<16x384xf32, #tpu.memory_space<vmem>>, vector<1x16xf32>,
        %swap3A_354 = vector.shape_cast %swap3A_353 : vector<1x16xf32> to vector<16xf32>
        %swap3A_355 = vector.shape_cast %add3A_350 : vector<16xf32> to vector<1x16xf32>
        tpu.vector_store %arg17[%swap3A_351, %swap3A_352], %swap3A_355 {strides = array<i32>} : memref<16x384xf32, #tpu.memory_space<vmem>>, vector<1x16xf32>,
        %get3A_356 = arith.index_cast %scan3A_185 : i32 to index
        %get3A_357 = arith.constant 80 : index
        %get3A_358 = tpu.vector_load %arg17[%get3A_356, %get3A_357] {strides = array<i32>} : memref<16x384xf32, #tpu.memory_space<vmem>>, vector<1x16xf32>,
        %get3A_359 = vector.shape_cast %get3A_358 : vector<1x16xf32> to vector<16xf32>
        %get3A_360 = arith.index_cast %scan3A_185 : i32 to index
        %get3A_361 = arith.constant 80 : index
        %get3A_362 = tpu.vector_load %arg18[%get3A_360, %get3A_361] {strides = array<i32>} : memref<16x384xf32, #tpu.memory_space<vmem>>, vector<1x16xf32>,
        %get3A_363 = vector.shape_cast %get3A_362 : vector<1x16xf32> to vector<16xf32>
        %add3A_364 = arith.addf %get3A_359, %get3A_363 : vector<16xf32>
        %get3A_365 = arith.index_cast %scan3A_185 : i32 to index
        %get3A_366 = arith.constant 80 : index
        %get3A_367 = tpu.vector_load %arg19[%get3A_365, %get3A_366] {strides = array<i32>} : memref<16x384xf32, #tpu.memory_space<vmem>>, vector<1x16xf32>,
        %get3A_368 = vector.shape_cast %get3A_367 : vector<1x16xf32> to vector<16xf32>
        %get3A_369 = arith.index_cast %scan3A_185 : i32 to index
        %get3A_370 = arith.constant 80 : index
        %get3A_371 = tpu.vector_load %arg20[%get3A_369, %get3A_370] {strides = array<i32>} : memref<16x384xf32, #tpu.memory_space<vmem>>, vector<1x16xf32>,
        %get3A_372 = vector.shape_cast %get3A_371 : vector<1x16xf32> to vector<16xf32>
        %add3A_373 = arith.addf %get3A_368, %get3A_372 : vector<16xf32>
        %add3A_374 = arith.addf %add3A_364, %add3A_373 : vector<16xf32>
        %get3A_375 = arith.index_cast %scan3A_185 : i32 to index
        %get3A_376 = arith.constant 80 : index
        %get3A_377 = tpu.vector_load %arg21[%get3A_375, %get3A_376] {strides = array<i32>} : memref<16x384xf32, #tpu.memory_space<vmem>>, vector<1x16xf32>,
        %get3A_378 = vector.shape_cast %get3A_377 : vector<1x16xf32> to vector<16xf32>
        %get3A_379 = arith.index_cast %scan3A_185 : i32 to index
        %get3A_380 = arith.constant 80 : index
        %get3A_381 = tpu.vector_load %arg22[%get3A_379, %get3A_380] {strides = array<i32>} : memref<16x384xf32, #tpu.memory_space<vmem>>, vector<1x16xf32>,
        %get3A_382 = vector.shape_cast %get3A_381 : vector<1x16xf32> to vector<16xf32>
        %add3A_383 = arith.addf %get3A_378, %get3A_382 : vector<16xf32>
        %add3A_384 = arith.addf %add3A_374, %add3A_383 : vector<16xf32>
        %swap3A_385 = arith.index_cast %scan3A_185 : i32 to index
        %swap3A_386 = arith.constant 80 : index
        %swap3A_387 = tpu.vector_load %arg17[%swap3A_385, %swap3A_386] {strides = array<i32>} : memref<16x384xf32, #tpu.memory_space<vmem>>, vector<1x16xf32>,
        %swap3A_388 = vector.shape_cast %swap3A_387 : vector<1x16xf32> to vector<16xf32>
        %swap3A_389 = vector.shape_cast %add3A_384 : vector<16xf32> to vector<1x16xf32>
        tpu.vector_store %arg17[%swap3A_385, %swap3A_386], %swap3A_389 {strides = array<i32>} : memref<16x384xf32, #tpu.memory_space<vmem>>, vector<1x16xf32>,
        %get3A_390 = arith.index_cast %scan3A_185 : i32 to index
        %get3A_391 = arith.constant 96 : index
        %get3A_392 = tpu.vector_load %arg17[%get3A_390, %get3A_391] {strides = array<i32>} : memref<16x384xf32, #tpu.memory_space<vmem>>, vector<1x16xf32>,
        %get3A_393 = vector.shape_cast %get3A_392 : vector<1x16xf32> to vector<16xf32>
        %get3A_394 = arith.index_cast %scan3A_185 : i32 to index
        %get3A_395 = arith.constant 96 : index
        %get3A_396 = tpu.vector_load %arg18[%get3A_394, %get3A_395] {strides = array<i32>} : memref<16x384xf32, #tpu.memory_space<vmem>>, vector<1x16xf32>,
        %get3A_397 = vector.shape_cast %get3A_396 : vector<1x16xf32> to vector<16xf32>
        %add3A_398 = arith.addf %get3A_393, %get3A_397 : vector<16xf32>
        %get3A_399 = arith.index_cast %scan3A_185 : i32 to index
        %get3A_400 = arith.constant 96 : index
        %get3A_401 = tpu.vector_load %arg19[%get3A_399, %get3A_400] {strides = array<i32>} : memref<16x384xf32, #tpu.memory_space<vmem>>, vector<1x16xf32>,
        %get3A_402 = vector.shape_cast %get3A_401 : vector<1x16xf32> to vector<16xf32>
        %get3A_403 = arith.index_cast %scan3A_185 : i32 to index
        %get3A_404 = arith.constant 96 : index
        %get3A_405 = tpu.vector_load %arg20[%get3A_403, %get3A_404] {strides = array<i32>} : memref<16x384xf32, #tpu.memory_space<vmem>>, vector<1x16xf32>,
        %get3A_406 = vector.shape_cast %get3A_405 : vector<1x16xf32> to vector<16xf32>
        %add3A_407 = arith.addf %get3A_402, %get3A_406 : vector<16xf32>
        %add3A_408 = arith.addf %add3A_398, %add3A_407 : vector<16xf32>
        %get3A_409 = arith.index_cast %scan3A_185 : i32 to index
        %get3A_410 = arith.constant 96 : index
        %get3A_411 = tpu.vector_load %arg21[%get3A_409, %get3A_410] {strides = array<i32>} : memref<16x384xf32, #tpu.memory_space<vmem>>, vector<1x16xf32>,
        %get3A_412 = vector.shape_cast %get3A_411 : vector<1x16xf32> to vector<16xf32>
        %get3A_413 = arith.index_cast %scan3A_185 : i32 to index
        %get3A_414 = arith.constant 96 : index
        %get3A_415 = tpu.vector_load %arg22[%get3A_413, %get3A_414] {strides = array<i32>} : memref<16x384xf32, #tpu.memory_space<vmem>>, vector<1x16xf32>,
        %get3A_416 = vector.shape_cast %get3A_415 : vector<1x16xf32> to vector<16xf32>
        %add3A_417 = arith.addf %get3A_412, %get3A_416 : vector<16xf32>
        %add3A_418 = arith.addf %add3A_408, %add3A_417 : vector<16xf32>
        %swap3A_419 = arith.index_cast %scan3A_185 : i32 to index
        %swap3A_420 = arith.constant 96 : index
        %swap3A_421 = tpu.vector_load %arg17[%swap3A_419, %swap3A_420] {strides = array<i32>} : memref<16x384xf32, #tpu.memory_space<vmem>>, vector<1x16xf32>,
        %swap3A_422 = vector.shape_cast %swap3A_421 : vector<1x16xf32> to vector<16xf32>
        %swap3A_423 = vector.shape_cast %add3A_418 : vector<16xf32> to vector<1x16xf32>
        tpu.vector_store %arg17[%swap3A_419, %swap3A_420], %swap3A_423 {strides = array<i32>} : memref<16x384xf32, #tpu.memory_space<vmem>>, vector<1x16xf32>,
        %get3A_424 = arith.index_cast %scan3A_185 : i32 to index
        %get3A_425 = arith.constant 112 : index
        %get3A_426 = tpu.vector_load %arg17[%get3A_424, %get3A_425] {strides = array<i32>} : memref<16x384xf32, #tpu.memory_space<vmem>>, vector<1x16xf32>,
        %get3A_427 = vector.shape_cast %get3A_426 : vector<1x16xf32> to vector<16xf32>
        %get3A_428 = arith.index_cast %scan3A_185 : i32 to index
        %get3A_429 = arith.constant 112 : index
        %get3A_430 = tpu.vector_load %arg18[%get3A_428, %get3A_429] {strides = array<i32>} : memref<16x384xf32, #tpu.memory_space<vmem>>, vector<1x16xf32>,
        %get3A_431 = vector.shape_cast %get3A_430 : vector<1x16xf32> to vector<16xf32>
        %add3A_432 = arith.addf %get3A_427, %get3A_431 : vector<16xf32>
        %get3A_433 = arith.index_cast %scan3A_185 : i32 to index
        %get3A_434 = arith.constant 112 : index
        %get3A_435 = tpu.vector_load %arg19[%get3A_433, %get3A_434] {strides = array<i32>} : memref<16x384xf32, #tpu.memory_space<vmem>>, vector<1x16xf32>,
        %get3A_436 = vector.shape_cast %get3A_435 : vector<1x16xf32> to vector<16xf32>
        %get3A_437 = arith.index_cast %scan3A_185 : i32 to index
        %get3A_438 = arith.constant 112 : index
        %get3A_439 = tpu.vector_load %arg20[%get3A_437, %get3A_438] {strides = array<i32>} : memref<16x384xf32, #tpu.memory_space<vmem>>, vector<1x16xf32>,
        %get3A_440 = vector.shape_cast %get3A_439 : vector<1x16xf32> to vector<16xf32>
        %add3A_441 = arith.addf %get3A_436, %get3A_440 : vector<16xf32>
        %add3A_442 = arith.addf %add3A_432, %add3A_441 : vector<16xf32>
        %get3A_443 = arith.index_cast %scan3A_185 : i32 to index
        %get3A_444 = arith.constant 112 : index
        %get3A_445 = tpu.vector_load %arg21[%get3A_443, %get3A_444] {strides = array<i32>} : memref<16x384xf32, #tpu.memory_space<vmem>>, vector<1x16xf32>,
        %get3A_446 = vector.shape_cast %get3A_445 : vector<1x16xf32> to vector<16xf32>
        %get3A_447 = arith.index_cast %scan3A_185 : i32 to index
        %get3A_448 = arith.constant 112 : index
        %get3A_449 = tpu.vector_load %arg22[%get3A_447, %get3A_448] {strides = array<i32>} : memref<16x384xf32, #tpu.memory_space<vmem>>, vector<1x16xf32>,
        %get3A_450 = vector.shape_cast %get3A_449 : vector<1x16xf32> to vector<16xf32>
        %add3A_451 = arith.addf %get3A_446, %get3A_450 : vector<16xf32>
        %add3A_452 = arith.addf %add3A_442, %add3A_451 : vector<16xf32>
        %swap3A_453 = arith.index_cast %scan3A_185 : i32 to index
        %swap3A_454 = arith.constant 112 : index
        %swap3A_455 = tpu.vector_load %arg17[%swap3A_453, %swap3A_454] {strides = array<i32>} : memref<16x384xf32, #tpu.memory_space<vmem>>, vector<1x16xf32>,
        %swap3A_456 = vector.shape_cast %swap3A_455 : vector<1x16xf32> to vector<16xf32>
        %swap3A_457 = vector.shape_cast %add3A_452 : vector<16xf32> to vector<1x16xf32>
        tpu.vector_store %arg17[%swap3A_453, %swap3A_454], %swap3A_457 {strides = array<i32>} : memref<16x384xf32, #tpu.memory_space<vmem>>, vector<1x16xf32>,
        %get3A_458 = arith.index_cast %scan3A_185 : i32 to index
        %get3A_459 = arith.constant 128 : index
        %get3A_460 = tpu.vector_load %arg17[%get3A_458, %get3A_459] {strides = array<i32>} : memref<16x384xf32, #tpu.memory_space<vmem>>, vector<1x16xf32>,
        %get3A_461 = vector.shape_cast %get3A_460 : vector<1x16xf32> to vector<16xf32>
        %get3A_462 = arith.index_cast %scan3A_185 : i32 to index
        %get3A_463 = arith.constant 128 : index
        %get3A_464 = tpu.vector_load %arg18[%get3A_462, %get3A_463] {strides = array<i32>} : memref<16x384xf32, #tpu.memory_space<vmem>>, vector<1x16xf32>,
        %get3A_465 = vector.shape_cast %get3A_464 : vector<1x16xf32> to vector<16xf32>
        %add3A_466 = arith.addf %get3A_461, %get3A_465 : vector<16xf32>
        %get3A_467 = arith.index_cast %scan3A_185 : i32 to index
        %get3A_468 = arith.constant 128 : index
        %get3A_469 = tpu.vector_load %arg19[%get3A_467, %get3A_468] {strides = array<i32>} : memref<16x384xf32, #tpu.memory_space<vmem>>, vector<1x16xf32>,
        %get3A_470 = vector.shape_cast %get3A_469 : vector<1x16xf32> to vector<16xf32>
        %get3A_471 = arith.index_cast %scan3A_185 : i32 to index
        %get3A_472 = arith.constant 128 : index
        %get3A_473 = tpu.vector_load %arg20[%get3A_471, %get3A_472] {strides = array<i32>} : memref<16x384xf32, #tpu.memory_space<vmem>>, vector<1x16xf32>,
        %get3A_474 = vector.shape_cast %get3A_473 : vector<1x16xf32> to vector<16xf32>
        %add3A_475 = arith.addf %get3A_470, %get3A_474 : vector<16xf32>
        %add3A_476 = arith.addf %add3A_466, %add3A_475 : vector<16xf32>
        %get3A_477 = arith.index_cast %scan3A_185 : i32 to index
        %get3A_478 = arith.constant 128 : index
        %get3A_479 = tpu.vector_load %arg21[%get3A_477, %get3A_478] {strides = array<i32>} : memref<16x384xf32, #tpu.memory_space<vmem>>, vector<1x16xf32>,
        %get3A_480 = vector.shape_cast %get3A_479 : vector<1x16xf32> to vector<16xf32>
        %get3A_481 = arith.index_cast %scan3A_185 : i32 to index
        %get3A_482 = arith.constant 128 : index
        %get3A_483 = tpu.vector_load %arg22[%get3A_481, %get3A_482] {strides = array<i32>} : memref<16x384xf32, #tpu.memory_space<vmem>>, vector<1x16xf32>,
        %get3A_484 = vector.shape_cast %get3A_483 : vector<1x16xf32> to vector<16xf32>
        %add3A_485 = arith.addf %get3A_480, %get3A_484 : vector<16xf32>
        %add3A_486 = arith.addf %add3A_476, %add3A_485 : vector<16xf32>
        %swap3A_487 = arith.index_cast %scan3A_185 : i32 to index
        %swap3A_488 = arith.constant 128 : index
        %swap3A_489 = tpu.vector_load %arg17[%swap3A_487, %swap3A_488] {strides = array<i32>} : memref<16x384xf32, #tpu.memory_space<vmem>>, vector<1x16xf32>,
        %swap3A_490 = vector.shape_cast %swap3A_489 : vector<1x16xf32> to vector<16xf32>
        %swap3A_491 = vector.shape_cast %add3A_486 : vector<16xf32> to vector<1x16xf32>
        tpu.vector_store %arg17[%swap3A_487, %swap3A_488], %swap3A_491 {strides = array<i32>} : memref<16x384xf32, #tpu.memory_space<vmem>>, vector<1x16xf32>,
        %get3A_492 = arith.index_cast %scan3A_185 : i32 to index
        %get3A_493 = arith.constant 144 : index
        %get3A_494 = tpu.vector_load %arg17[%get3A_492, %get3A_493] {strides = array<i32>} : memref<16x384xf32, #tpu.memory_space<vmem>>, vector<1x16xf32>,
        %get3A_495 = vector.shape_cast %get3A_494 : vector<1x16xf32> to vector<16xf32>
        %get3A_496 = arith.index_cast %scan3A_185 : i32 to index
        %get3A_497 = arith.constant 144 : index
        %get3A_498 = tpu.vector_load %arg18[%get3A_496, %get3A_497] {strides = array<i32>} : memref<16x384xf32, #tpu.memory_space<vmem>>, vector<1x16xf32>,
        %get3A_499 = vector.shape_cast %get3A_498 : vector<1x16xf32> to vector<16xf32>
        %add3A_500 = arith.addf %get3A_495, %get3A_499 : vector<16xf32>
        %get3A_501 = arith.index_cast %scan3A_185 : i32 to index
        %get3A_502 = arith.constant 144 : index
        %get3A_503 = tpu.vector_load %arg19[%get3A_501, %get3A_502] {strides = array<i32>} : memref<16x384xf32, #tpu.memory_space<vmem>>, vector<1x16xf32>,
        %get3A_504 = vector.shape_cast %get3A_503 : vector<1x16xf32> to vector<16xf32>
        %get3A_505 = arith.index_cast %scan3A_185 : i32 to index
        %get3A_506 = arith.constant 144 : index
        %get3A_507 = tpu.vector_load %arg20[%get3A_505, %get3A_506] {strides = array<i32>} : memref<16x384xf32, #tpu.memory_space<vmem>>, vector<1x16xf32>,
        %get3A_508 = vector.shape_cast %get3A_507 : vector<1x16xf32> to vector<16xf32>
        %add3A_509 = arith.addf %get3A_504, %get3A_508 : vector<16xf32>
        %add3A_510 = arith.addf %add3A_500, %add3A_509 : vector<16xf32>
        %get3A_511 = arith.index_cast %scan3A_185 : i32 to index
        %get3A_512 = arith.constant 144 : index
        %get3A_513 = tpu.vector_load %arg21[%get3A_511, %get3A_512] {strides = array<i32>} : memref<16x384xf32, #tpu.memory_space<vmem>>, vector<1x16xf32>,
        %get3A_514 = vector.shape_cast %get3A_513 : vector<1x16xf32> to vector<16xf32>
        %get3A_515 = arith.index_cast %scan3A_185 : i32 to index
        %get3A_516 = arith.constant 144 : index
        %get3A_517 = tpu.vector_load %arg22[%get3A_515, %get3A_516] {strides = array<i32>} : memref<16x384xf32, #tpu.memory_space<vmem>>, vector<1x16xf32>,
        %get3A_518 = vector.shape_cast %get3A_517 : vector<1x16xf32> to vector<16xf32>
        %add3A_519 = arith.addf %get3A_514, %get3A_518 : vector<16xf32>
        %add3A_520 = arith.addf %add3A_510, %add3A_519 : vector<16xf32>
        %swap3A_521 = arith.index_cast %scan3A_185 : i32 to index
        %swap3A_522 = arith.constant 144 : index
        %swap3A_523 = tpu.vector_load %arg17[%swap3A_521, %swap3A_522] {strides = array<i32>} : memref<16x384xf32, #tpu.memory_space<vmem>>, vector<1x16xf32>,
        %swap3A_524 = vector.shape_cast %swap3A_523 : vector<1x16xf32> to vector<16xf32>
        %swap3A_525 = vector.shape_cast %add3A_520 : vector<16xf32> to vector<1x16xf32>
        tpu.vector_store %arg17[%swap3A_521, %swap3A_522], %swap3A_525 {strides = array<i32>} : memref<16x384xf32, #tpu.memory_space<vmem>>, vector<1x16xf32>,
        %get3A_526 = arith.index_cast %scan3A_185 : i32 to index
        %get3A_527 = arith.constant 160 : index
        %get3A_528 = tpu.vector_load %arg17[%get3A_526, %get3A_527] {strides = array<i32>} : memref<16x384xf32, #tpu.memory_space<vmem>>, vector<1x16xf32>,
        %get3A_529 = vector.shape_cast %get3A_528 : vector<1x16xf32> to vector<16xf32>
        %get3A_530 = arith.index_cast %scan3A_185 : i32 to index
        %get3A_531 = arith.constant 160 : index
        %get3A_532 = tpu.vector_load %arg18[%get3A_530, %get3A_531] {strides = array<i32>} : memref<16x384xf32, #tpu.memory_space<vmem>>, vector<1x16xf32>,
        %get3A_533 = vector.shape_cast %get3A_532 : vector<1x16xf32> to vector<16xf32>
        %add3A_534 = arith.addf %get3A_529, %get3A_533 : vector<16xf32>
        %get3A_535 = arith.index_cast %scan3A_185 : i32 to index
        %get3A_536 = arith.constant 160 : index
        %get3A_537 = tpu.vector_load %arg19[%get3A_535, %get3A_536] {strides = array<i32>} : memref<16x384xf32, #tpu.memory_space<vmem>>, vector<1x16xf32>,
        %get3A_538 = vector.shape_cast %get3A_537 : vector<1x16xf32> to vector<16xf32>
        %get3A_539 = arith.index_cast %scan3A_185 : i32 to index
        %get3A_540 = arith.constant 160 : index
        %get3A_541 = tpu.vector_load %arg20[%get3A_539, %get3A_540] {strides = array<i32>} : memref<16x384xf32, #tpu.memory_space<vmem>>, vector<1x16xf32>,
        %get3A_542 = vector.shape_cast %get3A_541 : vector<1x16xf32> to vector<16xf32>
        %add3A_543 = arith.addf %get3A_538, %get3A_542 : vector<16xf32>
        %add3A_544 = arith.addf %add3A_534, %add3A_543 : vector<16xf32>
        %get3A_545 = arith.index_cast %scan3A_185 : i32 to index
        %get3A_546 = arith.constant 160 : index
        %get3A_547 = tpu.vector_load %arg21[%get3A_545, %get3A_546] {strides = array<i32>} : memref<16x384xf32, #tpu.memory_space<vmem>>, vector<1x16xf32>,
        %get3A_548 = vector.shape_cast %get3A_547 : vector<1x16xf32> to vector<16xf32>
        %get3A_549 = arith.index_cast %scan3A_185 : i32 to index
        %get3A_550 = arith.constant 160 : index
        %get3A_551 = tpu.vector_load %arg22[%get3A_549, %get3A_550] {strides = array<i32>} : memref<16x384xf32, #tpu.memory_space<vmem>>, vector<1x16xf32>,
        %get3A_552 = vector.shape_cast %get3A_551 : vector<1x16xf32> to vector<16xf32>
        %add3A_553 = arith.addf %get3A_548, %get3A_552 : vector<16xf32>
        %add3A_554 = arith.addf %add3A_544, %add3A_553 : vector<16xf32>
        %swap3A_555 = arith.index_cast %scan3A_185 : i32 to index
        %swap3A_556 = arith.constant 160 : index
        %swap3A_557 = tpu.vector_load %arg17[%swap3A_555, %swap3A_556] {strides = array<i32>} : memref<16x384xf32, #tpu.memory_space<vmem>>, vector<1x16xf32>,
        %swap3A_558 = vector.shape_cast %swap3A_557 : vector<1x16xf32> to vector<16xf32>
        %swap3A_559 = vector.shape_cast %add3A_554 : vector<16xf32> to vector<1x16xf32>
        tpu.vector_store %arg17[%swap3A_555, %swap3A_556], %swap3A_559 {strides = array<i32>} : memref<16x384xf32, #tpu.memory_space<vmem>>, vector<1x16xf32>,
        %get3A_560 = arith.index_cast %scan3A_185 : i32 to index
        %get3A_561 = arith.constant 176 : index
        %get3A_562 = tpu.vector_load %arg17[%get3A_560, %get3A_561] {strides = array<i32>} : memref<16x384xf32, #tpu.memory_space<vmem>>, vector<1x16xf32>,
        %get3A_563 = vector.shape_cast %get3A_562 : vector<1x16xf32> to vector<16xf32>
        %get3A_564 = arith.index_cast %scan3A_185 : i32 to index
        %get3A_565 = arith.constant 176 : index
        %get3A_566 = tpu.vector_load %arg18[%get3A_564, %get3A_565] {strides = array<i32>} : memref<16x384xf32, #tpu.memory_space<vmem>>, vector<1x16xf32>,
        %get3A_567 = vector.shape_cast %get3A_566 : vector<1x16xf32> to vector<16xf32>
        %add3A_568 = arith.addf %get3A_563, %get3A_567 : vector<16xf32>
        %get3A_569 = arith.index_cast %scan3A_185 : i32 to index
        %get3A_570 = arith.constant 176 : index
        %get3A_571 = tpu.vector_load %arg19[%get3A_569, %get3A_570] {strides = array<i32>} : memref<16x384xf32, #tpu.memory_space<vmem>>, vector<1x16xf32>,
        %get3A_572 = vector.shape_cast %get3A_571 : vector<1x16xf32> to vector<16xf32>
        %get3A_573 = arith.index_cast %scan3A_185 : i32 to index
        %get3A_574 = arith.constant 176 : index
        %get3A_575 = tpu.vector_load %arg20[%get3A_573, %get3A_574] {strides = array<i32>} : memref<16x384xf32, #tpu.memory_space<vmem>>, vector<1x16xf32>,
        %get3A_576 = vector.shape_cast %get3A_575 : vector<1x16xf32> to vector<16xf32>
        %add3A_577 = arith.addf %get3A_572, %get3A_576 : vector<16xf32>
        %add3A_578 = arith.addf %add3A_568, %add3A_577 : vector<16xf32>
        %get3A_579 = arith.index_cast %scan3A_185 : i32 to index
        %get3A_580 = arith.constant 176 : index
        %get3A_581 = tpu.vector_load %arg21[%get3A_579, %get3A_580] {strides = array<i32>} : memref<16x384xf32, #tpu.memory_space<vmem>>, vector<1x16xf32>,
        %get3A_582 = vector.shape_cast %get3A_581 : vector<1x16xf32> to vector<16xf32>
        %get3A_583 = arith.index_cast %scan3A_185 : i32 to index
        %get3A_584 = arith.constant 176 : index
        %get3A_585 = tpu.vector_load %arg22[%get3A_583, %get3A_584] {strides = array<i32>} : memref<16x384xf32, #tpu.memory_space<vmem>>, vector<1x16xf32>,
        %get3A_586 = vector.shape_cast %get3A_585 : vector<1x16xf32> to vector<16xf32>
        %add3A_587 = arith.addf %get3A_582, %get3A_586 : vector<16xf32>
        %add3A_588 = arith.addf %add3A_578, %add3A_587 : vector<16xf32>
        %swap3A_589 = arith.index_cast %scan3A_185 : i32 to index
        %swap3A_590 = arith.constant 176 : index
        %swap3A_591 = tpu.vector_load %arg17[%swap3A_589, %swap3A_590] {strides = array<i32>} : memref<16x384xf32, #tpu.memory_space<vmem>>, vector<1x16xf32>,
        %swap3A_592 = vector.shape_cast %swap3A_591 : vector<1x16xf32> to vector<16xf32>
        %swap3A_593 = vector.shape_cast %add3A_588 : vector<16xf32> to vector<1x16xf32>
        tpu.vector_store %arg17[%swap3A_589, %swap3A_590], %swap3A_593 {strides = array<i32>} : memref<16x384xf32, #tpu.memory_space<vmem>>, vector<1x16xf32>,
        %get3A_594 = arith.index_cast %scan3A_185 : i32 to index
        %get3A_595 = arith.constant 192 : index
        %get3A_596 = tpu.vector_load %arg17[%get3A_594, %get3A_595] {strides = array<i32>} : memref<16x384xf32, #tpu.memory_space<vmem>>, vector<1x16xf32>,
        %get3A_597 = vector.shape_cast %get3A_596 : vector<1x16xf32> to vector<16xf32>
        %get3A_598 = arith.index_cast %scan3A_185 : i32 to index
        %get3A_599 = arith.constant 192 : index
        %get3A_600 = tpu.vector_load %arg18[%get3A_598, %get3A_599] {strides = array<i32>} : memref<16x384xf32, #tpu.memory_space<vmem>>, vector<1x16xf32>,
        %get3A_601 = vector.shape_cast %get3A_600 : vector<1x16xf32> to vector<16xf32>
        %add3A_602 = arith.addf %get3A_597, %get3A_601 : vector<16xf32>
        %get3A_603 = arith.index_cast %scan3A_185 : i32 to index
        %get3A_604 = arith.constant 192 : index
        %get3A_605 = tpu.vector_load %arg19[%get3A_603, %get3A_604] {strides = array<i32>} : memref<16x384xf32, #tpu.memory_space<vmem>>, vector<1x16xf32>,
        %get3A_606 = vector.shape_cast %get3A_605 : vector<1x16xf32> to vector<16xf32>
        %get3A_607 = arith.index_cast %scan3A_185 : i32 to index
        %get3A_608 = arith.constant 192 : index
        %get3A_609 = tpu.vector_load %arg20[%get3A_607, %get3A_608] {strides = array<i32>} : memref<16x384xf32, #tpu.memory_space<vmem>>, vector<1x16xf32>,
        %get3A_610 = vector.shape_cast %get3A_609 : vector<1x16xf32> to vector<16xf32>
        %add3A_611 = arith.addf %get3A_606, %get3A_610 : vector<16xf32>
        %add3A_612 = arith.addf %add3A_602, %add3A_611 : vector<16xf32>
        %get3A_613 = arith.index_cast %scan3A_185 : i32 to index
        %get3A_614 = arith.constant 192 : index
        %get3A_615 = tpu.vector_load %arg21[%get3A_613, %get3A_614] {strides = array<i32>} : memref<16x384xf32, #tpu.memory_space<vmem>>, vector<1x16xf32>,
        %get3A_616 = vector.shape_cast %get3A_615 : vector<1x16xf32> to vector<16xf32>
        %get3A_617 = arith.index_cast %scan3A_185 : i32 to index
        %get3A_618 = arith.constant 192 : index
        %get3A_619 = tpu.vector_load %arg22[%get3A_617, %get3A_618] {strides = array<i32>} : memref<16x384xf32, #tpu.memory_space<vmem>>, vector<1x16xf32>,
        %get3A_620 = vector.shape_cast %get3A_619 : vector<1x16xf32> to vector<16xf32>
        %add3A_621 = arith.addf %get3A_616, %get3A_620 : vector<16xf32>
        %add3A_622 = arith.addf %add3A_612, %add3A_621 : vector<16xf32>
        %swap3A_623 = arith.index_cast %scan3A_185 : i32 to index
        %swap3A_624 = arith.constant 192 : index
        %swap3A_625 = tpu.vector_load %arg17[%swap3A_623, %swap3A_624] {strides = array<i32>} : memref<16x384xf32, #tpu.memory_space<vmem>>, vector<1x16xf32>,
        %swap3A_626 = vector.shape_cast %swap3A_625 : vector<1x16xf32> to vector<16xf32>
        %swap3A_627 = vector.shape_cast %add3A_622 : vector<16xf32> to vector<1x16xf32>
        tpu.vector_store %arg17[%swap3A_623, %swap3A_624], %swap3A_627 {strides = array<i32>} : memref<16x384xf32, #tpu.memory_space<vmem>>, vector<1x16xf32>,
        %get3A_628 = arith.index_cast %scan3A_185 : i32 to index
        %get3A_629 = arith.constant 208 : index
        %get3A_630 = tpu.vector_load %arg17[%get3A_628, %get3A_629] {strides = array<i32>} : memref<16x384xf32, #tpu.memory_space<vmem>>, vector<1x16xf32>,
        %get3A_631 = vector.shape_cast %get3A_630 : vector<1x16xf32> to vector<16xf32>
        %get3A_632 = arith.index_cast %scan3A_185 : i32 to index
        %get3A_633 = arith.constant 208 : index
        %get3A_634 = tpu.vector_load %arg18[%get3A_632, %get3A_633] {strides = array<i32>} : memref<16x384xf32, #tpu.memory_space<vmem>>, vector<1x16xf32>,
        %get3A_635 = vector.shape_cast %get3A_634 : vector<1x16xf32> to vector<16xf32>
        %add3A_636 = arith.addf %get3A_631, %get3A_635 : vector<16xf32>
        %get3A_637 = arith.index_cast %scan3A_185 : i32 to index
        %get3A_638 = arith.constant 208 : index
        %get3A_639 = tpu.vector_load %arg19[%get3A_637, %get3A_638] {strides = array<i32>} : memref<16x384xf32, #tpu.memory_space<vmem>>, vector<1x16xf32>,
        %get3A_640 = vector.shape_cast %get3A_639 : vector<1x16xf32> to vector<16xf32>
        %get3A_641 = arith.index_cast %scan3A_185 : i32 to index
        %get3A_642 = arith.constant 208 : index
        %get3A_643 = tpu.vector_load %arg20[%get3A_641, %get3A_642] {strides = array<i32>} : memref<16x384xf32, #tpu.memory_space<vmem>>, vector<1x16xf32>,
        %get3A_644 = vector.shape_cast %get3A_643 : vector<1x16xf32> to vector<16xf32>
        %add3A_645 = arith.addf %get3A_640, %get3A_644 : vector<16xf32>
        %add3A_646 = arith.addf %add3A_636, %add3A_645 : vector<16xf32>
        %get3A_647 = arith.index_cast %scan3A_185 : i32 to index
        %get3A_648 = arith.constant 208 : index
        %get3A_649 = tpu.vector_load %arg21[%get3A_647, %get3A_648] {strides = array<i32>} : memref<16x384xf32, #tpu.memory_space<vmem>>, vector<1x16xf32>,
        %get3A_650 = vector.shape_cast %get3A_649 : vector<1x16xf32> to vector<16xf32>
        %get3A_651 = arith.index_cast %scan3A_185 : i32 to index
        %get3A_652 = arith.constant 208 : index
        %get3A_653 = tpu.vector_load %arg22[%get3A_651, %get3A_652] {strides = array<i32>} : memref<16x384xf32, #tpu.memory_space<vmem>>, vector<1x16xf32>,
        %get3A_654 = vector.shape_cast %get3A_653 : vector<1x16xf32> to vector<16xf32>
        %add3A_655 = arith.addf %get3A_650, %get3A_654 : vector<16xf32>
        %add3A_656 = arith.addf %add3A_646, %add3A_655 : vector<16xf32>
        %swap3A_657 = arith.index_cast %scan3A_185 : i32 to index
        %swap3A_658 = arith.constant 208 : index
        %swap3A_659 = tpu.vector_load %arg17[%swap3A_657, %swap3A_658] {strides = array<i32>} : memref<16x384xf32, #tpu.memory_space<vmem>>, vector<1x16xf32>,
        %swap3A_660 = vector.shape_cast %swap3A_659 : vector<1x16xf32> to vector<16xf32>
        %swap3A_661 = vector.shape_cast %add3A_656 : vector<16xf32> to vector<1x16xf32>
        tpu.vector_store %arg17[%swap3A_657, %swap3A_658], %swap3A_661 {strides = array<i32>} : memref<16x384xf32, #tpu.memory_space<vmem>>, vector<1x16xf32>,
        %get3A_662 = arith.index_cast %scan3A_185 : i32 to index
        %get3A_663 = arith.constant 224 : index
        %get3A_664 = tpu.vector_load %arg17[%get3A_662, %get3A_663] {strides = array<i32>} : memref<16x384xf32, #tpu.memory_space<vmem>>, vector<1x16xf32>,
        %get3A_665 = vector.shape_cast %get3A_664 : vector<1x16xf32> to vector<16xf32>
        %get3A_666 = arith.index_cast %scan3A_185 : i32 to index
        %get3A_667 = arith.constant 224 : index
        %get3A_668 = tpu.vector_load %arg18[%get3A_666, %get3A_667] {strides = array<i32>} : memref<16x384xf32, #tpu.memory_space<vmem>>, vector<1x16xf32>,
        %get3A_669 = vector.shape_cast %get3A_668 : vector<1x16xf32> to vector<16xf32>
        %add3A_670 = arith.addf %get3A_665, %get3A_669 : vector<16xf32>
        %get3A_671 = arith.index_cast %scan3A_185 : i32 to index
        %get3A_672 = arith.constant 224 : index
        %get3A_673 = tpu.vector_load %arg19[%get3A_671, %get3A_672] {strides = array<i32>} : memref<16x384xf32, #tpu.memory_space<vmem>>, vector<1x16xf32>,
        %get3A_674 = vector.shape_cast %get3A_673 : vector<1x16xf32> to vector<16xf32>
        %get3A_675 = arith.index_cast %scan3A_185 : i32 to index
        %get3A_676 = arith.constant 224 : index
        %get3A_677 = tpu.vector_load %arg20[%get3A_675, %get3A_676] {strides = array<i32>} : memref<16x384xf32, #tpu.memory_space<vmem>>, vector<1x16xf32>,
        %get3A_678 = vector.shape_cast %get3A_677 : vector<1x16xf32> to vector<16xf32>
        %add3A_679 = arith.addf %get3A_674, %get3A_678 : vector<16xf32>
        %add3A_680 = arith.addf %add3A_670, %add3A_679 : vector<16xf32>
        %get3A_681 = arith.index_cast %scan3A_185 : i32 to index
        %get3A_682 = arith.constant 224 : index
        %get3A_683 = tpu.vector_load %arg21[%get3A_681, %get3A_682] {strides = array<i32>} : memref<16x384xf32, #tpu.memory_space<vmem>>, vector<1x16xf32>,
        %get3A_684 = vector.shape_cast %get3A_683 : vector<1x16xf32> to vector<16xf32>
        %get3A_685 = arith.index_cast %scan3A_185 : i32 to index
        %get3A_686 = arith.constant 224 : index
        %get3A_687 = tpu.vector_load %arg22[%get3A_685, %get3A_686] {strides = array<i32>} : memref<16x384xf32, #tpu.memory_space<vmem>>, vector<1x16xf32>,
        %get3A_688 = vector.shape_cast %get3A_687 : vector<1x16xf32> to vector<16xf32>
        %add3A_689 = arith.addf %get3A_684, %get3A_688 : vector<16xf32>
        %add3A_690 = arith.addf %add3A_680, %add3A_689 : vector<16xf32>
        %swap3A_691 = arith.index_cast %scan3A_185 : i32 to index
        %swap3A_692 = arith.constant 224 : index
        %swap3A_693 = tpu.vector_load %arg17[%swap3A_691, %swap3A_692] {strides = array<i32>} : memref<16x384xf32, #tpu.memory_space<vmem>>, vector<1x16xf32>,
        %swap3A_694 = vector.shape_cast %swap3A_693 : vector<1x16xf32> to vector<16xf32>
        %swap3A_695 = vector.shape_cast %add3A_690 : vector<16xf32> to vector<1x16xf32>
        tpu.vector_store %arg17[%swap3A_691, %swap3A_692], %swap3A_695 {strides = array<i32>} : memref<16x384xf32, #tpu.memory_space<vmem>>, vector<1x16xf32>,
        %get3A_696 = arith.index_cast %scan3A_185 : i32 to index
        %get3A_697 = arith.constant 240 : index
        %get3A_698 = tpu.vector_load %arg17[%get3A_696, %get3A_697] {strides = array<i32>} : memref<16x384xf32, #tpu.memory_space<vmem>>, vector<1x16xf32>,
        %get3A_699 = vector.shape_cast %get3A_698 : vector<1x16xf32> to vector<16xf32>
        %get3A_700 = arith.index_cast %scan3A_185 : i32 to index
        %get3A_701 = arith.constant 240 : index
        %get3A_702 = tpu.vector_load %arg18[%get3A_700, %get3A_701] {strides = array<i32>} : memref<16x384xf32, #tpu.memory_space<vmem>>, vector<1x16xf32>,
        %get3A_703 = vector.shape_cast %get3A_702 : vector<1x16xf32> to vector<16xf32>
        %add3A_704 = arith.addf %get3A_699, %get3A_703 : vector<16xf32>
        %get3A_705 = arith.index_cast %scan3A_185 : i32 to index
        %get3A_706 = arith.constant 240 : index
        %get3A_707 = tpu.vector_load %arg19[%get3A_705, %get3A_706] {strides = array<i32>} : memref<16x384xf32, #tpu.memory_space<vmem>>, vector<1x16xf32>,
        %get3A_708 = vector.shape_cast %get3A_707 : vector<1x16xf32> to vector<16xf32>
        %get3A_709 = arith.index_cast %scan3A_185 : i32 to index
        %get3A_710 = arith.constant 240 : index
        %get3A_711 = tpu.vector_load %arg20[%get3A_709, %get3A_710] {strides = array<i32>} : memref<16x384xf32, #tpu.memory_space<vmem>>, vector<1x16xf32>,
        %get3A_712 = vector.shape_cast %get3A_711 : vector<1x16xf32> to vector<16xf32>
        %add3A_713 = arith.addf %get3A_708, %get3A_712 : vector<16xf32>
        %add3A_714 = arith.addf %add3A_704, %add3A_713 : vector<16xf32>
        %get3A_715 = arith.index_cast %scan3A_185 : i32 to index
        %get3A_716 = arith.constant 240 : index
        %get3A_717 = tpu.vector_load %arg21[%get3A_715, %get3A_716] {strides = array<i32>} : memref<16x384xf32, #tpu.memory_space<vmem>>, vector<1x16xf32>,
        %get3A_718 = vector.shape_cast %get3A_717 : vector<1x16xf32> to vector<16xf32>
        %get3A_719 = arith.index_cast %scan3A_185 : i32 to index
        %get3A_720 = arith.constant 240 : index
        %get3A_721 = tpu.vector_load %arg22[%get3A_719, %get3A_720] {strides = array<i32>} : memref<16x384xf32, #tpu.memory_space<vmem>>, vector<1x16xf32>,
        %get3A_722 = vector.shape_cast %get3A_721 : vector<1x16xf32> to vector<16xf32>
        %add3A_723 = arith.addf %get3A_718, %get3A_722 : vector<16xf32>
        %add3A_724 = arith.addf %add3A_714, %add3A_723 : vector<16xf32>
        %swap3A_725 = arith.index_cast %scan3A_185 : i32 to index
        %swap3A_726 = arith.constant 240 : index
        %swap3A_727 = tpu.vector_load %arg17[%swap3A_725, %swap3A_726] {strides = array<i32>} : memref<16x384xf32, #tpu.memory_space<vmem>>, vector<1x16xf32>,
        %swap3A_728 = vector.shape_cast %swap3A_727 : vector<1x16xf32> to vector<16xf32>
        %swap3A_729 = vector.shape_cast %add3A_724 : vector<16xf32> to vector<1x16xf32>
        tpu.vector_store %arg17[%swap3A_725, %swap3A_726], %swap3A_729 {strides = array<i32>} : memref<16x384xf32, #tpu.memory_space<vmem>>, vector<1x16xf32>,
        %get3A_730 = arith.index_cast %scan3A_185 : i32 to index
        %get3A_731 = arith.constant 256 : index
        %get3A_732 = tpu.vector_load %arg17[%get3A_730, %get3A_731] {strides = array<i32>} : memref<16x384xf32, #tpu.memory_space<vmem>>, vector<1x16xf32>,
        %get3A_733 = vector.shape_cast %get3A_732 : vector<1x16xf32> to vector<16xf32>
        %get3A_734 = arith.index_cast %scan3A_185 : i32 to index
        %get3A_735 = arith.constant 256 : index
        %get3A_736 = tpu.vector_load %arg18[%get3A_734, %get3A_735] {strides = array<i32>} : memref<16x384xf32, #tpu.memory_space<vmem>>, vector<1x16xf32>,
        %get3A_737 = vector.shape_cast %get3A_736 : vector<1x16xf32> to vector<16xf32>
        %add3A_738 = arith.addf %get3A_733, %get3A_737 : vector<16xf32>
        %get3A_739 = arith.index_cast %scan3A_185 : i32 to index
        %get3A_740 = arith.constant 256 : index
        %get3A_741 = tpu.vector_load %arg19[%get3A_739, %get3A_740] {strides = array<i32>} : memref<16x384xf32, #tpu.memory_space<vmem>>, vector<1x16xf32>,
        %get3A_742 = vector.shape_cast %get3A_741 : vector<1x16xf32> to vector<16xf32>
        %get3A_743 = arith.index_cast %scan3A_185 : i32 to index
        %get3A_744 = arith.constant 256 : index
        %get3A_745 = tpu.vector_load %arg20[%get3A_743, %get3A_744] {strides = array<i32>} : memref<16x384xf32, #tpu.memory_space<vmem>>, vector<1x16xf32>,
        %get3A_746 = vector.shape_cast %get3A_745 : vector<1x16xf32> to vector<16xf32>
        %add3A_747 = arith.addf %get3A_742, %get3A_746 : vector<16xf32>
        %add3A_748 = arith.addf %add3A_738, %add3A_747 : vector<16xf32>
        %get3A_749 = arith.index_cast %scan3A_185 : i32 to index
        %get3A_750 = arith.constant 256 : index
        %get3A_751 = tpu.vector_load %arg21[%get3A_749, %get3A_750] {strides = array<i32>} : memref<16x384xf32, #tpu.memory_space<vmem>>, vector<1x16xf32>,
        %get3A_752 = vector.shape_cast %get3A_751 : vector<1x16xf32> to vector<16xf32>
        %get3A_753 = arith.index_cast %scan3A_185 : i32 to index
        %get3A_754 = arith.constant 256 : index
        %get3A_755 = tpu.vector_load %arg22[%get3A_753, %get3A_754] {strides = array<i32>} : memref<16x384xf32, #tpu.memory_space<vmem>>, vector<1x16xf32>,
        %get3A_756 = vector.shape_cast %get3A_755 : vector<1x16xf32> to vector<16xf32>
        %add3A_757 = arith.addf %get3A_752, %get3A_756 : vector<16xf32>
        %add3A_758 = arith.addf %add3A_748, %add3A_757 : vector<16xf32>
        %swap3A_759 = arith.index_cast %scan3A_185 : i32 to index
        %swap3A_760 = arith.constant 256 : index
        %swap3A_761 = tpu.vector_load %arg17[%swap3A_759, %swap3A_760] {strides = array<i32>} : memref<16x384xf32, #tpu.memory_space<vmem>>, vector<1x16xf32>,
        %swap3A_762 = vector.shape_cast %swap3A_761 : vector<1x16xf32> to vector<16xf32>
        %swap3A_763 = vector.shape_cast %add3A_758 : vector<16xf32> to vector<1x16xf32>
        tpu.vector_store %arg17[%swap3A_759, %swap3A_760], %swap3A_763 {strides = array<i32>} : memref<16x384xf32, #tpu.memory_space<vmem>>, vector<1x16xf32>,
        %get3A_764 = arith.index_cast %scan3A_185 : i32 to index
        %get3A_765 = arith.constant 272 : index
        %get3A_766 = tpu.vector_load %arg17[%get3A_764, %get3A_765] {strides = array<i32>} : memref<16x384xf32, #tpu.memory_space<vmem>>, vector<1x16xf32>,
        %get3A_767 = vector.shape_cast %get3A_766 : vector<1x16xf32> to vector<16xf32>
        %get3A_768 = arith.index_cast %scan3A_185 : i32 to index
        %get3A_769 = arith.constant 272 : index
        %get3A_770 = tpu.vector_load %arg18[%get3A_768, %get3A_769] {strides = array<i32>} : memref<16x384xf32, #tpu.memory_space<vmem>>, vector<1x16xf32>,
        %get3A_771 = vector.shape_cast %get3A_770 : vector<1x16xf32> to vector<16xf32>
        %add3A_772 = arith.addf %get3A_767, %get3A_771 : vector<16xf32>
        %get3A_773 = arith.index_cast %scan3A_185 : i32 to index
        %get3A_774 = arith.constant 272 : index
        %get3A_775 = tpu.vector_load %arg19[%get3A_773, %get3A_774] {strides = array<i32>} : memref<16x384xf32, #tpu.memory_space<vmem>>, vector<1x16xf32>,
        %get3A_776 = vector.shape_cast %get3A_775 : vector<1x16xf32> to vector<16xf32>
        %get3A_777 = arith.index_cast %scan3A_185 : i32 to index
        %get3A_778 = arith.constant 272 : index
        %get3A_779 = tpu.vector_load %arg20[%get3A_777, %get3A_778] {strides = array<i32>} : memref<16x384xf32, #tpu.memory_space<vmem>>, vector<1x16xf32>,
        %get3A_780 = vector.shape_cast %get3A_779 : vector<1x16xf32> to vector<16xf32>
        %add3A_781 = arith.addf %get3A_776, %get3A_780 : vector<16xf32>
        %add3A_782 = arith.addf %add3A_772, %add3A_781 : vector<16xf32>
        %get3A_783 = arith.index_cast %scan3A_185 : i32 to index
        %get3A_784 = arith.constant 272 : index
        %get3A_785 = tpu.vector_load %arg21[%get3A_783, %get3A_784] {strides = array<i32>} : memref<16x384xf32, #tpu.memory_space<vmem>>, vector<1x16xf32>,
        %get3A_786 = vector.shape_cast %get3A_785 : vector<1x16xf32> to vector<16xf32>
        %get3A_787 = arith.index_cast %scan3A_185 : i32 to index
        %get3A_788 = arith.constant 272 : index
        %get3A_789 = tpu.vector_load %arg22[%get3A_787, %get3A_788] {strides = array<i32>} : memref<16x384xf32, #tpu.memory_space<vmem>>, vector<1x16xf32>,
        %get3A_790 = vector.shape_cast %get3A_789 : vector<1x16xf32> to vector<16xf32>
        %add3A_791 = arith.addf %get3A_786, %get3A_790 : vector<16xf32>
        %add3A_792 = arith.addf %add3A_782, %add3A_791 : vector<16xf32>
        %swap3A_793 = arith.index_cast %scan3A_185 : i32 to index
        %swap3A_794 = arith.constant 272 : index
        %swap3A_795 = tpu.vector_load %arg17[%swap3A_793, %swap3A_794] {strides = array<i32>} : memref<16x384xf32, #tpu.memory_space<vmem>>, vector<1x16xf32>,
        %swap3A_796 = vector.shape_cast %swap3A_795 : vector<1x16xf32> to vector<16xf32>
        %swap3A_797 = vector.shape_cast %add3A_792 : vector<16xf32> to vector<1x16xf32>
        tpu.vector_store %arg17[%swap3A_793, %swap3A_794], %swap3A_797 {strides = array<i32>} : memref<16x384xf32, #tpu.memory_space<vmem>>, vector<1x16xf32>,
        %get3A_798 = arith.index_cast %scan3A_185 : i32 to index
        %get3A_799 = arith.constant 288 : index
        %get3A_800 = tpu.vector_load %arg17[%get3A_798, %get3A_799] {strides = array<i32>} : memref<16x384xf32, #tpu.memory_space<vmem>>, vector<1x16xf32>,
        %get3A_801 = vector.shape_cast %get3A_800 : vector<1x16xf32> to vector<16xf32>
        %get3A_802 = arith.index_cast %scan3A_185 : i32 to index
        %get3A_803 = arith.constant 288 : index
        %get3A_804 = tpu.vector_load %arg18[%get3A_802, %get3A_803] {strides = array<i32>} : memref<16x384xf32, #tpu.memory_space<vmem>>, vector<1x16xf32>,
        %get3A_805 = vector.shape_cast %get3A_804 : vector<1x16xf32> to vector<16xf32>
        %add3A_806 = arith.addf %get3A_801, %get3A_805 : vector<16xf32>
        %get3A_807 = arith.index_cast %scan3A_185 : i32 to index
        %get3A_808 = arith.constant 288 : index
        %get3A_809 = tpu.vector_load %arg19[%get3A_807, %get3A_808] {strides = array<i32>} : memref<16x384xf32, #tpu.memory_space<vmem>>, vector<1x16xf32>,
        %get3A_810 = vector.shape_cast %get3A_809 : vector<1x16xf32> to vector<16xf32>
        %get3A_811 = arith.index_cast %scan3A_185 : i32 to index
        %get3A_812 = arith.constant 288 : index
        %get3A_813 = tpu.vector_load %arg20[%get3A_811, %get3A_812] {strides = array<i32>} : memref<16x384xf32, #tpu.memory_space<vmem>>, vector<1x16xf32>,
        %get3A_814 = vector.shape_cast %get3A_813 : vector<1x16xf32> to vector<16xf32>
        %add3A_815 = arith.addf %get3A_810, %get3A_814 : vector<16xf32>
        %add3A_816 = arith.addf %add3A_806, %add3A_815 : vector<16xf32>
        %get3A_817 = arith.index_cast %scan3A_185 : i32 to index
        %get3A_818 = arith.constant 288 : index
        %get3A_819 = tpu.vector_load %arg21[%get3A_817, %get3A_818] {strides = array<i32>} : memref<16x384xf32, #tpu.memory_space<vmem>>, vector<1x16xf32>,
        %get3A_820 = vector.shape_cast %get3A_819 : vector<1x16xf32> to vector<16xf32>
        %get3A_821 = arith.index_cast %scan3A_185 : i32 to index
        %get3A_822 = arith.constant 288 : index
        %get3A_823 = tpu.vector_load %arg22[%get3A_821, %get3A_822] {strides = array<i32>} : memref<16x384xf32, #tpu.memory_space<vmem>>, vector<1x16xf32>,
        %get3A_824 = vector.shape_cast %get3A_823 : vector<1x16xf32> to vector<16xf32>
        %add3A_825 = arith.addf %get3A_820, %get3A_824 : vector<16xf32>
        %add3A_826 = arith.addf %add3A_816, %add3A_825 : vector<16xf32>
        %swap3A_827 = arith.index_cast %scan3A_185 : i32 to index
        %swap3A_828 = arith.constant 288 : index
        %swap3A_829 = tpu.vector_load %arg17[%swap3A_827, %swap3A_828] {strides = array<i32>} : memref<16x384xf32, #tpu.memory_space<vmem>>, vector<1x16xf32>,
        %swap3A_830 = vector.shape_cast %swap3A_829 : vector<1x16xf32> to vector<16xf32>
        %swap3A_831 = vector.shape_cast %add3A_826 : vector<16xf32> to vector<1x16xf32>
        tpu.vector_store %arg17[%swap3A_827, %swap3A_828], %swap3A_831 {strides = array<i32>} : memref<16x384xf32, #tpu.memory_space<vmem>>, vector<1x16xf32>,
        %get3A_832 = arith.index_cast %scan3A_185 : i32 to index
        %get3A_833 = arith.constant 304 : index
        %get3A_834 = tpu.vector_load %arg17[%get3A_832, %get3A_833] {strides = array<i32>} : memref<16x384xf32, #tpu.memory_space<vmem>>, vector<1x16xf32>,
        %get3A_835 = vector.shape_cast %get3A_834 : vector<1x16xf32> to vector<16xf32>
        %get3A_836 = arith.index_cast %scan3A_185 : i32 to index
        %get3A_837 = arith.constant 304 : index
        %get3A_838 = tpu.vector_load %arg18[%get3A_836, %get3A_837] {strides = array<i32>} : memref<16x384xf32, #tpu.memory_space<vmem>>, vector<1x16xf32>,
        %get3A_839 = vector.shape_cast %get3A_838 : vector<1x16xf32> to vector<16xf32>
        %add3A_840 = arith.addf %get3A_835, %get3A_839 : vector<16xf32>
        %get3A_841 = arith.index_cast %scan3A_185 : i32 to index
        %get3A_842 = arith.constant 304 : index
        %get3A_843 = tpu.vector_load %arg19[%get3A_841, %get3A_842] {strides = array<i32>} : memref<16x384xf32, #tpu.memory_space<vmem>>, vector<1x16xf32>,
        %get3A_844 = vector.shape_cast %get3A_843 : vector<1x16xf32> to vector<16xf32>
        %get3A_845 = arith.index_cast %scan3A_185 : i32 to index
        %get3A_846 = arith.constant 304 : index
        %get3A_847 = tpu.vector_load %arg20[%get3A_845, %get3A_846] {strides = array<i32>} : memref<16x384xf32, #tpu.memory_space<vmem>>, vector<1x16xf32>,
        %get3A_848 = vector.shape_cast %get3A_847 : vector<1x16xf32> to vector<16xf32>
        %add3A_849 = arith.addf %get3A_844, %get3A_848 : vector<16xf32>
        %add3A_850 = arith.addf %add3A_840, %add3A_849 : vector<16xf32>
        %get3A_851 = arith.index_cast %scan3A_185 : i32 to index
        %get3A_852 = arith.constant 304 : index
        %get3A_853 = tpu.vector_load %arg21[%get3A_851, %get3A_852] {strides = array<i32>} : memref<16x384xf32, #tpu.memory_space<vmem>>, vector<1x16xf32>,
        %get3A_854 = vector.shape_cast %get3A_853 : vector<1x16xf32> to vector<16xf32>
        %get3A_855 = arith.index_cast %scan3A_185 : i32 to index
        %get3A_856 = arith.constant 304 : index
        %get3A_857 = tpu.vector_load %arg22[%get3A_855, %get3A_856] {strides = array<i32>} : memref<16x384xf32, #tpu.memory_space<vmem>>, vector<1x16xf32>,
        %get3A_858 = vector.shape_cast %get3A_857 : vector<1x16xf32> to vector<16xf32>
        %add3A_859 = arith.addf %get3A_854, %get3A_858 : vector<16xf32>
        %add3A_860 = arith.addf %add3A_850, %add3A_859 : vector<16xf32>
        %swap3A_861 = arith.index_cast %scan3A_185 : i32 to index
        %swap3A_862 = arith.constant 304 : index
        %swap3A_863 = tpu.vector_load %arg17[%swap3A_861, %swap3A_862] {strides = array<i32>} : memref<16x384xf32, #tpu.memory_space<vmem>>, vector<1x16xf32>,
        %swap3A_864 = vector.shape_cast %swap3A_863 : vector<1x16xf32> to vector<16xf32>
        %swap3A_865 = vector.shape_cast %add3A_860 : vector<16xf32> to vector<1x16xf32>
        tpu.vector_store %arg17[%swap3A_861, %swap3A_862], %swap3A_865 {strides = array<i32>} : memref<16x384xf32, #tpu.memory_space<vmem>>, vector<1x16xf32>,
        %get3A_866 = arith.index_cast %scan3A_185 : i32 to index
        %get3A_867 = arith.constant 320 : index
        %get3A_868 = tpu.vector_load %arg17[%get3A_866, %get3A_867] {strides = array<i32>} : memref<16x384xf32, #tpu.memory_space<vmem>>, vector<1x16xf32>,
        %get3A_869 = vector.shape_cast %get3A_868 : vector<1x16xf32> to vector<16xf32>
        %get3A_870 = arith.index_cast %scan3A_185 : i32 to index
        %get3A_871 = arith.constant 320 : index
        %get3A_872 = tpu.vector_load %arg18[%get3A_870, %get3A_871] {strides = array<i32>} : memref<16x384xf32, #tpu.memory_space<vmem>>, vector<1x16xf32>,
        %get3A_873 = vector.shape_cast %get3A_872 : vector<1x16xf32> to vector<16xf32>
        %add3A_874 = arith.addf %get3A_869, %get3A_873 : vector<16xf32>
        %get3A_875 = arith.index_cast %scan3A_185 : i32 to index
        %get3A_876 = arith.constant 320 : index
        %get3A_877 = tpu.vector_load %arg19[%get3A_875, %get3A_876] {strides = array<i32>} : memref<16x384xf32, #tpu.memory_space<vmem>>, vector<1x16xf32>,
        %get3A_878 = vector.shape_cast %get3A_877 : vector<1x16xf32> to vector<16xf32>
        %get3A_879 = arith.index_cast %scan3A_185 : i32 to index
        %get3A_880 = arith.constant 320 : index
        %get3A_881 = tpu.vector_load %arg20[%get3A_879, %get3A_880] {strides = array<i32>} : memref<16x384xf32, #tpu.memory_space<vmem>>, vector<1x16xf32>,
        %get3A_882 = vector.shape_cast %get3A_881 : vector<1x16xf32> to vector<16xf32>
        %add3A_883 = arith.addf %get3A_878, %get3A_882 : vector<16xf32>
        %add3A_884 = arith.addf %add3A_874, %add3A_883 : vector<16xf32>
        %get3A_885 = arith.index_cast %scan3A_185 : i32 to index
        %get3A_886 = arith.constant 320 : index
        %get3A_887 = tpu.vector_load %arg21[%get3A_885, %get3A_886] {strides = array<i32>} : memref<16x384xf32, #tpu.memory_space<vmem>>, vector<1x16xf32>,
        %get3A_888 = vector.shape_cast %get3A_887 : vector<1x16xf32> to vector<16xf32>
        %get3A_889 = arith.index_cast %scan3A_185 : i32 to index
        %get3A_890 = arith.constant 320 : index
        %get3A_891 = tpu.vector_load %arg22[%get3A_889, %get3A_890] {strides = array<i32>} : memref<16x384xf32, #tpu.memory_space<vmem>>, vector<1x16xf32>,
        %get3A_892 = vector.shape_cast %get3A_891 : vector<1x16xf32> to vector<16xf32>
        %add3A_893 = arith.addf %get3A_888, %get3A_892 : vector<16xf32>
        %add3A_894 = arith.addf %add3A_884, %add3A_893 : vector<16xf32>
        %swap3A_895 = arith.index_cast %scan3A_185 : i32 to index
        %swap3A_896 = arith.constant 320 : index
        %swap3A_897 = tpu.vector_load %arg17[%swap3A_895, %swap3A_896] {strides = array<i32>} : memref<16x384xf32, #tpu.memory_space<vmem>>, vector<1x16xf32>,
        %swap3A_898 = vector.shape_cast %swap3A_897 : vector<1x16xf32> to vector<16xf32>
        %swap3A_899 = vector.shape_cast %add3A_894 : vector<16xf32> to vector<1x16xf32>
        tpu.vector_store %arg17[%swap3A_895, %swap3A_896], %swap3A_899 {strides = array<i32>} : memref<16x384xf32, #tpu.memory_space<vmem>>, vector<1x16xf32>,
        %get3A_900 = arith.index_cast %scan3A_185 : i32 to index
        %get3A_901 = arith.constant 336 : index
        %get3A_902 = tpu.vector_load %arg17[%get3A_900, %get3A_901] {strides = array<i32>} : memref<16x384xf32, #tpu.memory_space<vmem>>, vector<1x16xf32>,
        %get3A_903 = vector.shape_cast %get3A_902 : vector<1x16xf32> to vector<16xf32>
        %get3A_904 = arith.index_cast %scan3A_185 : i32 to index
        %get3A_905 = arith.constant 336 : index
        %get3A_906 = tpu.vector_load %arg18[%get3A_904, %get3A_905] {strides = array<i32>} : memref<16x384xf32, #tpu.memory_space<vmem>>, vector<1x16xf32>,
        %get3A_907 = vector.shape_cast %get3A_906 : vector<1x16xf32> to vector<16xf32>
        %add3A_908 = arith.addf %get3A_903, %get3A_907 : vector<16xf32>
        %get3A_909 = arith.index_cast %scan3A_185 : i32 to index
        %get3A_910 = arith.constant 336 : index
        %get3A_911 = tpu.vector_load %arg19[%get3A_909, %get3A_910] {strides = array<i32>} : memref<16x384xf32, #tpu.memory_space<vmem>>, vector<1x16xf32>,
        %get3A_912 = vector.shape_cast %get3A_911 : vector<1x16xf32> to vector<16xf32>
        %get3A_913 = arith.index_cast %scan3A_185 : i32 to index
        %get3A_914 = arith.constant 336 : index
        %get3A_915 = tpu.vector_load %arg20[%get3A_913, %get3A_914] {strides = array<i32>} : memref<16x384xf32, #tpu.memory_space<vmem>>, vector<1x16xf32>,
        %get3A_916 = vector.shape_cast %get3A_915 : vector<1x16xf32> to vector<16xf32>
        %add3A_917 = arith.addf %get3A_912, %get3A_916 : vector<16xf32>
        %add3A_918 = arith.addf %add3A_908, %add3A_917 : vector<16xf32>
        %get3A_919 = arith.index_cast %scan3A_185 : i32 to index
        %get3A_920 = arith.constant 336 : index
        %get3A_921 = tpu.vector_load %arg21[%get3A_919, %get3A_920] {strides = array<i32>} : memref<16x384xf32, #tpu.memory_space<vmem>>, vector<1x16xf32>,
        %get3A_922 = vector.shape_cast %get3A_921 : vector<1x16xf32> to vector<16xf32>
        %get3A_923 = arith.index_cast %scan3A_185 : i32 to index
        %get3A_924 = arith.constant 336 : index
        %get3A_925 = tpu.vector_load %arg22[%get3A_923, %get3A_924] {strides = array<i32>} : memref<16x384xf32, #tpu.memory_space<vmem>>, vector<1x16xf32>,
        %get3A_926 = vector.shape_cast %get3A_925 : vector<1x16xf32> to vector<16xf32>
        %add3A_927 = arith.addf %get3A_922, %get3A_926 : vector<16xf32>
        %add3A_928 = arith.addf %add3A_918, %add3A_927 : vector<16xf32>
        %swap3A_929 = arith.index_cast %scan3A_185 : i32 to index
        %swap3A_930 = arith.constant 336 : index
        %swap3A_931 = tpu.vector_load %arg17[%swap3A_929, %swap3A_930] {strides = array<i32>} : memref<16x384xf32, #tpu.memory_space<vmem>>, vector<1x16xf32>,
        %swap3A_932 = vector.shape_cast %swap3A_931 : vector<1x16xf32> to vector<16xf32>
        %swap3A_933 = vector.shape_cast %add3A_928 : vector<16xf32> to vector<1x16xf32>
        tpu.vector_store %arg17[%swap3A_929, %swap3A_930], %swap3A_933 {strides = array<i32>} : memref<16x384xf32, #tpu.memory_space<vmem>>, vector<1x16xf32>,
        %get3A_934 = arith.index_cast %scan3A_185 : i32 to index
        %get3A_935 = arith.constant 352 : index
        %get3A_936 = tpu.vector_load %arg17[%get3A_934, %get3A_935] {strides = array<i32>} : memref<16x384xf32, #tpu.memory_space<vmem>>, vector<1x16xf32>,
        %get3A_937 = vector.shape_cast %get3A_936 : vector<1x16xf32> to vector<16xf32>
        %get3A_938 = arith.index_cast %scan3A_185 : i32 to index
        %get3A_939 = arith.constant 352 : index
        %get3A_940 = tpu.vector_load %arg18[%get3A_938, %get3A_939] {strides = array<i32>} : memref<16x384xf32, #tpu.memory_space<vmem>>, vector<1x16xf32>,
        %get3A_941 = vector.shape_cast %get3A_940 : vector<1x16xf32> to vector<16xf32>
        %add3A_942 = arith.addf %get3A_937, %get3A_941 : vector<16xf32>
        %get3A_943 = arith.index_cast %scan3A_185 : i32 to index
        %get3A_944 = arith.constant 352 : index
        %get3A_945 = tpu.vector_load %arg19[%get3A_943, %get3A_944] {strides = array<i32>} : memref<16x384xf32, #tpu.memory_space<vmem>>, vector<1x16xf32>,
        %get3A_946 = vector.shape_cast %get3A_945 : vector<1x16xf32> to vector<16xf32>
        %get3A_947 = arith.index_cast %scan3A_185 : i32 to index
        %get3A_948 = arith.constant 352 : index
        %get3A_949 = tpu.vector_load %arg20[%get3A_947, %get3A_948] {strides = array<i32>} : memref<16x384xf32, #tpu.memory_space<vmem>>, vector<1x16xf32>,
        %get3A_950 = vector.shape_cast %get3A_949 : vector<1x16xf32> to vector<16xf32>
        %add3A_951 = arith.addf %get3A_946, %get3A_950 : vector<16xf32>
        %add3A_952 = arith.addf %add3A_942, %add3A_951 : vector<16xf32>
        %get3A_953 = arith.index_cast %scan3A_185 : i32 to index
        %get3A_954 = arith.constant 352 : index
        %get3A_955 = tpu.vector_load %arg21[%get3A_953, %get3A_954] {strides = array<i32>} : memref<16x384xf32, #tpu.memory_space<vmem>>, vector<1x16xf32>,
        %get3A_956 = vector.shape_cast %get3A_955 : vector<1x16xf32> to vector<16xf32>
        %get3A_957 = arith.index_cast %scan3A_185 : i32 to index
        %get3A_958 = arith.constant 352 : index
        %get3A_959 = tpu.vector_load %arg22[%get3A_957, %get3A_958] {strides = array<i32>} : memref<16x384xf32, #tpu.memory_space<vmem>>, vector<1x16xf32>,
        %get3A_960 = vector.shape_cast %get3A_959 : vector<1x16xf32> to vector<16xf32>
        %add3A_961 = arith.addf %get3A_956, %get3A_960 : vector<16xf32>
        %add3A_962 = arith.addf %add3A_952, %add3A_961 : vector<16xf32>
        %swap3A_963 = arith.index_cast %scan3A_185 : i32 to index
        %swap3A_964 = arith.constant 352 : index
        %swap3A_965 = tpu.vector_load %arg17[%swap3A_963, %swap3A_964] {strides = array<i32>} : memref<16x384xf32, #tpu.memory_space<vmem>>, vector<1x16xf32>,
        %swap3A_966 = vector.shape_cast %swap3A_965 : vector<1x16xf32> to vector<16xf32>
        %swap3A_967 = vector.shape_cast %add3A_962 : vector<16xf32> to vector<1x16xf32>
        tpu.vector_store %arg17[%swap3A_963, %swap3A_964], %swap3A_967 {strides = array<i32>} : memref<16x384xf32, #tpu.memory_space<vmem>>, vector<1x16xf32>,
        %get3A_968 = arith.index_cast %scan3A_185 : i32 to index
        %get3A_969 = arith.constant 368 : index
        %get3A_970 = tpu.vector_load %arg17[%get3A_968, %get3A_969] {strides = array<i32>} : memref<16x384xf32, #tpu.memory_space<vmem>>, vector<1x16xf32>,
        %get3A_971 = vector.shape_cast %get3A_970 : vector<1x16xf32> to vector<16xf32>
        %get3A_972 = arith.index_cast %scan3A_185 : i32 to index
        %get3A_973 = arith.constant 368 : index
        %get3A_974 = tpu.vector_load %arg18[%get3A_972, %get3A_973] {strides = array<i32>} : memref<16x384xf32, #tpu.memory_space<vmem>>, vector<1x16xf32>,
        %get3A_975 = vector.shape_cast %get3A_974 : vector<1x16xf32> to vector<16xf32>
        %add3A_976 = arith.addf %get3A_971, %get3A_975 : vector<16xf32>
        %get3A_977 = arith.index_cast %scan3A_185 : i32 to index
        %get3A_978 = arith.constant 368 : index
        %get3A_979 = tpu.vector_load %arg19[%get3A_977, %get3A_978] {strides = array<i32>} : memref<16x384xf32, #tpu.memory_space<vmem>>, vector<1x16xf32>,
        %get3A_980 = vector.shape_cast %get3A_979 : vector<1x16xf32> to vector<16xf32>
        %get3A_981 = arith.index_cast %scan3A_185 : i32 to index
        %get3A_982 = arith.constant 368 : index
        %get3A_983 = tpu.vector_load %arg20[%get3A_981, %get3A_982] {strides = array<i32>} : memref<16x384xf32, #tpu.memory_space<vmem>>, vector<1x16xf32>,
        %get3A_984 = vector.shape_cast %get3A_983 : vector<1x16xf32> to vector<16xf32>
        %add3A_985 = arith.addf %get3A_980, %get3A_984 : vector<16xf32>
        %add3A_986 = arith.addf %add3A_976, %add3A_985 : vector<16xf32>
        %get3A_987 = arith.index_cast %scan3A_185 : i32 to index
        %get3A_988 = arith.constant 368 : index
        %get3A_989 = tpu.vector_load %arg21[%get3A_987, %get3A_988] {strides = array<i32>} : memref<16x384xf32, #tpu.memory_space<vmem>>, vector<1x16xf32>,
        %get3A_990 = vector.shape_cast %get3A_989 : vector<1x16xf32> to vector<16xf32>
        %get3A_991 = arith.index_cast %scan3A_185 : i32 to index
        %get3A_992 = arith.constant 368 : index
        %get3A_993 = tpu.vector_load %arg22[%get3A_991, %get3A_992] {strides = array<i32>} : memref<16x384xf32, #tpu.memory_space<vmem>>, vector<1x16xf32>,
        %get3A_994 = vector.shape_cast %get3A_993 : vector<1x16xf32> to vector<16xf32>
        %add3A_995 = arith.addf %get3A_990, %get3A_994 : vector<16xf32>
        %add3A_996 = arith.addf %add3A_986, %add3A_995 : vector<16xf32>
        %swap3A_997 = arith.index_cast %scan3A_185 : i32 to index
        %swap3A_998 = arith.constant 368 : index
        %swap3A_999 = tpu.vector_load %arg17[%swap3A_997, %swap3A_998] {strides = array<i32>} : memref<16x384xf32, #tpu.memory_space<vmem>>, vector<1x16xf32>,
        %swap3A_1000 = vector.shape_cast %swap3A_999 : vector<1x16xf32> to vector<16xf32>
        %swap3A_1001 = vector.shape_cast %add3A_996 : vector<16xf32> to vector<1x16xf32>
        tpu.vector_store %arg17[%swap3A_997, %swap3A_998], %swap3A_1001 {strides = array<i32>} : memref<16x384xf32, #tpu.memory_space<vmem>>, vector<1x16xf32>,
        %scan3A_1002 = arith.constant 0 : i32
        scf.yield %scan3A_1002 : i32
      }
      %scan3A_111 = arith.constant 16 : i32
      %mul3A_112 = arith.constant 16 : i32
      %mul3A_113 = arith.muli %add3A_56, %mul3A_112 : i32
      %add3A_114 = arith.addi %mul3A_0, %mul3A_113 : i32
      %dma_start3A_115 = tpu.memref_slice %arg12[%add3A_114, %mul3A_2] : memref<8192x768xf32, #tpu.memory_space<hbm>> -> memref<16x384xf32, #tpu.memory_space<hbm>>
      %dma_start3A_116 = tpu.memref_slice %arg12[%add3A_114, %mul3A_2] : memref<8192x768xf32, #tpu.memory_space<hbm>> -> memref<16x384xf32, #tpu.memory_space<hbm>>
      tpu.enqueue_dma source(%arg17 : memref<16x384xf32, #tpu.memory_space<vmem>>) target(%dma_start3A_116 : memref<16x384xf32, #tpu.memory_space<hbm>>) target_semaphore(%arg30 : memref<!tpu.dma_semaphore, #tpu.memory_space<semaphore_mem>>)
      %mul3A_117 = arith.constant 2 : i32
      %mul3A_118 = arith.muli %scan3A_51, %mul3A_117 : i32
      %add3A_119 = arith.constant 1 : i32
      %add3A_120 = arith.addi %mul3A_118, %add3A_119 : i32
      %add3A_121 = arith.constant 1 : i32
      %add3A_122 = arith.addi %add3A_120, %add3A_121 : i32
      %lt3A_123 = arith.constant 32 : i32
      %lt3A_124 = arith.cmpi slt, %add3A_122, %lt3A_123 : i32
      %convert_element_type3A_125 = arith.extui %lt3A_124 : i1 to i32
      %cond3A_126 = arith.constant 0 : i32
      %cond3A_127 = arith.cmpi ne, %convert_element_type3A_125, %cond3A_126 : i32
      scf.if %cond3A_127 {
        %ge3A = arith.constant 1 : i32
        %ge3A_185 = arith.cmpi sge, %add3A_120, %ge3A : i32
        %convert_element_type3A_186 = arith.extui %ge3A_185 : i1 to i32
        %cond3A_187 = arith.constant 0 : i32
        %cond3A_188 = arith.cmpi ne, %convert_element_type3A_186, %cond3A_187 : i32
        scf.if %cond3A_188 {
          %sub3A_235 = arith.constant 1 : i32
          %sub3A_236 = arith.subi %add3A_120, %sub3A_235 : i32
          %mul3A_237 = arith.constant 16 : i32
          %mul3A_238 = arith.muli %sub3A_236, %mul3A_237 : i32
          %add3A_239 = arith.addi %mul3A_0, %mul3A_238 : i32
          %dma_wait3A_240 = tpu.memref_slice %arg12[%add3A_239, %mul3A_2] : memref<8192x768xf32, #tpu.memory_space<hbm>> -> memref<16x384xf32, #tpu.memory_space<hbm>>
          %dma_wait3A_241 = tpu.memref_slice %arg12[%add3A_239, %mul3A_2] : memref<8192x768xf32, #tpu.memory_space<hbm>> -> memref<16x384xf32, #tpu.memory_space<hbm>>
          tpu.wait_dma2 semaphore(%arg30 : memref<!tpu.dma_semaphore, #tpu.memory_space<semaphore_mem>>) src(%arg17 : memref<16x384xf32, #tpu.memory_space<vmem>>) dst(%dma_wait3A_241 : memref<16x384xf32, #tpu.memory_space<hbm>>)
        } else {
        }
        %add3A_189 = arith.constant 1 : i32
        %add3A_190 = arith.addi %add3A_120, %add3A_189 : i32
        %mul3A_191 = arith.constant 16 : i32
        %mul3A_192 = arith.muli %add3A_190, %mul3A_191 : i32
        %get3A_193 = arith.index_cast %mul3A_192 : i32 to index
        %get3A_194 = tpu.vector_load %arg13[%get3A_193] {strides = array<i32>} : memref<512xi32, #tpu.memory_space<vmem>>, vector<16xi32>,
        %get3A_195 = vector.shape_cast %get3A_194 : vector<16xi32> to vector<16xi32>
        %get3A_196 = arith.index_cast %mul3A_192 : i32 to index
        %get3A_197 = tpu.vector_load %arg14[%get3A_196] {strides = array<i32>} : memref<512xi32, #tpu.memory_space<vmem>>, vector<16xi32>,
        %get3A_198 = vector.shape_cast %get3A_197 : vector<16xi32> to vector<16xi32>
        %get3A_199 = arith.index_cast %mul3A_192 : i32 to index
        %get3A_200 = tpu.vector_load %arg15[%get3A_199] {strides = array<i32>} : memref<512xi32, #tpu.memory_space<vmem>>, vector<16xi32>,
        %get3A_201 = vector.shape_cast %get3A_200 : vector<16xi32> to vector<16xi32>
        %get3A_202 = arith.index_cast %mul3A_192 : i32 to index
        %get3A_203 = tpu.vector_load %arg16[%get3A_202] {strides = array<i32>} : memref<512xi32, #tpu.memory_space<vmem>>, vector<16xi32>,
        %get3A_204 = vector.shape_cast %get3A_203 : vector<16xi32> to vector<16xi32>
        %broadcast_in_dim3A_205 = arith.constant 0 : i32
        %broadcast_in_dim3A_206 = vector.broadcast %broadcast_in_dim3A_205 : i32 to vector<16xi32>
        %broadcast_in_dim3A_207 = arith.constant 1023 : i32
        %broadcast_in_dim3A_208 = vector.broadcast %broadcast_in_dim3A_207 : i32 to vector<16xi32>
        %max3A_209 = arith.maxsi %get3A_195, %broadcast_in_dim3A_206 : vector<16xi32>
        %min3A_210 = arith.minsi %max3A_209, %broadcast_in_dim3A_208 : vector<16xi32>
        %max3A_211 = arith.maxsi %get3A_198, %broadcast_in_dim3A_206 : vector<16xi32>
        %min3A_212 = arith.minsi %max3A_211, %broadcast_in_dim3A_208 : vector<16xi32>
        %max3A_213 = arith.maxsi %get3A_201, %broadcast_in_dim3A_206 : vector<16xi32>
        %min3A_214 = arith.minsi %max3A_213, %broadcast_in_dim3A_208 : vector<16xi32>
        %max3A_215 = arith.maxsi %get3A_204, %broadcast_in_dim3A_206 : vector<16xi32>
        %min3A_216 = arith.minsi %max3A_215, %broadcast_in_dim3A_208 : vector<16xi32>
        %sub3A_217 = arith.subi %min3A_214, %min3A_210 : vector<16xi32>
        %max3A_218 = arith.maxsi %sub3A_217, %broadcast_in_dim3A_206 : vector<16xi32>
        %min3A_219 = arith.minsi %max3A_218, %broadcast_in_dim3A_208 : vector<16xi32>
        %sub3A_220 = arith.subi %min3A_216, %min3A_212 : vector<16xi32>
        %max3A_221 = arith.maxsi %sub3A_220, %broadcast_in_dim3A_206 : vector<16xi32>
        %min3A_222 = arith.minsi %max3A_221, %broadcast_in_dim3A_208 : vector<16xi32>
        %dma_start3A_223 = arith.constant 0 : i32
        %dma_start3A_224 = tpu.memref_slice %arg6[%dma_start3A_223, %mul3A_2] : memref<1024x768xf32, #tpu.memory_space<hbm>> -> memref<1024x384xf32, #tpu.memory_space<hbm>>
        tpu.enqueue_indirect_dma source(%dma_start3A_224 : memref<1024x384xf32, #tpu.memory_space<hbm>>) target(%arg17 : memref<16x384xf32, #tpu.memory_space<vmem>>) offsets(%min3A_210 : vector<16xi32>) semaphore(%arg29 : memref<!tpu.dma_semaphore, #tpu.memory_space<semaphore_mem>>)
        %dma_start3A_225 = arith.constant 0 : i32
        %dma_start3A_226 = tpu.memref_slice %arg7[%dma_start3A_225, %mul3A_2] : memref<1024x768xf32, #tpu.memory_space<hbm>> -> memref<1024x384xf32, #tpu.memory_space<hbm>>
        tpu.enqueue_indirect_dma source(%dma_start3A_226 : memref<1024x384xf32, #tpu.memory_space<hbm>>) target(%arg18 : memref<16x384xf32, #tpu.memory_space<vmem>>) offsets(%min3A_212 : vector<16xi32>) semaphore(%arg29 : memref<!tpu.dma_semaphore, #tpu.memory_space<semaphore_mem>>)
        %dma_start3A_227 = arith.constant 0 : i32
        %dma_start3A_228 = tpu.memref_slice %arg8[%dma_start3A_227, %mul3A_2] : memref<1024x768xf32, #tpu.memory_space<hbm>> -> memref<1024x384xf32, #tpu.memory_space<hbm>>
        tpu.enqueue_indirect_dma source(%dma_start3A_228 : memref<1024x384xf32, #tpu.memory_space<hbm>>) target(%arg19 : memref<16x384xf32, #tpu.memory_space<vmem>>) offsets(%min3A_214 : vector<16xi32>) semaphore(%arg29 : memref<!tpu.dma_semaphore, #tpu.memory_space<semaphore_mem>>)
        %dma_start3A_229 = arith.constant 0 : i32
        %dma_start3A_230 = tpu.memref_slice %arg9[%dma_start3A_229, %mul3A_2] : memref<1024x768xf32, #tpu.memory_space<hbm>> -> memref<1024x384xf32, #tpu.memory_space<hbm>>
        tpu.enqueue_indirect_dma source(%dma_start3A_230 : memref<1024x384xf32, #tpu.memory_space<hbm>>) target(%arg20 : memref<16x384xf32, #tpu.memory_space<vmem>>) offsets(%min3A_216 : vector<16xi32>) semaphore(%arg29 : memref<!tpu.dma_semaphore, #tpu.memory_space<semaphore_mem>>)
        %dma_start3A_231 = arith.constant 0 : i32
        %dma_start3A_232 = tpu.memref_slice %arg10[%dma_start3A_231, %mul3A_2] : memref<1024x768xf32, #tpu.memory_space<hbm>> -> memref<1024x384xf32, #tpu.memory_space<hbm>>
        tpu.enqueue_indirect_dma source(%dma_start3A_232 : memref<1024x384xf32, #tpu.memory_space<hbm>>) target(%arg21 : memref<16x384xf32, #tpu.memory_space<vmem>>) offsets(%min3A_219 : vector<16xi32>) semaphore(%arg29 : memref<!tpu.dma_semaphore, #tpu.memory_space<semaphore_mem>>)
        %dma_start3A_233 = arith.constant 0 : i32
        %dma_start3A_234 = tpu.memref_slice %arg11[%dma_start3A_233, %mul3A_2] : memref<1024x768xf32, #tpu.memory_space<hbm>> -> memref<1024x384xf32, #tpu.memory_space<hbm>>
        tpu.enqueue_indirect_dma source(%dma_start3A_234 : memref<1024x384xf32, #tpu.memory_space<hbm>>) target(%arg22 : memref<16x384xf32, #tpu.memory_space<vmem>>) offsets(%min3A_222 : vector<16xi32>) semaphore(%arg29 : memref<!tpu.dma_semaphore, #tpu.memory_space<semaphore_mem>>)
      } else {
      }
      %mul3A_128 = arith.constant 16 : i32
      %mul3A_129 = arith.muli %add3A_120, %mul3A_128 : i32
      %get3A_130 = arith.index_cast %mul3A_129 : i32 to index
      %get3A_131 = tpu.vector_load %arg13[%get3A_130] {strides = array<i32>} : memref<512xi32, #tpu.memory_space<vmem>>, vector<16xi32>,
      %get3A_132 = vector.shape_cast %get3A_131 : vector<16xi32> to vector<16xi32>
      %get3A_133 = arith.index_cast %mul3A_129 : i32 to index
      %get3A_134 = tpu.vector_load %arg14[%get3A_133] {strides = array<i32>} : memref<512xi32, #tpu.memory_space<vmem>>, vector<16xi32>,
      %get3A_135 = vector.shape_cast %get3A_134 : vector<16xi32> to vector<16xi32>
      %get3A_136 = arith.index_cast %mul3A_129 : i32 to index
      %get3A_137 = tpu.vector_load %arg15[%get3A_136] {strides = array<i32>} : memref<512xi32, #tpu.memory_space<vmem>>, vector<16xi32>,
      %get3A_138 = vector.shape_cast %get3A_137 : vector<16xi32> to vector<16xi32>
      %get3A_139 = arith.index_cast %mul3A_129 : i32 to index
      %get3A_140 = tpu.vector_load %arg16[%get3A_139] {strides = array<i32>} : memref<512xi32, #tpu.memory_space<vmem>>, vector<16xi32>,
      %get3A_141 = vector.shape_cast %get3A_140 : vector<16xi32> to vector<16xi32>
      %broadcast_in_dim3A_142 = arith.constant 0 : i32
      %broadcast_in_dim3A_143 = vector.broadcast %broadcast_in_dim3A_142 : i32 to vector<16xi32>
      %broadcast_in_dim3A_144 = arith.constant 1023 : i32
      %broadcast_in_dim3A_145 = vector.broadcast %broadcast_in_dim3A_144 : i32 to vector<16xi32>
      %max3A_146 = arith.maxsi %get3A_132, %broadcast_in_dim3A_143 : vector<16xi32>
      %min3A_147 = arith.minsi %max3A_146, %broadcast_in_dim3A_145 : vector<16xi32>
      %max3A_148 = arith.maxsi %get3A_135, %broadcast_in_dim3A_143 : vector<16xi32>
      %min3A_149 = arith.minsi %max3A_148, %broadcast_in_dim3A_145 : vector<16xi32>
      %max3A_150 = arith.maxsi %get3A_138, %broadcast_in_dim3A_143 : vector<16xi32>
      %min3A_151 = arith.minsi %max3A_150, %broadcast_in_dim3A_145 : vector<16xi32>
      %max3A_152 = arith.maxsi %get3A_141, %broadcast_in_dim3A_143 : vector<16xi32>
      %min3A_153 = arith.minsi %max3A_152, %broadcast_in_dim3A_145 : vector<16xi32>
      %sub3A_154 = arith.subi %min3A_151, %min3A_147 : vector<16xi32>
      %max3A_155 = arith.maxsi %sub3A_154, %broadcast_in_dim3A_143 : vector<16xi32>
      %min3A_156 = arith.minsi %max3A_155, %broadcast_in_dim3A_145 : vector<16xi32>
      %sub3A_157 = arith.subi %min3A_153, %min3A_149 : vector<16xi32>
      %max3A_158 = arith.maxsi %sub3A_157, %broadcast_in_dim3A_143 : vector<16xi32>
      %min3A_159 = arith.minsi %max3A_158, %broadcast_in_dim3A_145 : vector<16xi32>
      %dma_wait3A_160 = arith.constant 0 : i32
      %dma_wait3A_161 = tpu.memref_slice %arg6[%dma_wait3A_160, %mul3A_2] : memref<1024x768xf32, #tpu.memory_space<hbm>> -> memref<1024x384xf32, #tpu.memory_space<hbm>>
      tpu.wait_indirect_dma semaphore(%arg29 : memref<!tpu.dma_semaphore, #tpu.memory_space<semaphore_mem>>) src(%dma_wait3A_161 : memref<1024x384xf32, #tpu.memory_space<hbm>>) dst(%arg23 : memref<16x384xf32, #tpu.memory_space<vmem>>)
      %dma_wait3A_162 = arith.constant 0 : i32
      %dma_wait3A_163 = tpu.memref_slice %arg7[%dma_wait3A_162, %mul3A_2] : memref<1024x768xf32, #tpu.memory_space<hbm>> -> memref<1024x384xf32, #tpu.memory_space<hbm>>
      tpu.wait_indirect_dma semaphore(%arg29 : memref<!tpu.dma_semaphore, #tpu.memory_space<semaphore_mem>>) src(%dma_wait3A_163 : memref<1024x384xf32, #tpu.memory_space<hbm>>) dst(%arg24 : memref<16x384xf32, #tpu.memory_space<vmem>>)
      %dma_wait3A_164 = arith.constant 0 : i32
      %dma_wait3A_165 = tpu.memref_slice %arg8[%dma_wait3A_164, %mul3A_2] : memref<1024x768xf32, #tpu.memory_space<hbm>> -> memref<1024x384xf32, #tpu.memory_space<hbm>>
      tpu.wait_indirect_dma semaphore(%arg29 : memref<!tpu.dma_semaphore, #tpu.memory_space<semaphore_mem>>) src(%dma_wait3A_165 : memref<1024x384xf32, #tpu.memory_space<hbm>>) dst(%arg25 : memref<16x384xf32, #tpu.memory_space<vmem>>)
      %dma_wait3A_166 = arith.constant 0 : i32
      %dma_wait3A_167 = tpu.memref_slice %arg9[%dma_wait3A_166, %mul3A_2] : memref<1024x768xf32, #tpu.memory_space<hbm>> -> memref<1024x384xf32, #tpu.memory_space<hbm>>
      tpu.wait_indirect_dma semaphore(%arg29 : memref<!tpu.dma_semaphore, #tpu.memory_space<semaphore_mem>>) src(%dma_wait3A_167 : memref<1024x384xf32, #tpu.memory_space<hbm>>) dst(%arg26 : memref<16x384xf32, #tpu.memory_space<vmem>>)
      %dma_wait3A_168 = arith.constant 0 : i32
      %dma_wait3A_169 = tpu.memref_slice %arg10[%dma_wait3A_168, %mul3A_2] : memref<1024x768xf32, #tpu.memory_space<hbm>> -> memref<1024x384xf32, #tpu.memory_space<hbm>>
      tpu.wait_indirect_dma semaphore(%arg29 : memref<!tpu.dma_semaphore, #tpu.memory_space<semaphore_mem>>) src(%dma_wait3A_169 : memref<1024x384xf32, #tpu.memory_space<hbm>>) dst(%arg27 : memref<16x384xf32, #tpu.memory_space<vmem>>)
      %dma_wait3A_170 = arith.constant 0 : i32
      %dma_wait3A_171 = tpu.memref_slice %arg11[%dma_wait3A_170, %mul3A_2] : memref<1024x768xf32, #tpu.memory_space<hbm>> -> memref<1024x384xf32, #tpu.memory_space<hbm>>
      tpu.wait_indirect_dma semaphore(%arg29 : memref<!tpu.dma_semaphore, #tpu.memory_space<semaphore_mem>>) src(%dma_wait3A_171 : memref<1024x384xf32, #tpu.memory_space<hbm>>) dst(%arg28 : memref<16x384xf32, #tpu.memory_space<vmem>>)
      %scan3A_172 = arith.constant 0 : i32
      %scan3A_173 = arith.constant 0 : i32
      %scan3A_174 = arith.constant 16 : i32
      %scan3A_175 = arith.addi %scan3A_173, %scan3A_174 : i32
      %scan3A_176 = arith.constant 1 : i32
      %scan3A_177 = scf.for %scan3A_185 = %scan3A_173 to %scan3A_175 step %scan3A_176 iter_args(%scan3A_186 = %scan3A_172) -> (i32)  : i32 {
        %get3A_187 = arith.index_cast %scan3A_185 : i32 to index
        %get3A_188 = arith.constant 0 : index
        %get3A_189 = tpu.vector_load %arg23[%get3A_187, %get3A_188] {strides = array<i32>} : memref<16x384xf32, #tpu.memory_space<vmem>>, vector<1x16xf32>,
        %get3A_190 = vector.shape_cast %get3A_189 : vector<1x16xf32> to vector<16xf32>
        %get3A_191 = arith.index_cast %scan3A_185 : i32 to index
        %get3A_192 = arith.constant 0 : index
        %get3A_193 = tpu.vector_load %arg24[%get3A_191, %get3A_192] {strides = array<i32>} : memref<16x384xf32, #tpu.memory_space<vmem>>, vector<1x16xf32>,
        %get3A_194 = vector.shape_cast %get3A_193 : vector<1x16xf32> to vector<16xf32>
        %add3A_195 = arith.addf %get3A_190, %get3A_194 : vector<16xf32>
        %get3A_196 = arith.index_cast %scan3A_185 : i32 to index
        %get3A_197 = arith.constant 0 : index
        %get3A_198 = tpu.vector_load %arg25[%get3A_196, %get3A_197] {strides = array<i32>} : memref<16x384xf32, #tpu.memory_space<vmem>>, vector<1x16xf32>,
        %get3A_199 = vector.shape_cast %get3A_198 : vector<1x16xf32> to vector<16xf32>
        %get3A_200 = arith.index_cast %scan3A_185 : i32 to index
        %get3A_201 = arith.constant 0 : index
        %get3A_202 = tpu.vector_load %arg26[%get3A_200, %get3A_201] {strides = array<i32>} : memref<16x384xf32, #tpu.memory_space<vmem>>, vector<1x16xf32>,
        %get3A_203 = vector.shape_cast %get3A_202 : vector<1x16xf32> to vector<16xf32>
        %add3A_204 = arith.addf %get3A_199, %get3A_203 : vector<16xf32>
        %add3A_205 = arith.addf %add3A_195, %add3A_204 : vector<16xf32>
        %get3A_206 = arith.index_cast %scan3A_185 : i32 to index
        %get3A_207 = arith.constant 0 : index
        %get3A_208 = tpu.vector_load %arg27[%get3A_206, %get3A_207] {strides = array<i32>} : memref<16x384xf32, #tpu.memory_space<vmem>>, vector<1x16xf32>,
        %get3A_209 = vector.shape_cast %get3A_208 : vector<1x16xf32> to vector<16xf32>
        %get3A_210 = arith.index_cast %scan3A_185 : i32 to index
        %get3A_211 = arith.constant 0 : index
        %get3A_212 = tpu.vector_load %arg28[%get3A_210, %get3A_211] {strides = array<i32>} : memref<16x384xf32, #tpu.memory_space<vmem>>, vector<1x16xf32>,
        %get3A_213 = vector.shape_cast %get3A_212 : vector<1x16xf32> to vector<16xf32>
        %add3A_214 = arith.addf %get3A_209, %get3A_213 : vector<16xf32>
        %add3A_215 = arith.addf %add3A_205, %add3A_214 : vector<16xf32>
        %swap3A = arith.index_cast %scan3A_185 : i32 to index
        %swap3A_216 = arith.constant 0 : index
        %swap3A_217 = tpu.vector_load %arg23[%swap3A, %swap3A_216] {strides = array<i32>} : memref<16x384xf32, #tpu.memory_space<vmem>>, vector<1x16xf32>,
        %swap3A_218 = vector.shape_cast %swap3A_217 : vector<1x16xf32> to vector<16xf32>
        %swap3A_219 = vector.shape_cast %add3A_215 : vector<16xf32> to vector<1x16xf32>
        tpu.vector_store %arg23[%swap3A, %swap3A_216], %swap3A_219 {strides = array<i32>} : memref<16x384xf32, #tpu.memory_space<vmem>>, vector<1x16xf32>,
        %get3A_220 = arith.index_cast %scan3A_185 : i32 to index
        %get3A_221 = arith.constant 16 : index
        %get3A_222 = tpu.vector_load %arg23[%get3A_220, %get3A_221] {strides = array<i32>} : memref<16x384xf32, #tpu.memory_space<vmem>>, vector<1x16xf32>,
        %get3A_223 = vector.shape_cast %get3A_222 : vector<1x16xf32> to vector<16xf32>
        %get3A_224 = arith.index_cast %scan3A_185 : i32 to index
        %get3A_225 = arith.constant 16 : index
        %get3A_226 = tpu.vector_load %arg24[%get3A_224, %get3A_225] {strides = array<i32>} : memref<16x384xf32, #tpu.memory_space<vmem>>, vector<1x16xf32>,
        %get3A_227 = vector.shape_cast %get3A_226 : vector<1x16xf32> to vector<16xf32>
        %add3A_228 = arith.addf %get3A_223, %get3A_227 : vector<16xf32>
        %get3A_229 = arith.index_cast %scan3A_185 : i32 to index
        %get3A_230 = arith.constant 16 : index
        %get3A_231 = tpu.vector_load %arg25[%get3A_229, %get3A_230] {strides = array<i32>} : memref<16x384xf32, #tpu.memory_space<vmem>>, vector<1x16xf32>,
        %get3A_232 = vector.shape_cast %get3A_231 : vector<1x16xf32> to vector<16xf32>
        %get3A_233 = arith.index_cast %scan3A_185 : i32 to index
        %get3A_234 = arith.constant 16 : index
        %get3A_235 = tpu.vector_load %arg26[%get3A_233, %get3A_234] {strides = array<i32>} : memref<16x384xf32, #tpu.memory_space<vmem>>, vector<1x16xf32>,
        %get3A_236 = vector.shape_cast %get3A_235 : vector<1x16xf32> to vector<16xf32>
        %add3A_237 = arith.addf %get3A_232, %get3A_236 : vector<16xf32>
        %add3A_238 = arith.addf %add3A_228, %add3A_237 : vector<16xf32>
        %get3A_239 = arith.index_cast %scan3A_185 : i32 to index
        %get3A_240 = arith.constant 16 : index
        %get3A_241 = tpu.vector_load %arg27[%get3A_239, %get3A_240] {strides = array<i32>} : memref<16x384xf32, #tpu.memory_space<vmem>>, vector<1x16xf32>,
        %get3A_242 = vector.shape_cast %get3A_241 : vector<1x16xf32> to vector<16xf32>
        %get3A_243 = arith.index_cast %scan3A_185 : i32 to index
        %get3A_244 = arith.constant 16 : index
        %get3A_245 = tpu.vector_load %arg28[%get3A_243, %get3A_244] {strides = array<i32>} : memref<16x384xf32, #tpu.memory_space<vmem>>, vector<1x16xf32>,
        %get3A_246 = vector.shape_cast %get3A_245 : vector<1x16xf32> to vector<16xf32>
        %add3A_247 = arith.addf %get3A_242, %get3A_246 : vector<16xf32>
        %add3A_248 = arith.addf %add3A_238, %add3A_247 : vector<16xf32>
        %swap3A_249 = arith.index_cast %scan3A_185 : i32 to index
        %swap3A_250 = arith.constant 16 : index
        %swap3A_251 = tpu.vector_load %arg23[%swap3A_249, %swap3A_250] {strides = array<i32>} : memref<16x384xf32, #tpu.memory_space<vmem>>, vector<1x16xf32>,
        %swap3A_252 = vector.shape_cast %swap3A_251 : vector<1x16xf32> to vector<16xf32>
        %swap3A_253 = vector.shape_cast %add3A_248 : vector<16xf32> to vector<1x16xf32>
        tpu.vector_store %arg23[%swap3A_249, %swap3A_250], %swap3A_253 {strides = array<i32>} : memref<16x384xf32, #tpu.memory_space<vmem>>, vector<1x16xf32>,
        %get3A_254 = arith.index_cast %scan3A_185 : i32 to index
        %get3A_255 = arith.constant 32 : index
        %get3A_256 = tpu.vector_load %arg23[%get3A_254, %get3A_255] {strides = array<i32>} : memref<16x384xf32, #tpu.memory_space<vmem>>, vector<1x16xf32>,
        %get3A_257 = vector.shape_cast %get3A_256 : vector<1x16xf32> to vector<16xf32>
        %get3A_258 = arith.index_cast %scan3A_185 : i32 to index
        %get3A_259 = arith.constant 32 : index
        %get3A_260 = tpu.vector_load %arg24[%get3A_258, %get3A_259] {strides = array<i32>} : memref<16x384xf32, #tpu.memory_space<vmem>>, vector<1x16xf32>,
        %get3A_261 = vector.shape_cast %get3A_260 : vector<1x16xf32> to vector<16xf32>
        %add3A_262 = arith.addf %get3A_257, %get3A_261 : vector<16xf32>
        %get3A_263 = arith.index_cast %scan3A_185 : i32 to index
        %get3A_264 = arith.constant 32 : index
        %get3A_265 = tpu.vector_load %arg25[%get3A_263, %get3A_264] {strides = array<i32>} : memref<16x384xf32, #tpu.memory_space<vmem>>, vector<1x16xf32>,
        %get3A_266 = vector.shape_cast %get3A_265 : vector<1x16xf32> to vector<16xf32>
        %get3A_267 = arith.index_cast %scan3A_185 : i32 to index
        %get3A_268 = arith.constant 32 : index
        %get3A_269 = tpu.vector_load %arg26[%get3A_267, %get3A_268] {strides = array<i32>} : memref<16x384xf32, #tpu.memory_space<vmem>>, vector<1x16xf32>,
        %get3A_270 = vector.shape_cast %get3A_269 : vector<1x16xf32> to vector<16xf32>
        %add3A_271 = arith.addf %get3A_266, %get3A_270 : vector<16xf32>
        %add3A_272 = arith.addf %add3A_262, %add3A_271 : vector<16xf32>
        %get3A_273 = arith.index_cast %scan3A_185 : i32 to index
        %get3A_274 = arith.constant 32 : index
        %get3A_275 = tpu.vector_load %arg27[%get3A_273, %get3A_274] {strides = array<i32>} : memref<16x384xf32, #tpu.memory_space<vmem>>, vector<1x16xf32>,
        %get3A_276 = vector.shape_cast %get3A_275 : vector<1x16xf32> to vector<16xf32>
        %get3A_277 = arith.index_cast %scan3A_185 : i32 to index
        %get3A_278 = arith.constant 32 : index
        %get3A_279 = tpu.vector_load %arg28[%get3A_277, %get3A_278] {strides = array<i32>} : memref<16x384xf32, #tpu.memory_space<vmem>>, vector<1x16xf32>,
        %get3A_280 = vector.shape_cast %get3A_279 : vector<1x16xf32> to vector<16xf32>
        %add3A_281 = arith.addf %get3A_276, %get3A_280 : vector<16xf32>
        %add3A_282 = arith.addf %add3A_272, %add3A_281 : vector<16xf32>
        %swap3A_283 = arith.index_cast %scan3A_185 : i32 to index
        %swap3A_284 = arith.constant 32 : index
        %swap3A_285 = tpu.vector_load %arg23[%swap3A_283, %swap3A_284] {strides = array<i32>} : memref<16x384xf32, #tpu.memory_space<vmem>>, vector<1x16xf32>,
        %swap3A_286 = vector.shape_cast %swap3A_285 : vector<1x16xf32> to vector<16xf32>
        %swap3A_287 = vector.shape_cast %add3A_282 : vector<16xf32> to vector<1x16xf32>
        tpu.vector_store %arg23[%swap3A_283, %swap3A_284], %swap3A_287 {strides = array<i32>} : memref<16x384xf32, #tpu.memory_space<vmem>>, vector<1x16xf32>,
        %get3A_288 = arith.index_cast %scan3A_185 : i32 to index
        %get3A_289 = arith.constant 48 : index
        %get3A_290 = tpu.vector_load %arg23[%get3A_288, %get3A_289] {strides = array<i32>} : memref<16x384xf32, #tpu.memory_space<vmem>>, vector<1x16xf32>,
        %get3A_291 = vector.shape_cast %get3A_290 : vector<1x16xf32> to vector<16xf32>
        %get3A_292 = arith.index_cast %scan3A_185 : i32 to index
        %get3A_293 = arith.constant 48 : index
        %get3A_294 = tpu.vector_load %arg24[%get3A_292, %get3A_293] {strides = array<i32>} : memref<16x384xf32, #tpu.memory_space<vmem>>, vector<1x16xf32>,
        %get3A_295 = vector.shape_cast %get3A_294 : vector<1x16xf32> to vector<16xf32>
        %add3A_296 = arith.addf %get3A_291, %get3A_295 : vector<16xf32>
        %get3A_297 = arith.index_cast %scan3A_185 : i32 to index
        %get3A_298 = arith.constant 48 : index
        %get3A_299 = tpu.vector_load %arg25[%get3A_297, %get3A_298] {strides = array<i32>} : memref<16x384xf32, #tpu.memory_space<vmem>>, vector<1x16xf32>,
        %get3A_300 = vector.shape_cast %get3A_299 : vector<1x16xf32> to vector<16xf32>
        %get3A_301 = arith.index_cast %scan3A_185 : i32 to index
        %get3A_302 = arith.constant 48 : index
        %get3A_303 = tpu.vector_load %arg26[%get3A_301, %get3A_302] {strides = array<i32>} : memref<16x384xf32, #tpu.memory_space<vmem>>, vector<1x16xf32>,
        %get3A_304 = vector.shape_cast %get3A_303 : vector<1x16xf32> to vector<16xf32>
        %add3A_305 = arith.addf %get3A_300, %get3A_304 : vector<16xf32>
        %add3A_306 = arith.addf %add3A_296, %add3A_305 : vector<16xf32>
        %get3A_307 = arith.index_cast %scan3A_185 : i32 to index
        %get3A_308 = arith.constant 48 : index
        %get3A_309 = tpu.vector_load %arg27[%get3A_307, %get3A_308] {strides = array<i32>} : memref<16x384xf32, #tpu.memory_space<vmem>>, vector<1x16xf32>,
        %get3A_310 = vector.shape_cast %get3A_309 : vector<1x16xf32> to vector<16xf32>
        %get3A_311 = arith.index_cast %scan3A_185 : i32 to index
        %get3A_312 = arith.constant 48 : index
        %get3A_313 = tpu.vector_load %arg28[%get3A_311, %get3A_312] {strides = array<i32>} : memref<16x384xf32, #tpu.memory_space<vmem>>, vector<1x16xf32>,
        %get3A_314 = vector.shape_cast %get3A_313 : vector<1x16xf32> to vector<16xf32>
        %add3A_315 = arith.addf %get3A_310, %get3A_314 : vector<16xf32>
        %add3A_316 = arith.addf %add3A_306, %add3A_315 : vector<16xf32>
        %swap3A_317 = arith.index_cast %scan3A_185 : i32 to index
        %swap3A_318 = arith.constant 48 : index
        %swap3A_319 = tpu.vector_load %arg23[%swap3A_317, %swap3A_318] {strides = array<i32>} : memref<16x384xf32, #tpu.memory_space<vmem>>, vector<1x16xf32>,
        %swap3A_320 = vector.shape_cast %swap3A_319 : vector<1x16xf32> to vector<16xf32>
        %swap3A_321 = vector.shape_cast %add3A_316 : vector<16xf32> to vector<1x16xf32>
        tpu.vector_store %arg23[%swap3A_317, %swap3A_318], %swap3A_321 {strides = array<i32>} : memref<16x384xf32, #tpu.memory_space<vmem>>, vector<1x16xf32>,
        %get3A_322 = arith.index_cast %scan3A_185 : i32 to index
        %get3A_323 = arith.constant 64 : index
        %get3A_324 = tpu.vector_load %arg23[%get3A_322, %get3A_323] {strides = array<i32>} : memref<16x384xf32, #tpu.memory_space<vmem>>, vector<1x16xf32>,
        %get3A_325 = vector.shape_cast %get3A_324 : vector<1x16xf32> to vector<16xf32>
        %get3A_326 = arith.index_cast %scan3A_185 : i32 to index
        %get3A_327 = arith.constant 64 : index
        %get3A_328 = tpu.vector_load %arg24[%get3A_326, %get3A_327] {strides = array<i32>} : memref<16x384xf32, #tpu.memory_space<vmem>>, vector<1x16xf32>,
        %get3A_329 = vector.shape_cast %get3A_328 : vector<1x16xf32> to vector<16xf32>
        %add3A_330 = arith.addf %get3A_325, %get3A_329 : vector<16xf32>
        %get3A_331 = arith.index_cast %scan3A_185 : i32 to index
        %get3A_332 = arith.constant 64 : index
        %get3A_333 = tpu.vector_load %arg25[%get3A_331, %get3A_332] {strides = array<i32>} : memref<16x384xf32, #tpu.memory_space<vmem>>, vector<1x16xf32>,
        %get3A_334 = vector.shape_cast %get3A_333 : vector<1x16xf32> to vector<16xf32>
        %get3A_335 = arith.index_cast %scan3A_185 : i32 to index
        %get3A_336 = arith.constant 64 : index
        %get3A_337 = tpu.vector_load %arg26[%get3A_335, %get3A_336] {strides = array<i32>} : memref<16x384xf32, #tpu.memory_space<vmem>>, vector<1x16xf32>,
        %get3A_338 = vector.shape_cast %get3A_337 : vector<1x16xf32> to vector<16xf32>
        %add3A_339 = arith.addf %get3A_334, %get3A_338 : vector<16xf32>
        %add3A_340 = arith.addf %add3A_330, %add3A_339 : vector<16xf32>
        %get3A_341 = arith.index_cast %scan3A_185 : i32 to index
        %get3A_342 = arith.constant 64 : index
        %get3A_343 = tpu.vector_load %arg27[%get3A_341, %get3A_342] {strides = array<i32>} : memref<16x384xf32, #tpu.memory_space<vmem>>, vector<1x16xf32>,
        %get3A_344 = vector.shape_cast %get3A_343 : vector<1x16xf32> to vector<16xf32>
        %get3A_345 = arith.index_cast %scan3A_185 : i32 to index
        %get3A_346 = arith.constant 64 : index
        %get3A_347 = tpu.vector_load %arg28[%get3A_345, %get3A_346] {strides = array<i32>} : memref<16x384xf32, #tpu.memory_space<vmem>>, vector<1x16xf32>,
        %get3A_348 = vector.shape_cast %get3A_347 : vector<1x16xf32> to vector<16xf32>
        %add3A_349 = arith.addf %get3A_344, %get3A_348 : vector<16xf32>
        %add3A_350 = arith.addf %add3A_340, %add3A_349 : vector<16xf32>
        %swap3A_351 = arith.index_cast %scan3A_185 : i32 to index
        %swap3A_352 = arith.constant 64 : index
        %swap3A_353 = tpu.vector_load %arg23[%swap3A_351, %swap3A_352] {strides = array<i32>} : memref<16x384xf32, #tpu.memory_space<vmem>>, vector<1x16xf32>,
        %swap3A_354 = vector.shape_cast %swap3A_353 : vector<1x16xf32> to vector<16xf32>
        %swap3A_355 = vector.shape_cast %add3A_350 : vector<16xf32> to vector<1x16xf32>
        tpu.vector_store %arg23[%swap3A_351, %swap3A_352], %swap3A_355 {strides = array<i32>} : memref<16x384xf32, #tpu.memory_space<vmem>>, vector<1x16xf32>,
        %get3A_356 = arith.index_cast %scan3A_185 : i32 to index
        %get3A_357 = arith.constant 80 : index
        %get3A_358 = tpu.vector_load %arg23[%get3A_356, %get3A_357] {strides = array<i32>} : memref<16x384xf32, #tpu.memory_space<vmem>>, vector<1x16xf32>,
        %get3A_359 = vector.shape_cast %get3A_358 : vector<1x16xf32> to vector<16xf32>
        %get3A_360 = arith.index_cast %scan3A_185 : i32 to index
        %get3A_361 = arith.constant 80 : index
        %get3A_362 = tpu.vector_load %arg24[%get3A_360, %get3A_361] {strides = array<i32>} : memref<16x384xf32, #tpu.memory_space<vmem>>, vector<1x16xf32>,
        %get3A_363 = vector.shape_cast %get3A_362 : vector<1x16xf32> to vector<16xf32>
        %add3A_364 = arith.addf %get3A_359, %get3A_363 : vector<16xf32>
        %get3A_365 = arith.index_cast %scan3A_185 : i32 to index
        %get3A_366 = arith.constant 80 : index
        %get3A_367 = tpu.vector_load %arg25[%get3A_365, %get3A_366] {strides = array<i32>} : memref<16x384xf32, #tpu.memory_space<vmem>>, vector<1x16xf32>,
        %get3A_368 = vector.shape_cast %get3A_367 : vector<1x16xf32> to vector<16xf32>
        %get3A_369 = arith.index_cast %scan3A_185 : i32 to index
        %get3A_370 = arith.constant 80 : index
        %get3A_371 = tpu.vector_load %arg26[%get3A_369, %get3A_370] {strides = array<i32>} : memref<16x384xf32, #tpu.memory_space<vmem>>, vector<1x16xf32>,
        %get3A_372 = vector.shape_cast %get3A_371 : vector<1x16xf32> to vector<16xf32>
        %add3A_373 = arith.addf %get3A_368, %get3A_372 : vector<16xf32>
        %add3A_374 = arith.addf %add3A_364, %add3A_373 : vector<16xf32>
        %get3A_375 = arith.index_cast %scan3A_185 : i32 to index
        %get3A_376 = arith.constant 80 : index
        %get3A_377 = tpu.vector_load %arg27[%get3A_375, %get3A_376] {strides = array<i32>} : memref<16x384xf32, #tpu.memory_space<vmem>>, vector<1x16xf32>,
        %get3A_378 = vector.shape_cast %get3A_377 : vector<1x16xf32> to vector<16xf32>
        %get3A_379 = arith.index_cast %scan3A_185 : i32 to index
        %get3A_380 = arith.constant 80 : index
        %get3A_381 = tpu.vector_load %arg28[%get3A_379, %get3A_380] {strides = array<i32>} : memref<16x384xf32, #tpu.memory_space<vmem>>, vector<1x16xf32>,
        %get3A_382 = vector.shape_cast %get3A_381 : vector<1x16xf32> to vector<16xf32>
        %add3A_383 = arith.addf %get3A_378, %get3A_382 : vector<16xf32>
        %add3A_384 = arith.addf %add3A_374, %add3A_383 : vector<16xf32>
        %swap3A_385 = arith.index_cast %scan3A_185 : i32 to index
        %swap3A_386 = arith.constant 80 : index
        %swap3A_387 = tpu.vector_load %arg23[%swap3A_385, %swap3A_386] {strides = array<i32>} : memref<16x384xf32, #tpu.memory_space<vmem>>, vector<1x16xf32>,
        %swap3A_388 = vector.shape_cast %swap3A_387 : vector<1x16xf32> to vector<16xf32>
        %swap3A_389 = vector.shape_cast %add3A_384 : vector<16xf32> to vector<1x16xf32>
        tpu.vector_store %arg23[%swap3A_385, %swap3A_386], %swap3A_389 {strides = array<i32>} : memref<16x384xf32, #tpu.memory_space<vmem>>, vector<1x16xf32>,
        %get3A_390 = arith.index_cast %scan3A_185 : i32 to index
        %get3A_391 = arith.constant 96 : index
        %get3A_392 = tpu.vector_load %arg23[%get3A_390, %get3A_391] {strides = array<i32>} : memref<16x384xf32, #tpu.memory_space<vmem>>, vector<1x16xf32>,
        %get3A_393 = vector.shape_cast %get3A_392 : vector<1x16xf32> to vector<16xf32>
        %get3A_394 = arith.index_cast %scan3A_185 : i32 to index
        %get3A_395 = arith.constant 96 : index
        %get3A_396 = tpu.vector_load %arg24[%get3A_394, %get3A_395] {strides = array<i32>} : memref<16x384xf32, #tpu.memory_space<vmem>>, vector<1x16xf32>,
        %get3A_397 = vector.shape_cast %get3A_396 : vector<1x16xf32> to vector<16xf32>
        %add3A_398 = arith.addf %get3A_393, %get3A_397 : vector<16xf32>
        %get3A_399 = arith.index_cast %scan3A_185 : i32 to index
        %get3A_400 = arith.constant 96 : index
        %get3A_401 = tpu.vector_load %arg25[%get3A_399, %get3A_400] {strides = array<i32>} : memref<16x384xf32, #tpu.memory_space<vmem>>, vector<1x16xf32>,
        %get3A_402 = vector.shape_cast %get3A_401 : vector<1x16xf32> to vector<16xf32>
        %get3A_403 = arith.index_cast %scan3A_185 : i32 to index
        %get3A_404 = arith.constant 96 : index
        %get3A_405 = tpu.vector_load %arg26[%get3A_403, %get3A_404] {strides = array<i32>} : memref<16x384xf32, #tpu.memory_space<vmem>>, vector<1x16xf32>,
        %get3A_406 = vector.shape_cast %get3A_405 : vector<1x16xf32> to vector<16xf32>
        %add3A_407 = arith.addf %get3A_402, %get3A_406 : vector<16xf32>
        %add3A_408 = arith.addf %add3A_398, %add3A_407 : vector<16xf32>
        %get3A_409 = arith.index_cast %scan3A_185 : i32 to index
        %get3A_410 = arith.constant 96 : index
        %get3A_411 = tpu.vector_load %arg27[%get3A_409, %get3A_410] {strides = array<i32>} : memref<16x384xf32, #tpu.memory_space<vmem>>, vector<1x16xf32>,
        %get3A_412 = vector.shape_cast %get3A_411 : vector<1x16xf32> to vector<16xf32>
        %get3A_413 = arith.index_cast %scan3A_185 : i32 to index
        %get3A_414 = arith.constant 96 : index
        %get3A_415 = tpu.vector_load %arg28[%get3A_413, %get3A_414] {strides = array<i32>} : memref<16x384xf32, #tpu.memory_space<vmem>>, vector<1x16xf32>,
        %get3A_416 = vector.shape_cast %get3A_415 : vector<1x16xf32> to vector<16xf32>
        %add3A_417 = arith.addf %get3A_412, %get3A_416 : vector<16xf32>
        %add3A_418 = arith.addf %add3A_408, %add3A_417 : vector<16xf32>
        %swap3A_419 = arith.index_cast %scan3A_185 : i32 to index
        %swap3A_420 = arith.constant 96 : index
        %swap3A_421 = tpu.vector_load %arg23[%swap3A_419, %swap3A_420] {strides = array<i32>} : memref<16x384xf32, #tpu.memory_space<vmem>>, vector<1x16xf32>,
        %swap3A_422 = vector.shape_cast %swap3A_421 : vector<1x16xf32> to vector<16xf32>
        %swap3A_423 = vector.shape_cast %add3A_418 : vector<16xf32> to vector<1x16xf32>
        tpu.vector_store %arg23[%swap3A_419, %swap3A_420], %swap3A_423 {strides = array<i32>} : memref<16x384xf32, #tpu.memory_space<vmem>>, vector<1x16xf32>,
        %get3A_424 = arith.index_cast %scan3A_185 : i32 to index
        %get3A_425 = arith.constant 112 : index
        %get3A_426 = tpu.vector_load %arg23[%get3A_424, %get3A_425] {strides = array<i32>} : memref<16x384xf32, #tpu.memory_space<vmem>>, vector<1x16xf32>,
        %get3A_427 = vector.shape_cast %get3A_426 : vector<1x16xf32> to vector<16xf32>
        %get3A_428 = arith.index_cast %scan3A_185 : i32 to index
        %get3A_429 = arith.constant 112 : index
        %get3A_430 = tpu.vector_load %arg24[%get3A_428, %get3A_429] {strides = array<i32>} : memref<16x384xf32, #tpu.memory_space<vmem>>, vector<1x16xf32>,
        %get3A_431 = vector.shape_cast %get3A_430 : vector<1x16xf32> to vector<16xf32>
        %add3A_432 = arith.addf %get3A_427, %get3A_431 : vector<16xf32>
        %get3A_433 = arith.index_cast %scan3A_185 : i32 to index
        %get3A_434 = arith.constant 112 : index
        %get3A_435 = tpu.vector_load %arg25[%get3A_433, %get3A_434] {strides = array<i32>} : memref<16x384xf32, #tpu.memory_space<vmem>>, vector<1x16xf32>,
        %get3A_436 = vector.shape_cast %get3A_435 : vector<1x16xf32> to vector<16xf32>
        %get3A_437 = arith.index_cast %scan3A_185 : i32 to index
        %get3A_438 = arith.constant 112 : index
        %get3A_439 = tpu.vector_load %arg26[%get3A_437, %get3A_438] {strides = array<i32>} : memref<16x384xf32, #tpu.memory_space<vmem>>, vector<1x16xf32>,
        %get3A_440 = vector.shape_cast %get3A_439 : vector<1x16xf32> to vector<16xf32>
        %add3A_441 = arith.addf %get3A_436, %get3A_440 : vector<16xf32>
        %add3A_442 = arith.addf %add3A_432, %add3A_441 : vector<16xf32>
        %get3A_443 = arith.index_cast %scan3A_185 : i32 to index
        %get3A_444 = arith.constant 112 : index
        %get3A_445 = tpu.vector_load %arg27[%get3A_443, %get3A_444] {strides = array<i32>} : memref<16x384xf32, #tpu.memory_space<vmem>>, vector<1x16xf32>,
        %get3A_446 = vector.shape_cast %get3A_445 : vector<1x16xf32> to vector<16xf32>
        %get3A_447 = arith.index_cast %scan3A_185 : i32 to index
        %get3A_448 = arith.constant 112 : index
        %get3A_449 = tpu.vector_load %arg28[%get3A_447, %get3A_448] {strides = array<i32>} : memref<16x384xf32, #tpu.memory_space<vmem>>, vector<1x16xf32>,
        %get3A_450 = vector.shape_cast %get3A_449 : vector<1x16xf32> to vector<16xf32>
        %add3A_451 = arith.addf %get3A_446, %get3A_450 : vector<16xf32>
        %add3A_452 = arith.addf %add3A_442, %add3A_451 : vector<16xf32>
        %swap3A_453 = arith.index_cast %scan3A_185 : i32 to index
        %swap3A_454 = arith.constant 112 : index
        %swap3A_455 = tpu.vector_load %arg23[%swap3A_453, %swap3A_454] {strides = array<i32>} : memref<16x384xf32, #tpu.memory_space<vmem>>, vector<1x16xf32>,
        %swap3A_456 = vector.shape_cast %swap3A_455 : vector<1x16xf32> to vector<16xf32>
        %swap3A_457 = vector.shape_cast %add3A_452 : vector<16xf32> to vector<1x16xf32>
        tpu.vector_store %arg23[%swap3A_453, %swap3A_454], %swap3A_457 {strides = array<i32>} : memref<16x384xf32, #tpu.memory_space<vmem>>, vector<1x16xf32>,
        %get3A_458 = arith.index_cast %scan3A_185 : i32 to index
        %get3A_459 = arith.constant 128 : index
        %get3A_460 = tpu.vector_load %arg23[%get3A_458, %get3A_459] {strides = array<i32>} : memref<16x384xf32, #tpu.memory_space<vmem>>, vector<1x16xf32>,
        %get3A_461 = vector.shape_cast %get3A_460 : vector<1x16xf32> to vector<16xf32>
        %get3A_462 = arith.index_cast %scan3A_185 : i32 to index
        %get3A_463 = arith.constant 128 : index
        %get3A_464 = tpu.vector_load %arg24[%get3A_462, %get3A_463] {strides = array<i32>} : memref<16x384xf32, #tpu.memory_space<vmem>>, vector<1x16xf32>,
        %get3A_465 = vector.shape_cast %get3A_464 : vector<1x16xf32> to vector<16xf32>
        %add3A_466 = arith.addf %get3A_461, %get3A_465 : vector<16xf32>
        %get3A_467 = arith.index_cast %scan3A_185 : i32 to index
        %get3A_468 = arith.constant 128 : index
        %get3A_469 = tpu.vector_load %arg25[%get3A_467, %get3A_468] {strides = array<i32>} : memref<16x384xf32, #tpu.memory_space<vmem>>, vector<1x16xf32>,
        %get3A_470 = vector.shape_cast %get3A_469 : vector<1x16xf32> to vector<16xf32>
        %get3A_471 = arith.index_cast %scan3A_185 : i32 to index
        %get3A_472 = arith.constant 128 : index
        %get3A_473 = tpu.vector_load %arg26[%get3A_471, %get3A_472] {strides = array<i32>} : memref<16x384xf32, #tpu.memory_space<vmem>>, vector<1x16xf32>,
        %get3A_474 = vector.shape_cast %get3A_473 : vector<1x16xf32> to vector<16xf32>
        %add3A_475 = arith.addf %get3A_470, %get3A_474 : vector<16xf32>
        %add3A_476 = arith.addf %add3A_466, %add3A_475 : vector<16xf32>
        %get3A_477 = arith.index_cast %scan3A_185 : i32 to index
        %get3A_478 = arith.constant 128 : index
        %get3A_479 = tpu.vector_load %arg27[%get3A_477, %get3A_478] {strides = array<i32>} : memref<16x384xf32, #tpu.memory_space<vmem>>, vector<1x16xf32>,
        %get3A_480 = vector.shape_cast %get3A_479 : vector<1x16xf32> to vector<16xf32>
        %get3A_481 = arith.index_cast %scan3A_185 : i32 to index
        %get3A_482 = arith.constant 128 : index
        %get3A_483 = tpu.vector_load %arg28[%get3A_481, %get3A_482] {strides = array<i32>} : memref<16x384xf32, #tpu.memory_space<vmem>>, vector<1x16xf32>,
        %get3A_484 = vector.shape_cast %get3A_483 : vector<1x16xf32> to vector<16xf32>
        %add3A_485 = arith.addf %get3A_480, %get3A_484 : vector<16xf32>
        %add3A_486 = arith.addf %add3A_476, %add3A_485 : vector<16xf32>
        %swap3A_487 = arith.index_cast %scan3A_185 : i32 to index
        %swap3A_488 = arith.constant 128 : index
        %swap3A_489 = tpu.vector_load %arg23[%swap3A_487, %swap3A_488] {strides = array<i32>} : memref<16x384xf32, #tpu.memory_space<vmem>>, vector<1x16xf32>,
        %swap3A_490 = vector.shape_cast %swap3A_489 : vector<1x16xf32> to vector<16xf32>
        %swap3A_491 = vector.shape_cast %add3A_486 : vector<16xf32> to vector<1x16xf32>
        tpu.vector_store %arg23[%swap3A_487, %swap3A_488], %swap3A_491 {strides = array<i32>} : memref<16x384xf32, #tpu.memory_space<vmem>>, vector<1x16xf32>,
        %get3A_492 = arith.index_cast %scan3A_185 : i32 to index
        %get3A_493 = arith.constant 144 : index
        %get3A_494 = tpu.vector_load %arg23[%get3A_492, %get3A_493] {strides = array<i32>} : memref<16x384xf32, #tpu.memory_space<vmem>>, vector<1x16xf32>,
        %get3A_495 = vector.shape_cast %get3A_494 : vector<1x16xf32> to vector<16xf32>
        %get3A_496 = arith.index_cast %scan3A_185 : i32 to index
        %get3A_497 = arith.constant 144 : index
        %get3A_498 = tpu.vector_load %arg24[%get3A_496, %get3A_497] {strides = array<i32>} : memref<16x384xf32, #tpu.memory_space<vmem>>, vector<1x16xf32>,
        %get3A_499 = vector.shape_cast %get3A_498 : vector<1x16xf32> to vector<16xf32>
        %add3A_500 = arith.addf %get3A_495, %get3A_499 : vector<16xf32>
        %get3A_501 = arith.index_cast %scan3A_185 : i32 to index
        %get3A_502 = arith.constant 144 : index
        %get3A_503 = tpu.vector_load %arg25[%get3A_501, %get3A_502] {strides = array<i32>} : memref<16x384xf32, #tpu.memory_space<vmem>>, vector<1x16xf32>,
        %get3A_504 = vector.shape_cast %get3A_503 : vector<1x16xf32> to vector<16xf32>
        %get3A_505 = arith.index_cast %scan3A_185 : i32 to index
        %get3A_506 = arith.constant 144 : index
        %get3A_507 = tpu.vector_load %arg26[%get3A_505, %get3A_506] {strides = array<i32>} : memref<16x384xf32, #tpu.memory_space<vmem>>, vector<1x16xf32>,
        %get3A_508 = vector.shape_cast %get3A_507 : vector<1x16xf32> to vector<16xf32>
        %add3A_509 = arith.addf %get3A_504, %get3A_508 : vector<16xf32>
        %add3A_510 = arith.addf %add3A_500, %add3A_509 : vector<16xf32>
        %get3A_511 = arith.index_cast %scan3A_185 : i32 to index
        %get3A_512 = arith.constant 144 : index
        %get3A_513 = tpu.vector_load %arg27[%get3A_511, %get3A_512] {strides = array<i32>} : memref<16x384xf32, #tpu.memory_space<vmem>>, vector<1x16xf32>,
        %get3A_514 = vector.shape_cast %get3A_513 : vector<1x16xf32> to vector<16xf32>
        %get3A_515 = arith.index_cast %scan3A_185 : i32 to index
        %get3A_516 = arith.constant 144 : index
        %get3A_517 = tpu.vector_load %arg28[%get3A_515, %get3A_516] {strides = array<i32>} : memref<16x384xf32, #tpu.memory_space<vmem>>, vector<1x16xf32>,
        %get3A_518 = vector.shape_cast %get3A_517 : vector<1x16xf32> to vector<16xf32>
        %add3A_519 = arith.addf %get3A_514, %get3A_518 : vector<16xf32>
        %add3A_520 = arith.addf %add3A_510, %add3A_519 : vector<16xf32>
        %swap3A_521 = arith.index_cast %scan3A_185 : i32 to index
        %swap3A_522 = arith.constant 144 : index
        %swap3A_523 = tpu.vector_load %arg23[%swap3A_521, %swap3A_522] {strides = array<i32>} : memref<16x384xf32, #tpu.memory_space<vmem>>, vector<1x16xf32>,
        %swap3A_524 = vector.shape_cast %swap3A_523 : vector<1x16xf32> to vector<16xf32>
        %swap3A_525 = vector.shape_cast %add3A_520 : vector<16xf32> to vector<1x16xf32>
        tpu.vector_store %arg23[%swap3A_521, %swap3A_522], %swap3A_525 {strides = array<i32>} : memref<16x384xf32, #tpu.memory_space<vmem>>, vector<1x16xf32>,
        %get3A_526 = arith.index_cast %scan3A_185 : i32 to index
        %get3A_527 = arith.constant 160 : index
        %get3A_528 = tpu.vector_load %arg23[%get3A_526, %get3A_527] {strides = array<i32>} : memref<16x384xf32, #tpu.memory_space<vmem>>, vector<1x16xf32>,
        %get3A_529 = vector.shape_cast %get3A_528 : vector<1x16xf32> to vector<16xf32>
        %get3A_530 = arith.index_cast %scan3A_185 : i32 to index
        %get3A_531 = arith.constant 160 : index
        %get3A_532 = tpu.vector_load %arg24[%get3A_530, %get3A_531] {strides = array<i32>} : memref<16x384xf32, #tpu.memory_space<vmem>>, vector<1x16xf32>,
        %get3A_533 = vector.shape_cast %get3A_532 : vector<1x16xf32> to vector<16xf32>
        %add3A_534 = arith.addf %get3A_529, %get3A_533 : vector<16xf32>
        %get3A_535 = arith.index_cast %scan3A_185 : i32 to index
        %get3A_536 = arith.constant 160 : index
        %get3A_537 = tpu.vector_load %arg25[%get3A_535, %get3A_536] {strides = array<i32>} : memref<16x384xf32, #tpu.memory_space<vmem>>, vector<1x16xf32>,
        %get3A_538 = vector.shape_cast %get3A_537 : vector<1x16xf32> to vector<16xf32>
        %get3A_539 = arith.index_cast %scan3A_185 : i32 to index
        %get3A_540 = arith.constant 160 : index
        %get3A_541 = tpu.vector_load %arg26[%get3A_539, %get3A_540] {strides = array<i32>} : memref<16x384xf32, #tpu.memory_space<vmem>>, vector<1x16xf32>,
        %get3A_542 = vector.shape_cast %get3A_541 : vector<1x16xf32> to vector<16xf32>
        %add3A_543 = arith.addf %get3A_538, %get3A_542 : vector<16xf32>
        %add3A_544 = arith.addf %add3A_534, %add3A_543 : vector<16xf32>
        %get3A_545 = arith.index_cast %scan3A_185 : i32 to index
        %get3A_546 = arith.constant 160 : index
        %get3A_547 = tpu.vector_load %arg27[%get3A_545, %get3A_546] {strides = array<i32>} : memref<16x384xf32, #tpu.memory_space<vmem>>, vector<1x16xf32>,
        %get3A_548 = vector.shape_cast %get3A_547 : vector<1x16xf32> to vector<16xf32>
        %get3A_549 = arith.index_cast %scan3A_185 : i32 to index
        %get3A_550 = arith.constant 160 : index
        %get3A_551 = tpu.vector_load %arg28[%get3A_549, %get3A_550] {strides = array<i32>} : memref<16x384xf32, #tpu.memory_space<vmem>>, vector<1x16xf32>,
        %get3A_552 = vector.shape_cast %get3A_551 : vector<1x16xf32> to vector<16xf32>
        %add3A_553 = arith.addf %get3A_548, %get3A_552 : vector<16xf32>
        %add3A_554 = arith.addf %add3A_544, %add3A_553 : vector<16xf32>
        %swap3A_555 = arith.index_cast %scan3A_185 : i32 to index
        %swap3A_556 = arith.constant 160 : index
        %swap3A_557 = tpu.vector_load %arg23[%swap3A_555, %swap3A_556] {strides = array<i32>} : memref<16x384xf32, #tpu.memory_space<vmem>>, vector<1x16xf32>,
        %swap3A_558 = vector.shape_cast %swap3A_557 : vector<1x16xf32> to vector<16xf32>
        %swap3A_559 = vector.shape_cast %add3A_554 : vector<16xf32> to vector<1x16xf32>
        tpu.vector_store %arg23[%swap3A_555, %swap3A_556], %swap3A_559 {strides = array<i32>} : memref<16x384xf32, #tpu.memory_space<vmem>>, vector<1x16xf32>,
        %get3A_560 = arith.index_cast %scan3A_185 : i32 to index
        %get3A_561 = arith.constant 176 : index
        %get3A_562 = tpu.vector_load %arg23[%get3A_560, %get3A_561] {strides = array<i32>} : memref<16x384xf32, #tpu.memory_space<vmem>>, vector<1x16xf32>,
        %get3A_563 = vector.shape_cast %get3A_562 : vector<1x16xf32> to vector<16xf32>
        %get3A_564 = arith.index_cast %scan3A_185 : i32 to index
        %get3A_565 = arith.constant 176 : index
        %get3A_566 = tpu.vector_load %arg24[%get3A_564, %get3A_565] {strides = array<i32>} : memref<16x384xf32, #tpu.memory_space<vmem>>, vector<1x16xf32>,
        %get3A_567 = vector.shape_cast %get3A_566 : vector<1x16xf32> to vector<16xf32>
        %add3A_568 = arith.addf %get3A_563, %get3A_567 : vector<16xf32>
        %get3A_569 = arith.index_cast %scan3A_185 : i32 to index
        %get3A_570 = arith.constant 176 : index
        %get3A_571 = tpu.vector_load %arg25[%get3A_569, %get3A_570] {strides = array<i32>} : memref<16x384xf32, #tpu.memory_space<vmem>>, vector<1x16xf32>,
        %get3A_572 = vector.shape_cast %get3A_571 : vector<1x16xf32> to vector<16xf32>
        %get3A_573 = arith.index_cast %scan3A_185 : i32 to index
        %get3A_574 = arith.constant 176 : index
        %get3A_575 = tpu.vector_load %arg26[%get3A_573, %get3A_574] {strides = array<i32>} : memref<16x384xf32, #tpu.memory_space<vmem>>, vector<1x16xf32>,
        %get3A_576 = vector.shape_cast %get3A_575 : vector<1x16xf32> to vector<16xf32>
        %add3A_577 = arith.addf %get3A_572, %get3A_576 : vector<16xf32>
        %add3A_578 = arith.addf %add3A_568, %add3A_577 : vector<16xf32>
        %get3A_579 = arith.index_cast %scan3A_185 : i32 to index
        %get3A_580 = arith.constant 176 : index
        %get3A_581 = tpu.vector_load %arg27[%get3A_579, %get3A_580] {strides = array<i32>} : memref<16x384xf32, #tpu.memory_space<vmem>>, vector<1x16xf32>,
        %get3A_582 = vector.shape_cast %get3A_581 : vector<1x16xf32> to vector<16xf32>
        %get3A_583 = arith.index_cast %scan3A_185 : i32 to index
        %get3A_584 = arith.constant 176 : index
        %get3A_585 = tpu.vector_load %arg28[%get3A_583, %get3A_584] {strides = array<i32>} : memref<16x384xf32, #tpu.memory_space<vmem>>, vector<1x16xf32>,
        %get3A_586 = vector.shape_cast %get3A_585 : vector<1x16xf32> to vector<16xf32>
        %add3A_587 = arith.addf %get3A_582, %get3A_586 : vector<16xf32>
        %add3A_588 = arith.addf %add3A_578, %add3A_587 : vector<16xf32>
        %swap3A_589 = arith.index_cast %scan3A_185 : i32 to index
        %swap3A_590 = arith.constant 176 : index
        %swap3A_591 = tpu.vector_load %arg23[%swap3A_589, %swap3A_590] {strides = array<i32>} : memref<16x384xf32, #tpu.memory_space<vmem>>, vector<1x16xf32>,
        %swap3A_592 = vector.shape_cast %swap3A_591 : vector<1x16xf32> to vector<16xf32>
        %swap3A_593 = vector.shape_cast %add3A_588 : vector<16xf32> to vector<1x16xf32>
        tpu.vector_store %arg23[%swap3A_589, %swap3A_590], %swap3A_593 {strides = array<i32>} : memref<16x384xf32, #tpu.memory_space<vmem>>, vector<1x16xf32>,
        %get3A_594 = arith.index_cast %scan3A_185 : i32 to index
        %get3A_595 = arith.constant 192 : index
        %get3A_596 = tpu.vector_load %arg23[%get3A_594, %get3A_595] {strides = array<i32>} : memref<16x384xf32, #tpu.memory_space<vmem>>, vector<1x16xf32>,
        %get3A_597 = vector.shape_cast %get3A_596 : vector<1x16xf32> to vector<16xf32>
        %get3A_598 = arith.index_cast %scan3A_185 : i32 to index
        %get3A_599 = arith.constant 192 : index
        %get3A_600 = tpu.vector_load %arg24[%get3A_598, %get3A_599] {strides = array<i32>} : memref<16x384xf32, #tpu.memory_space<vmem>>, vector<1x16xf32>,
        %get3A_601 = vector.shape_cast %get3A_600 : vector<1x16xf32> to vector<16xf32>
        %add3A_602 = arith.addf %get3A_597, %get3A_601 : vector<16xf32>
        %get3A_603 = arith.index_cast %scan3A_185 : i32 to index
        %get3A_604 = arith.constant 192 : index
        %get3A_605 = tpu.vector_load %arg25[%get3A_603, %get3A_604] {strides = array<i32>} : memref<16x384xf32, #tpu.memory_space<vmem>>, vector<1x16xf32>,
        %get3A_606 = vector.shape_cast %get3A_605 : vector<1x16xf32> to vector<16xf32>
        %get3A_607 = arith.index_cast %scan3A_185 : i32 to index
        %get3A_608 = arith.constant 192 : index
        %get3A_609 = tpu.vector_load %arg26[%get3A_607, %get3A_608] {strides = array<i32>} : memref<16x384xf32, #tpu.memory_space<vmem>>, vector<1x16xf32>,
        %get3A_610 = vector.shape_cast %get3A_609 : vector<1x16xf32> to vector<16xf32>
        %add3A_611 = arith.addf %get3A_606, %get3A_610 : vector<16xf32>
        %add3A_612 = arith.addf %add3A_602, %add3A_611 : vector<16xf32>
        %get3A_613 = arith.index_cast %scan3A_185 : i32 to index
        %get3A_614 = arith.constant 192 : index
        %get3A_615 = tpu.vector_load %arg27[%get3A_613, %get3A_614] {strides = array<i32>} : memref<16x384xf32, #tpu.memory_space<vmem>>, vector<1x16xf32>,
        %get3A_616 = vector.shape_cast %get3A_615 : vector<1x16xf32> to vector<16xf32>
        %get3A_617 = arith.index_cast %scan3A_185 : i32 to index
        %get3A_618 = arith.constant 192 : index
        %get3A_619 = tpu.vector_load %arg28[%get3A_617, %get3A_618] {strides = array<i32>} : memref<16x384xf32, #tpu.memory_space<vmem>>, vector<1x16xf32>,
        %get3A_620 = vector.shape_cast %get3A_619 : vector<1x16xf32> to vector<16xf32>
        %add3A_621 = arith.addf %get3A_616, %get3A_620 : vector<16xf32>
        %add3A_622 = arith.addf %add3A_612, %add3A_621 : vector<16xf32>
        %swap3A_623 = arith.index_cast %scan3A_185 : i32 to index
        %swap3A_624 = arith.constant 192 : index
        %swap3A_625 = tpu.vector_load %arg23[%swap3A_623, %swap3A_624] {strides = array<i32>} : memref<16x384xf32, #tpu.memory_space<vmem>>, vector<1x16xf32>,
        %swap3A_626 = vector.shape_cast %swap3A_625 : vector<1x16xf32> to vector<16xf32>
        %swap3A_627 = vector.shape_cast %add3A_622 : vector<16xf32> to vector<1x16xf32>
        tpu.vector_store %arg23[%swap3A_623, %swap3A_624], %swap3A_627 {strides = array<i32>} : memref<16x384xf32, #tpu.memory_space<vmem>>, vector<1x16xf32>,
        %get3A_628 = arith.index_cast %scan3A_185 : i32 to index
        %get3A_629 = arith.constant 208 : index
        %get3A_630 = tpu.vector_load %arg23[%get3A_628, %get3A_629] {strides = array<i32>} : memref<16x384xf32, #tpu.memory_space<vmem>>, vector<1x16xf32>,
        %get3A_631 = vector.shape_cast %get3A_630 : vector<1x16xf32> to vector<16xf32>
        %get3A_632 = arith.index_cast %scan3A_185 : i32 to index
        %get3A_633 = arith.constant 208 : index
        %get3A_634 = tpu.vector_load %arg24[%get3A_632, %get3A_633] {strides = array<i32>} : memref<16x384xf32, #tpu.memory_space<vmem>>, vector<1x16xf32>,
        %get3A_635 = vector.shape_cast %get3A_634 : vector<1x16xf32> to vector<16xf32>
        %add3A_636 = arith.addf %get3A_631, %get3A_635 : vector<16xf32>
        %get3A_637 = arith.index_cast %scan3A_185 : i32 to index
        %get3A_638 = arith.constant 208 : index
        %get3A_639 = tpu.vector_load %arg25[%get3A_637, %get3A_638] {strides = array<i32>} : memref<16x384xf32, #tpu.memory_space<vmem>>, vector<1x16xf32>,
        %get3A_640 = vector.shape_cast %get3A_639 : vector<1x16xf32> to vector<16xf32>
        %get3A_641 = arith.index_cast %scan3A_185 : i32 to index
        %get3A_642 = arith.constant 208 : index
        %get3A_643 = tpu.vector_load %arg26[%get3A_641, %get3A_642] {strides = array<i32>} : memref<16x384xf32, #tpu.memory_space<vmem>>, vector<1x16xf32>,
        %get3A_644 = vector.shape_cast %get3A_643 : vector<1x16xf32> to vector<16xf32>
        %add3A_645 = arith.addf %get3A_640, %get3A_644 : vector<16xf32>
        %add3A_646 = arith.addf %add3A_636, %add3A_645 : vector<16xf32>
        %get3A_647 = arith.index_cast %scan3A_185 : i32 to index
        %get3A_648 = arith.constant 208 : index
        %get3A_649 = tpu.vector_load %arg27[%get3A_647, %get3A_648] {strides = array<i32>} : memref<16x384xf32, #tpu.memory_space<vmem>>, vector<1x16xf32>,
        %get3A_650 = vector.shape_cast %get3A_649 : vector<1x16xf32> to vector<16xf32>
        %get3A_651 = arith.index_cast %scan3A_185 : i32 to index
        %get3A_652 = arith.constant 208 : index
        %get3A_653 = tpu.vector_load %arg28[%get3A_651, %get3A_652] {strides = array<i32>} : memref<16x384xf32, #tpu.memory_space<vmem>>, vector<1x16xf32>,
        %get3A_654 = vector.shape_cast %get3A_653 : vector<1x16xf32> to vector<16xf32>
        %add3A_655 = arith.addf %get3A_650, %get3A_654 : vector<16xf32>
        %add3A_656 = arith.addf %add3A_646, %add3A_655 : vector<16xf32>
        %swap3A_657 = arith.index_cast %scan3A_185 : i32 to index
        %swap3A_658 = arith.constant 208 : index
        %swap3A_659 = tpu.vector_load %arg23[%swap3A_657, %swap3A_658] {strides = array<i32>} : memref<16x384xf32, #tpu.memory_space<vmem>>, vector<1x16xf32>,
        %swap3A_660 = vector.shape_cast %swap3A_659 : vector<1x16xf32> to vector<16xf32>
        %swap3A_661 = vector.shape_cast %add3A_656 : vector<16xf32> to vector<1x16xf32>
        tpu.vector_store %arg23[%swap3A_657, %swap3A_658], %swap3A_661 {strides = array<i32>} : memref<16x384xf32, #tpu.memory_space<vmem>>, vector<1x16xf32>,
        %get3A_662 = arith.index_cast %scan3A_185 : i32 to index
        %get3A_663 = arith.constant 224 : index
        %get3A_664 = tpu.vector_load %arg23[%get3A_662, %get3A_663] {strides = array<i32>} : memref<16x384xf32, #tpu.memory_space<vmem>>, vector<1x16xf32>,
        %get3A_665 = vector.shape_cast %get3A_664 : vector<1x16xf32> to vector<16xf32>
        %get3A_666 = arith.index_cast %scan3A_185 : i32 to index
        %get3A_667 = arith.constant 224 : index
        %get3A_668 = tpu.vector_load %arg24[%get3A_666, %get3A_667] {strides = array<i32>} : memref<16x384xf32, #tpu.memory_space<vmem>>, vector<1x16xf32>,
        %get3A_669 = vector.shape_cast %get3A_668 : vector<1x16xf32> to vector<16xf32>
        %add3A_670 = arith.addf %get3A_665, %get3A_669 : vector<16xf32>
        %get3A_671 = arith.index_cast %scan3A_185 : i32 to index
        %get3A_672 = arith.constant 224 : index
        %get3A_673 = tpu.vector_load %arg25[%get3A_671, %get3A_672] {strides = array<i32>} : memref<16x384xf32, #tpu.memory_space<vmem>>, vector<1x16xf32>,
        %get3A_674 = vector.shape_cast %get3A_673 : vector<1x16xf32> to vector<16xf32>
        %get3A_675 = arith.index_cast %scan3A_185 : i32 to index
        %get3A_676 = arith.constant 224 : index
        %get3A_677 = tpu.vector_load %arg26[%get3A_675, %get3A_676] {strides = array<i32>} : memref<16x384xf32, #tpu.memory_space<vmem>>, vector<1x16xf32>,
        %get3A_678 = vector.shape_cast %get3A_677 : vector<1x16xf32> to vector<16xf32>
        %add3A_679 = arith.addf %get3A_674, %get3A_678 : vector<16xf32>
        %add3A_680 = arith.addf %add3A_670, %add3A_679 : vector<16xf32>
        %get3A_681 = arith.index_cast %scan3A_185 : i32 to index
        %get3A_682 = arith.constant 224 : index
        %get3A_683 = tpu.vector_load %arg27[%get3A_681, %get3A_682] {strides = array<i32>} : memref<16x384xf32, #tpu.memory_space<vmem>>, vector<1x16xf32>,
        %get3A_684 = vector.shape_cast %get3A_683 : vector<1x16xf32> to vector<16xf32>
        %get3A_685 = arith.index_cast %scan3A_185 : i32 to index
        %get3A_686 = arith.constant 224 : index
        %get3A_687 = tpu.vector_load %arg28[%get3A_685, %get3A_686] {strides = array<i32>} : memref<16x384xf32, #tpu.memory_space<vmem>>, vector<1x16xf32>,
        %get3A_688 = vector.shape_cast %get3A_687 : vector<1x16xf32> to vector<16xf32>
        %add3A_689 = arith.addf %get3A_684, %get3A_688 : vector<16xf32>
        %add3A_690 = arith.addf %add3A_680, %add3A_689 : vector<16xf32>
        %swap3A_691 = arith.index_cast %scan3A_185 : i32 to index
        %swap3A_692 = arith.constant 224 : index
        %swap3A_693 = tpu.vector_load %arg23[%swap3A_691, %swap3A_692] {strides = array<i32>} : memref<16x384xf32, #tpu.memory_space<vmem>>, vector<1x16xf32>,
        %swap3A_694 = vector.shape_cast %swap3A_693 : vector<1x16xf32> to vector<16xf32>
        %swap3A_695 = vector.shape_cast %add3A_690 : vector<16xf32> to vector<1x16xf32>
        tpu.vector_store %arg23[%swap3A_691, %swap3A_692], %swap3A_695 {strides = array<i32>} : memref<16x384xf32, #tpu.memory_space<vmem>>, vector<1x16xf32>,
        %get3A_696 = arith.index_cast %scan3A_185 : i32 to index
        %get3A_697 = arith.constant 240 : index
        %get3A_698 = tpu.vector_load %arg23[%get3A_696, %get3A_697] {strides = array<i32>} : memref<16x384xf32, #tpu.memory_space<vmem>>, vector<1x16xf32>,
        %get3A_699 = vector.shape_cast %get3A_698 : vector<1x16xf32> to vector<16xf32>
        %get3A_700 = arith.index_cast %scan3A_185 : i32 to index
        %get3A_701 = arith.constant 240 : index
        %get3A_702 = tpu.vector_load %arg24[%get3A_700, %get3A_701] {strides = array<i32>} : memref<16x384xf32, #tpu.memory_space<vmem>>, vector<1x16xf32>,
        %get3A_703 = vector.shape_cast %get3A_702 : vector<1x16xf32> to vector<16xf32>
        %add3A_704 = arith.addf %get3A_699, %get3A_703 : vector<16xf32>
        %get3A_705 = arith.index_cast %scan3A_185 : i32 to index
        %get3A_706 = arith.constant 240 : index
        %get3A_707 = tpu.vector_load %arg25[%get3A_705, %get3A_706] {strides = array<i32>} : memref<16x384xf32, #tpu.memory_space<vmem>>, vector<1x16xf32>,
        %get3A_708 = vector.shape_cast %get3A_707 : vector<1x16xf32> to vector<16xf32>
        %get3A_709 = arith.index_cast %scan3A_185 : i32 to index
        %get3A_710 = arith.constant 240 : index
        %get3A_711 = tpu.vector_load %arg26[%get3A_709, %get3A_710] {strides = array<i32>} : memref<16x384xf32, #tpu.memory_space<vmem>>, vector<1x16xf32>,
        %get3A_712 = vector.shape_cast %get3A_711 : vector<1x16xf32> to vector<16xf32>
        %add3A_713 = arith.addf %get3A_708, %get3A_712 : vector<16xf32>
        %add3A_714 = arith.addf %add3A_704, %add3A_713 : vector<16xf32>
        %get3A_715 = arith.index_cast %scan3A_185 : i32 to index
        %get3A_716 = arith.constant 240 : index
        %get3A_717 = tpu.vector_load %arg27[%get3A_715, %get3A_716] {strides = array<i32>} : memref<16x384xf32, #tpu.memory_space<vmem>>, vector<1x16xf32>,
        %get3A_718 = vector.shape_cast %get3A_717 : vector<1x16xf32> to vector<16xf32>
        %get3A_719 = arith.index_cast %scan3A_185 : i32 to index
        %get3A_720 = arith.constant 240 : index
        %get3A_721 = tpu.vector_load %arg28[%get3A_719, %get3A_720] {strides = array<i32>} : memref<16x384xf32, #tpu.memory_space<vmem>>, vector<1x16xf32>,
        %get3A_722 = vector.shape_cast %get3A_721 : vector<1x16xf32> to vector<16xf32>
        %add3A_723 = arith.addf %get3A_718, %get3A_722 : vector<16xf32>
        %add3A_724 = arith.addf %add3A_714, %add3A_723 : vector<16xf32>
        %swap3A_725 = arith.index_cast %scan3A_185 : i32 to index
        %swap3A_726 = arith.constant 240 : index
        %swap3A_727 = tpu.vector_load %arg23[%swap3A_725, %swap3A_726] {strides = array<i32>} : memref<16x384xf32, #tpu.memory_space<vmem>>, vector<1x16xf32>,
        %swap3A_728 = vector.shape_cast %swap3A_727 : vector<1x16xf32> to vector<16xf32>
        %swap3A_729 = vector.shape_cast %add3A_724 : vector<16xf32> to vector<1x16xf32>
        tpu.vector_store %arg23[%swap3A_725, %swap3A_726], %swap3A_729 {strides = array<i32>} : memref<16x384xf32, #tpu.memory_space<vmem>>, vector<1x16xf32>,
        %get3A_730 = arith.index_cast %scan3A_185 : i32 to index
        %get3A_731 = arith.constant 256 : index
        %get3A_732 = tpu.vector_load %arg23[%get3A_730, %get3A_731] {strides = array<i32>} : memref<16x384xf32, #tpu.memory_space<vmem>>, vector<1x16xf32>,
        %get3A_733 = vector.shape_cast %get3A_732 : vector<1x16xf32> to vector<16xf32>
        %get3A_734 = arith.index_cast %scan3A_185 : i32 to index
        %get3A_735 = arith.constant 256 : index
        %get3A_736 = tpu.vector_load %arg24[%get3A_734, %get3A_735] {strides = array<i32>} : memref<16x384xf32, #tpu.memory_space<vmem>>, vector<1x16xf32>,
        %get3A_737 = vector.shape_cast %get3A_736 : vector<1x16xf32> to vector<16xf32>
        %add3A_738 = arith.addf %get3A_733, %get3A_737 : vector<16xf32>
        %get3A_739 = arith.index_cast %scan3A_185 : i32 to index
        %get3A_740 = arith.constant 256 : index
        %get3A_741 = tpu.vector_load %arg25[%get3A_739, %get3A_740] {strides = array<i32>} : memref<16x384xf32, #tpu.memory_space<vmem>>, vector<1x16xf32>,
        %get3A_742 = vector.shape_cast %get3A_741 : vector<1x16xf32> to vector<16xf32>
        %get3A_743 = arith.index_cast %scan3A_185 : i32 to index
        %get3A_744 = arith.constant 256 : index
        %get3A_745 = tpu.vector_load %arg26[%get3A_743, %get3A_744] {strides = array<i32>} : memref<16x384xf32, #tpu.memory_space<vmem>>, vector<1x16xf32>,
        %get3A_746 = vector.shape_cast %get3A_745 : vector<1x16xf32> to vector<16xf32>
        %add3A_747 = arith.addf %get3A_742, %get3A_746 : vector<16xf32>
        %add3A_748 = arith.addf %add3A_738, %add3A_747 : vector<16xf32>
        %get3A_749 = arith.index_cast %scan3A_185 : i32 to index
        %get3A_750 = arith.constant 256 : index
        %get3A_751 = tpu.vector_load %arg27[%get3A_749, %get3A_750] {strides = array<i32>} : memref<16x384xf32, #tpu.memory_space<vmem>>, vector<1x16xf32>,
        %get3A_752 = vector.shape_cast %get3A_751 : vector<1x16xf32> to vector<16xf32>
        %get3A_753 = arith.index_cast %scan3A_185 : i32 to index
        %get3A_754 = arith.constant 256 : index
        %get3A_755 = tpu.vector_load %arg28[%get3A_753, %get3A_754] {strides = array<i32>} : memref<16x384xf32, #tpu.memory_space<vmem>>, vector<1x16xf32>,
        %get3A_756 = vector.shape_cast %get3A_755 : vector<1x16xf32> to vector<16xf32>
        %add3A_757 = arith.addf %get3A_752, %get3A_756 : vector<16xf32>
        %add3A_758 = arith.addf %add3A_748, %add3A_757 : vector<16xf32>
        %swap3A_759 = arith.index_cast %scan3A_185 : i32 to index
        %swap3A_760 = arith.constant 256 : index
        %swap3A_761 = tpu.vector_load %arg23[%swap3A_759, %swap3A_760] {strides = array<i32>} : memref<16x384xf32, #tpu.memory_space<vmem>>, vector<1x16xf32>,
        %swap3A_762 = vector.shape_cast %swap3A_761 : vector<1x16xf32> to vector<16xf32>
        %swap3A_763 = vector.shape_cast %add3A_758 : vector<16xf32> to vector<1x16xf32>
        tpu.vector_store %arg23[%swap3A_759, %swap3A_760], %swap3A_763 {strides = array<i32>} : memref<16x384xf32, #tpu.memory_space<vmem>>, vector<1x16xf32>,
        %get3A_764 = arith.index_cast %scan3A_185 : i32 to index
        %get3A_765 = arith.constant 272 : index
        %get3A_766 = tpu.vector_load %arg23[%get3A_764, %get3A_765] {strides = array<i32>} : memref<16x384xf32, #tpu.memory_space<vmem>>, vector<1x16xf32>,
        %get3A_767 = vector.shape_cast %get3A_766 : vector<1x16xf32> to vector<16xf32>
        %get3A_768 = arith.index_cast %scan3A_185 : i32 to index
        %get3A_769 = arith.constant 272 : index
        %get3A_770 = tpu.vector_load %arg24[%get3A_768, %get3A_769] {strides = array<i32>} : memref<16x384xf32, #tpu.memory_space<vmem>>, vector<1x16xf32>,
        %get3A_771 = vector.shape_cast %get3A_770 : vector<1x16xf32> to vector<16xf32>
        %add3A_772 = arith.addf %get3A_767, %get3A_771 : vector<16xf32>
        %get3A_773 = arith.index_cast %scan3A_185 : i32 to index
        %get3A_774 = arith.constant 272 : index
        %get3A_775 = tpu.vector_load %arg25[%get3A_773, %get3A_774] {strides = array<i32>} : memref<16x384xf32, #tpu.memory_space<vmem>>, vector<1x16xf32>,
        %get3A_776 = vector.shape_cast %get3A_775 : vector<1x16xf32> to vector<16xf32>
        %get3A_777 = arith.index_cast %scan3A_185 : i32 to index
        %get3A_778 = arith.constant 272 : index
        %get3A_779 = tpu.vector_load %arg26[%get3A_777, %get3A_778] {strides = array<i32>} : memref<16x384xf32, #tpu.memory_space<vmem>>, vector<1x16xf32>,
        %get3A_780 = vector.shape_cast %get3A_779 : vector<1x16xf32> to vector<16xf32>
        %add3A_781 = arith.addf %get3A_776, %get3A_780 : vector<16xf32>
        %add3A_782 = arith.addf %add3A_772, %add3A_781 : vector<16xf32>
        %get3A_783 = arith.index_cast %scan3A_185 : i32 to index
        %get3A_784 = arith.constant 272 : index
        %get3A_785 = tpu.vector_load %arg27[%get3A_783, %get3A_784] {strides = array<i32>} : memref<16x384xf32, #tpu.memory_space<vmem>>, vector<1x16xf32>,
        %get3A_786 = vector.shape_cast %get3A_785 : vector<1x16xf32> to vector<16xf32>
        %get3A_787 = arith.index_cast %scan3A_185 : i32 to index
        %get3A_788 = arith.constant 272 : index
        %get3A_789 = tpu.vector_load %arg28[%get3A_787, %get3A_788] {strides = array<i32>} : memref<16x384xf32, #tpu.memory_space<vmem>>, vector<1x16xf32>,
        %get3A_790 = vector.shape_cast %get3A_789 : vector<1x16xf32> to vector<16xf32>
        %add3A_791 = arith.addf %get3A_786, %get3A_790 : vector<16xf32>
        %add3A_792 = arith.addf %add3A_782, %add3A_791 : vector<16xf32>
        %swap3A_793 = arith.index_cast %scan3A_185 : i32 to index
        %swap3A_794 = arith.constant 272 : index
        %swap3A_795 = tpu.vector_load %arg23[%swap3A_793, %swap3A_794] {strides = array<i32>} : memref<16x384xf32, #tpu.memory_space<vmem>>, vector<1x16xf32>,
        %swap3A_796 = vector.shape_cast %swap3A_795 : vector<1x16xf32> to vector<16xf32>
        %swap3A_797 = vector.shape_cast %add3A_792 : vector<16xf32> to vector<1x16xf32>
        tpu.vector_store %arg23[%swap3A_793, %swap3A_794], %swap3A_797 {strides = array<i32>} : memref<16x384xf32, #tpu.memory_space<vmem>>, vector<1x16xf32>,
        %get3A_798 = arith.index_cast %scan3A_185 : i32 to index
        %get3A_799 = arith.constant 288 : index
        %get3A_800 = tpu.vector_load %arg23[%get3A_798, %get3A_799] {strides = array<i32>} : memref<16x384xf32, #tpu.memory_space<vmem>>, vector<1x16xf32>,
        %get3A_801 = vector.shape_cast %get3A_800 : vector<1x16xf32> to vector<16xf32>
        %get3A_802 = arith.index_cast %scan3A_185 : i32 to index
        %get3A_803 = arith.constant 288 : index
        %get3A_804 = tpu.vector_load %arg24[%get3A_802, %get3A_803] {strides = array<i32>} : memref<16x384xf32, #tpu.memory_space<vmem>>, vector<1x16xf32>,
        %get3A_805 = vector.shape_cast %get3A_804 : vector<1x16xf32> to vector<16xf32>
        %add3A_806 = arith.addf %get3A_801, %get3A_805 : vector<16xf32>
        %get3A_807 = arith.index_cast %scan3A_185 : i32 to index
        %get3A_808 = arith.constant 288 : index
        %get3A_809 = tpu.vector_load %arg25[%get3A_807, %get3A_808] {strides = array<i32>} : memref<16x384xf32, #tpu.memory_space<vmem>>, vector<1x16xf32>,
        %get3A_810 = vector.shape_cast %get3A_809 : vector<1x16xf32> to vector<16xf32>
        %get3A_811 = arith.index_cast %scan3A_185 : i32 to index
        %get3A_812 = arith.constant 288 : index
        %get3A_813 = tpu.vector_load %arg26[%get3A_811, %get3A_812] {strides = array<i32>} : memref<16x384xf32, #tpu.memory_space<vmem>>, vector<1x16xf32>,
        %get3A_814 = vector.shape_cast %get3A_813 : vector<1x16xf32> to vector<16xf32>
        %add3A_815 = arith.addf %get3A_810, %get3A_814 : vector<16xf32>
        %add3A_816 = arith.addf %add3A_806, %add3A_815 : vector<16xf32>
        %get3A_817 = arith.index_cast %scan3A_185 : i32 to index
        %get3A_818 = arith.constant 288 : index
        %get3A_819 = tpu.vector_load %arg27[%get3A_817, %get3A_818] {strides = array<i32>} : memref<16x384xf32, #tpu.memory_space<vmem>>, vector<1x16xf32>,
        %get3A_820 = vector.shape_cast %get3A_819 : vector<1x16xf32> to vector<16xf32>
        %get3A_821 = arith.index_cast %scan3A_185 : i32 to index
        %get3A_822 = arith.constant 288 : index
        %get3A_823 = tpu.vector_load %arg28[%get3A_821, %get3A_822] {strides = array<i32>} : memref<16x384xf32, #tpu.memory_space<vmem>>, vector<1x16xf32>,
        %get3A_824 = vector.shape_cast %get3A_823 : vector<1x16xf32> to vector<16xf32>
        %add3A_825 = arith.addf %get3A_820, %get3A_824 : vector<16xf32>
        %add3A_826 = arith.addf %add3A_816, %add3A_825 : vector<16xf32>
        %swap3A_827 = arith.index_cast %scan3A_185 : i32 to index
        %swap3A_828 = arith.constant 288 : index
        %swap3A_829 = tpu.vector_load %arg23[%swap3A_827, %swap3A_828] {strides = array<i32>} : memref<16x384xf32, #tpu.memory_space<vmem>>, vector<1x16xf32>,
        %swap3A_830 = vector.shape_cast %swap3A_829 : vector<1x16xf32> to vector<16xf32>
        %swap3A_831 = vector.shape_cast %add3A_826 : vector<16xf32> to vector<1x16xf32>
        tpu.vector_store %arg23[%swap3A_827, %swap3A_828], %swap3A_831 {strides = array<i32>} : memref<16x384xf32, #tpu.memory_space<vmem>>, vector<1x16xf32>,
        %get3A_832 = arith.index_cast %scan3A_185 : i32 to index
        %get3A_833 = arith.constant 304 : index
        %get3A_834 = tpu.vector_load %arg23[%get3A_832, %get3A_833] {strides = array<i32>} : memref<16x384xf32, #tpu.memory_space<vmem>>, vector<1x16xf32>,
        %get3A_835 = vector.shape_cast %get3A_834 : vector<1x16xf32> to vector<16xf32>
        %get3A_836 = arith.index_cast %scan3A_185 : i32 to index
        %get3A_837 = arith.constant 304 : index
        %get3A_838 = tpu.vector_load %arg24[%get3A_836, %get3A_837] {strides = array<i32>} : memref<16x384xf32, #tpu.memory_space<vmem>>, vector<1x16xf32>,
        %get3A_839 = vector.shape_cast %get3A_838 : vector<1x16xf32> to vector<16xf32>
        %add3A_840 = arith.addf %get3A_835, %get3A_839 : vector<16xf32>
        %get3A_841 = arith.index_cast %scan3A_185 : i32 to index
        %get3A_842 = arith.constant 304 : index
        %get3A_843 = tpu.vector_load %arg25[%get3A_841, %get3A_842] {strides = array<i32>} : memref<16x384xf32, #tpu.memory_space<vmem>>, vector<1x16xf32>,
        %get3A_844 = vector.shape_cast %get3A_843 : vector<1x16xf32> to vector<16xf32>
        %get3A_845 = arith.index_cast %scan3A_185 : i32 to index
        %get3A_846 = arith.constant 304 : index
        %get3A_847 = tpu.vector_load %arg26[%get3A_845, %get3A_846] {strides = array<i32>} : memref<16x384xf32, #tpu.memory_space<vmem>>, vector<1x16xf32>,
        %get3A_848 = vector.shape_cast %get3A_847 : vector<1x16xf32> to vector<16xf32>
        %add3A_849 = arith.addf %get3A_844, %get3A_848 : vector<16xf32>
        %add3A_850 = arith.addf %add3A_840, %add3A_849 : vector<16xf32>
        %get3A_851 = arith.index_cast %scan3A_185 : i32 to index
        %get3A_852 = arith.constant 304 : index
        %get3A_853 = tpu.vector_load %arg27[%get3A_851, %get3A_852] {strides = array<i32>} : memref<16x384xf32, #tpu.memory_space<vmem>>, vector<1x16xf32>,
        %get3A_854 = vector.shape_cast %get3A_853 : vector<1x16xf32> to vector<16xf32>
        %get3A_855 = arith.index_cast %scan3A_185 : i32 to index
        %get3A_856 = arith.constant 304 : index
        %get3A_857 = tpu.vector_load %arg28[%get3A_855, %get3A_856] {strides = array<i32>} : memref<16x384xf32, #tpu.memory_space<vmem>>, vector<1x16xf32>,
        %get3A_858 = vector.shape_cast %get3A_857 : vector<1x16xf32> to vector<16xf32>
        %add3A_859 = arith.addf %get3A_854, %get3A_858 : vector<16xf32>
        %add3A_860 = arith.addf %add3A_850, %add3A_859 : vector<16xf32>
        %swap3A_861 = arith.index_cast %scan3A_185 : i32 to index
        %swap3A_862 = arith.constant 304 : index
        %swap3A_863 = tpu.vector_load %arg23[%swap3A_861, %swap3A_862] {strides = array<i32>} : memref<16x384xf32, #tpu.memory_space<vmem>>, vector<1x16xf32>,
        %swap3A_864 = vector.shape_cast %swap3A_863 : vector<1x16xf32> to vector<16xf32>
        %swap3A_865 = vector.shape_cast %add3A_860 : vector<16xf32> to vector<1x16xf32>
        tpu.vector_store %arg23[%swap3A_861, %swap3A_862], %swap3A_865 {strides = array<i32>} : memref<16x384xf32, #tpu.memory_space<vmem>>, vector<1x16xf32>,
        %get3A_866 = arith.index_cast %scan3A_185 : i32 to index
        %get3A_867 = arith.constant 320 : index
        %get3A_868 = tpu.vector_load %arg23[%get3A_866, %get3A_867] {strides = array<i32>} : memref<16x384xf32, #tpu.memory_space<vmem>>, vector<1x16xf32>,
        %get3A_869 = vector.shape_cast %get3A_868 : vector<1x16xf32> to vector<16xf32>
        %get3A_870 = arith.index_cast %scan3A_185 : i32 to index
        %get3A_871 = arith.constant 320 : index
        %get3A_872 = tpu.vector_load %arg24[%get3A_870, %get3A_871] {strides = array<i32>} : memref<16x384xf32, #tpu.memory_space<vmem>>, vector<1x16xf32>,
        %get3A_873 = vector.shape_cast %get3A_872 : vector<1x16xf32> to vector<16xf32>
        %add3A_874 = arith.addf %get3A_869, %get3A_873 : vector<16xf32>
        %get3A_875 = arith.index_cast %scan3A_185 : i32 to index
        %get3A_876 = arith.constant 320 : index
        %get3A_877 = tpu.vector_load %arg25[%get3A_875, %get3A_876] {strides = array<i32>} : memref<16x384xf32, #tpu.memory_space<vmem>>, vector<1x16xf32>,
        %get3A_878 = vector.shape_cast %get3A_877 : vector<1x16xf32> to vector<16xf32>
        %get3A_879 = arith.index_cast %scan3A_185 : i32 to index
        %get3A_880 = arith.constant 320 : index
        %get3A_881 = tpu.vector_load %arg26[%get3A_879, %get3A_880] {strides = array<i32>} : memref<16x384xf32, #tpu.memory_space<vmem>>, vector<1x16xf32>,
        %get3A_882 = vector.shape_cast %get3A_881 : vector<1x16xf32> to vector<16xf32>
        %add3A_883 = arith.addf %get3A_878, %get3A_882 : vector<16xf32>
        %add3A_884 = arith.addf %add3A_874, %add3A_883 : vector<16xf32>
        %get3A_885 = arith.index_cast %scan3A_185 : i32 to index
        %get3A_886 = arith.constant 320 : index
        %get3A_887 = tpu.vector_load %arg27[%get3A_885, %get3A_886] {strides = array<i32>} : memref<16x384xf32, #tpu.memory_space<vmem>>, vector<1x16xf32>,
        %get3A_888 = vector.shape_cast %get3A_887 : vector<1x16xf32> to vector<16xf32>
        %get3A_889 = arith.index_cast %scan3A_185 : i32 to index
        %get3A_890 = arith.constant 320 : index
        %get3A_891 = tpu.vector_load %arg28[%get3A_889, %get3A_890] {strides = array<i32>} : memref<16x384xf32, #tpu.memory_space<vmem>>, vector<1x16xf32>,
        %get3A_892 = vector.shape_cast %get3A_891 : vector<1x16xf32> to vector<16xf32>
        %add3A_893 = arith.addf %get3A_888, %get3A_892 : vector<16xf32>
        %add3A_894 = arith.addf %add3A_884, %add3A_893 : vector<16xf32>
        %swap3A_895 = arith.index_cast %scan3A_185 : i32 to index
        %swap3A_896 = arith.constant 320 : index
        %swap3A_897 = tpu.vector_load %arg23[%swap3A_895, %swap3A_896] {strides = array<i32>} : memref<16x384xf32, #tpu.memory_space<vmem>>, vector<1x16xf32>,
        %swap3A_898 = vector.shape_cast %swap3A_897 : vector<1x16xf32> to vector<16xf32>
        %swap3A_899 = vector.shape_cast %add3A_894 : vector<16xf32> to vector<1x16xf32>
        tpu.vector_store %arg23[%swap3A_895, %swap3A_896], %swap3A_899 {strides = array<i32>} : memref<16x384xf32, #tpu.memory_space<vmem>>, vector<1x16xf32>,
        %get3A_900 = arith.index_cast %scan3A_185 : i32 to index
        %get3A_901 = arith.constant 336 : index
        %get3A_902 = tpu.vector_load %arg23[%get3A_900, %get3A_901] {strides = array<i32>} : memref<16x384xf32, #tpu.memory_space<vmem>>, vector<1x16xf32>,
        %get3A_903 = vector.shape_cast %get3A_902 : vector<1x16xf32> to vector<16xf32>
        %get3A_904 = arith.index_cast %scan3A_185 : i32 to index
        %get3A_905 = arith.constant 336 : index
        %get3A_906 = tpu.vector_load %arg24[%get3A_904, %get3A_905] {strides = array<i32>} : memref<16x384xf32, #tpu.memory_space<vmem>>, vector<1x16xf32>,
        %get3A_907 = vector.shape_cast %get3A_906 : vector<1x16xf32> to vector<16xf32>
        %add3A_908 = arith.addf %get3A_903, %get3A_907 : vector<16xf32>
        %get3A_909 = arith.index_cast %scan3A_185 : i32 to index
        %get3A_910 = arith.constant 336 : index
        %get3A_911 = tpu.vector_load %arg25[%get3A_909, %get3A_910] {strides = array<i32>} : memref<16x384xf32, #tpu.memory_space<vmem>>, vector<1x16xf32>,
        %get3A_912 = vector.shape_cast %get3A_911 : vector<1x16xf32> to vector<16xf32>
        %get3A_913 = arith.index_cast %scan3A_185 : i32 to index
        %get3A_914 = arith.constant 336 : index
        %get3A_915 = tpu.vector_load %arg26[%get3A_913, %get3A_914] {strides = array<i32>} : memref<16x384xf32, #tpu.memory_space<vmem>>, vector<1x16xf32>,
        %get3A_916 = vector.shape_cast %get3A_915 : vector<1x16xf32> to vector<16xf32>
        %add3A_917 = arith.addf %get3A_912, %get3A_916 : vector<16xf32>
        %add3A_918 = arith.addf %add3A_908, %add3A_917 : vector<16xf32>
        %get3A_919 = arith.index_cast %scan3A_185 : i32 to index
        %get3A_920 = arith.constant 336 : index
        %get3A_921 = tpu.vector_load %arg27[%get3A_919, %get3A_920] {strides = array<i32>} : memref<16x384xf32, #tpu.memory_space<vmem>>, vector<1x16xf32>,
        %get3A_922 = vector.shape_cast %get3A_921 : vector<1x16xf32> to vector<16xf32>
        %get3A_923 = arith.index_cast %scan3A_185 : i32 to index
        %get3A_924 = arith.constant 336 : index
        %get3A_925 = tpu.vector_load %arg28[%get3A_923, %get3A_924] {strides = array<i32>} : memref<16x384xf32, #tpu.memory_space<vmem>>, vector<1x16xf32>,
        %get3A_926 = vector.shape_cast %get3A_925 : vector<1x16xf32> to vector<16xf32>
        %add3A_927 = arith.addf %get3A_922, %get3A_926 : vector<16xf32>
        %add3A_928 = arith.addf %add3A_918, %add3A_927 : vector<16xf32>
        %swap3A_929 = arith.index_cast %scan3A_185 : i32 to index
        %swap3A_930 = arith.constant 336 : index
        %swap3A_931 = tpu.vector_load %arg23[%swap3A_929, %swap3A_930] {strides = array<i32>} : memref<16x384xf32, #tpu.memory_space<vmem>>, vector<1x16xf32>,
        %swap3A_932 = vector.shape_cast %swap3A_931 : vector<1x16xf32> to vector<16xf32>
        %swap3A_933 = vector.shape_cast %add3A_928 : vector<16xf32> to vector<1x16xf32>
        tpu.vector_store %arg23[%swap3A_929, %swap3A_930], %swap3A_933 {strides = array<i32>} : memref<16x384xf32, #tpu.memory_space<vmem>>, vector<1x16xf32>,
        %get3A_934 = arith.index_cast %scan3A_185 : i32 to index
        %get3A_935 = arith.constant 352 : index
        %get3A_936 = tpu.vector_load %arg23[%get3A_934, %get3A_935] {strides = array<i32>} : memref<16x384xf32, #tpu.memory_space<vmem>>, vector<1x16xf32>,
        %get3A_937 = vector.shape_cast %get3A_936 : vector<1x16xf32> to vector<16xf32>
        %get3A_938 = arith.index_cast %scan3A_185 : i32 to index
        %get3A_939 = arith.constant 352 : index
        %get3A_940 = tpu.vector_load %arg24[%get3A_938, %get3A_939] {strides = array<i32>} : memref<16x384xf32, #tpu.memory_space<vmem>>, vector<1x16xf32>,
        %get3A_941 = vector.shape_cast %get3A_940 : vector<1x16xf32> to vector<16xf32>
        %add3A_942 = arith.addf %get3A_937, %get3A_941 : vector<16xf32>
        %get3A_943 = arith.index_cast %scan3A_185 : i32 to index
        %get3A_944 = arith.constant 352 : index
        %get3A_945 = tpu.vector_load %arg25[%get3A_943, %get3A_944] {strides = array<i32>} : memref<16x384xf32, #tpu.memory_space<vmem>>, vector<1x16xf32>,
        %get3A_946 = vector.shape_cast %get3A_945 : vector<1x16xf32> to vector<16xf32>
        %get3A_947 = arith.index_cast %scan3A_185 : i32 to index
        %get3A_948 = arith.constant 352 : index
        %get3A_949 = tpu.vector_load %arg26[%get3A_947, %get3A_948] {strides = array<i32>} : memref<16x384xf32, #tpu.memory_space<vmem>>, vector<1x16xf32>,
        %get3A_950 = vector.shape_cast %get3A_949 : vector<1x16xf32> to vector<16xf32>
        %add3A_951 = arith.addf %get3A_946, %get3A_950 : vector<16xf32>
        %add3A_952 = arith.addf %add3A_942, %add3A_951 : vector<16xf32>
        %get3A_953 = arith.index_cast %scan3A_185 : i32 to index
        %get3A_954 = arith.constant 352 : index
        %get3A_955 = tpu.vector_load %arg27[%get3A_953, %get3A_954] {strides = array<i32>} : memref<16x384xf32, #tpu.memory_space<vmem>>, vector<1x16xf32>,
        %get3A_956 = vector.shape_cast %get3A_955 : vector<1x16xf32> to vector<16xf32>
        %get3A_957 = arith.index_cast %scan3A_185 : i32 to index
        %get3A_958 = arith.constant 352 : index
        %get3A_959 = tpu.vector_load %arg28[%get3A_957, %get3A_958] {strides = array<i32>} : memref<16x384xf32, #tpu.memory_space<vmem>>, vector<1x16xf32>,
        %get3A_960 = vector.shape_cast %get3A_959 : vector<1x16xf32> to vector<16xf32>
        %add3A_961 = arith.addf %get3A_956, %get3A_960 : vector<16xf32>
        %add3A_962 = arith.addf %add3A_952, %add3A_961 : vector<16xf32>
        %swap3A_963 = arith.index_cast %scan3A_185 : i32 to index
        %swap3A_964 = arith.constant 352 : index
        %swap3A_965 = tpu.vector_load %arg23[%swap3A_963, %swap3A_964] {strides = array<i32>} : memref<16x384xf32, #tpu.memory_space<vmem>>, vector<1x16xf32>,
        %swap3A_966 = vector.shape_cast %swap3A_965 : vector<1x16xf32> to vector<16xf32>
        %swap3A_967 = vector.shape_cast %add3A_962 : vector<16xf32> to vector<1x16xf32>
        tpu.vector_store %arg23[%swap3A_963, %swap3A_964], %swap3A_967 {strides = array<i32>} : memref<16x384xf32, #tpu.memory_space<vmem>>, vector<1x16xf32>,
        %get3A_968 = arith.index_cast %scan3A_185 : i32 to index
        %get3A_969 = arith.constant 368 : index
        %get3A_970 = tpu.vector_load %arg23[%get3A_968, %get3A_969] {strides = array<i32>} : memref<16x384xf32, #tpu.memory_space<vmem>>, vector<1x16xf32>,
        %get3A_971 = vector.shape_cast %get3A_970 : vector<1x16xf32> to vector<16xf32>
        %get3A_972 = arith.index_cast %scan3A_185 : i32 to index
        %get3A_973 = arith.constant 368 : index
        %get3A_974 = tpu.vector_load %arg24[%get3A_972, %get3A_973] {strides = array<i32>} : memref<16x384xf32, #tpu.memory_space<vmem>>, vector<1x16xf32>,
        %get3A_975 = vector.shape_cast %get3A_974 : vector<1x16xf32> to vector<16xf32>
        %add3A_976 = arith.addf %get3A_971, %get3A_975 : vector<16xf32>
        %get3A_977 = arith.index_cast %scan3A_185 : i32 to index
        %get3A_978 = arith.constant 368 : index
        %get3A_979 = tpu.vector_load %arg25[%get3A_977, %get3A_978] {strides = array<i32>} : memref<16x384xf32, #tpu.memory_space<vmem>>, vector<1x16xf32>,
        %get3A_980 = vector.shape_cast %get3A_979 : vector<1x16xf32> to vector<16xf32>
        %get3A_981 = arith.index_cast %scan3A_185 : i32 to index
        %get3A_982 = arith.constant 368 : index
        %get3A_983 = tpu.vector_load %arg26[%get3A_981, %get3A_982] {strides = array<i32>} : memref<16x384xf32, #tpu.memory_space<vmem>>, vector<1x16xf32>,
        %get3A_984 = vector.shape_cast %get3A_983 : vector<1x16xf32> to vector<16xf32>
        %add3A_985 = arith.addf %get3A_980, %get3A_984 : vector<16xf32>
        %add3A_986 = arith.addf %add3A_976, %add3A_985 : vector<16xf32>
        %get3A_987 = arith.index_cast %scan3A_185 : i32 to index
        %get3A_988 = arith.constant 368 : index
        %get3A_989 = tpu.vector_load %arg27[%get3A_987, %get3A_988] {strides = array<i32>} : memref<16x384xf32, #tpu.memory_space<vmem>>, vector<1x16xf32>,
        %get3A_990 = vector.shape_cast %get3A_989 : vector<1x16xf32> to vector<16xf32>
        %get3A_991 = arith.index_cast %scan3A_185 : i32 to index
        %get3A_992 = arith.constant 368 : index
        %get3A_993 = tpu.vector_load %arg28[%get3A_991, %get3A_992] {strides = array<i32>} : memref<16x384xf32, #tpu.memory_space<vmem>>, vector<1x16xf32>,
        %get3A_994 = vector.shape_cast %get3A_993 : vector<1x16xf32> to vector<16xf32>
        %add3A_995 = arith.addf %get3A_990, %get3A_994 : vector<16xf32>
        %add3A_996 = arith.addf %add3A_986, %add3A_995 : vector<16xf32>
        %swap3A_997 = arith.index_cast %scan3A_185 : i32 to index
        %swap3A_998 = arith.constant 368 : index
        %swap3A_999 = tpu.vector_load %arg23[%swap3A_997, %swap3A_998] {strides = array<i32>} : memref<16x384xf32, #tpu.memory_space<vmem>>, vector<1x16xf32>,
        %swap3A_1000 = vector.shape_cast %swap3A_999 : vector<1x16xf32> to vector<16xf32>
        %swap3A_1001 = vector.shape_cast %add3A_996 : vector<16xf32> to vector<1x16xf32>
        tpu.vector_store %arg23[%swap3A_997, %swap3A_998], %swap3A_1001 {strides = array<i32>} : memref<16x384xf32, #tpu.memory_space<vmem>>, vector<1x16xf32>,
        %scan3A_1002 = arith.constant 0 : i32
        scf.yield %scan3A_1002 : i32
      }
      %scan3A_178 = arith.constant 16 : i32
      %mul3A_179 = arith.constant 16 : i32
      %mul3A_180 = arith.muli %add3A_120, %mul3A_179 : i32
      %add3A_181 = arith.addi %mul3A_0, %mul3A_180 : i32
      %dma_start3A_182 = tpu.memref_slice %arg12[%add3A_181, %mul3A_2] : memref<8192x768xf32, #tpu.memory_space<hbm>> -> memref<16x384xf32, #tpu.memory_space<hbm>>
      %dma_start3A_183 = tpu.memref_slice %arg12[%add3A_181, %mul3A_2] : memref<8192x768xf32, #tpu.memory_space<hbm>> -> memref<16x384xf32, #tpu.memory_space<hbm>>
      tpu.enqueue_dma source(%arg23 : memref<16x384xf32, #tpu.memory_space<vmem>>) target(%dma_start3A_183 : memref<16x384xf32, #tpu.memory_space<hbm>>) target_semaphore(%arg30 : memref<!tpu.dma_semaphore, #tpu.memory_space<semaphore_mem>>)
      %scan3A_184 = arith.constant 0 : i32
      scf.yield %scan3A_184 : i32
    }
    %scan3A_44 = arith.constant 16 : i32
    %add3A = arith.constant 480 : i32
    %add3A_45 = arith.addi %mul3A_0, %add3A : i32
    %dma_wait3A = tpu.memref_slice %arg12[%add3A_45, %mul3A_2] : memref<8192x768xf32, #tpu.memory_space<hbm>> -> memref<16x384xf32, #tpu.memory_space<hbm>>
    %dma_wait3A_46 = tpu.memref_slice %arg12[%add3A_45, %mul3A_2] : memref<8192x768xf32, #tpu.memory_space<hbm>> -> memref<16x384xf32, #tpu.memory_space<hbm>>
    tpu.wait_dma2 semaphore(%arg30 : memref<!tpu.dma_semaphore, #tpu.memory_space<semaphore_mem>>) src(%arg17 : memref<16x384xf32, #tpu.memory_space<vmem>>) dst(%dma_wait3A_46 : memref<16x384xf32, #tpu.memory_space<hbm>>)
    %add3A_47 = arith.constant 496 : i32
    %add3A_48 = arith.addi %mul3A_0, %add3A_47 : i32
    %dma_wait3A_49 = tpu.memref_slice %arg12[%add3A_48, %mul3A_2] : memref<8192x768xf32, #tpu.memory_space<hbm>> -> memref<16x384xf32, #tpu.memory_space<hbm>>
    %dma_wait3A_50 = tpu.memref_slice %arg12[%add3A_48, %mul3A_2] : memref<8192x768xf32, #tpu.memory_space<hbm>> -> memref<16x384xf32, #tpu.memory_space<hbm>>
    tpu.wait_dma2 semaphore(%arg30 : memref<!tpu.dma_semaphore, #tpu.memory_space<semaphore_mem>>) src(%arg23 : memref<16x384xf32, #tpu.memory_space<vmem>>) dst(%dma_wait3A_50 : memref<16x384xf32, #tpu.memory_space<hbm>>)
    return
  }
}

module attributes {stable_mosaic.version = 14 : i64} {
  func.func @_tc_body(%arg0: i32, %arg1: memref<1x1x1024xi32, #tpu.memory_space<vmem>>, %arg2: memref<1x1x1024xi32, #tpu.memory_space<vmem>>, %arg3: memref<1x1x1024xi32, #tpu.memory_space<vmem>>, %arg4: memref<1x1x1024xi32, #tpu.memory_space<vmem>>, %arg5: memref<1024x768xbf16, #tpu.memory_space<vmem>>, %arg6: memref<1024x768xbf16, #tpu.memory_space<vmem>>, %arg7: memref<1024x768xbf16, #tpu.memory_space<vmem>>, %arg8: memref<1024x768xbf16, #tpu.memory_space<vmem>>, %arg9: memref<1024x768xbf16, #tpu.memory_space<vmem>>, %arg10: memref<1024x768xbf16, #tpu.memory_space<vmem>>, %arg11: memref<1024x768xf32, #tpu.memory_space<vmem>>) attributes {dimension_semantics = [#tpu.dimension_semantics<arbitrary>], iteration_bounds = array<i64: 24>, scalar_prefetch = 0 : i64, scratch_operands = 0 : i64, tpu.core_type = #tpu.core_type<tc>, window_params = [{transform_indices = @transform_0, window_bounds = array<i64: 1, 1, 1024>}, {transform_indices = @transform_1, window_bounds = array<i64: 1, 1, 1024>}, {transform_indices = @transform_2, window_bounds = array<i64: 1, 1, 1024>}, {transform_indices = @transform_3, window_bounds = array<i64: 1, 1, 1024>}, {pipeline_mode = #tpu.pipeline_mode<synchronous>, transform_indices = @transform_4, window_bounds = array<i64: 1024, 768>}, {pipeline_mode = #tpu.pipeline_mode<synchronous>, transform_indices = @transform_5, window_bounds = array<i64: 1024, 768>}, {pipeline_mode = #tpu.pipeline_mode<synchronous>, transform_indices = @transform_6, window_bounds = array<i64: 1024, 768>}, {pipeline_mode = #tpu.pipeline_mode<synchronous>, transform_indices = @transform_7, window_bounds = array<i64: 1024, 768>}, {pipeline_mode = #tpu.pipeline_mode<synchronous>, transform_indices = @transform_8, window_bounds = array<i64: 1024, 768>}, {pipeline_mode = #tpu.pipeline_mode<synchronous>, transform_indices = @transform_9, window_bounds = array<i64: 1024, 768>}, {transform_indices = @transform_10, window_bounds = array<i64: 1024, 768>}]} {
    %iota3A = tpu.iota {dimensions = array<i32: 1>} : vector<1024x1024xi32>
    %get3A = arith.constant 0 : index
    %get3A_0 = arith.constant 0 : index
    %get3A_1 = arith.constant 0 : index
    %get3A_2 = vector.load %arg1[%get3A, %get3A_0, %get3A_1] : memref<1x1x1024xi32, #tpu.memory_space<vmem>>, vector<1x1x1024xi32>
    %get3A_3 = vector.shape_cast %get3A_2 : vector<1x1x1024xi32> to vector<1024xi32>
    %jit3A = arith.constant 0 : i32
    %jit3A_4 = arith.constant 1023 : i32
    %max3A = vector.broadcast %jit3A : i32 to vector<1024xi32>
    %max3A_5 = arith.maxsi %max3A, %get3A_3 : vector<1024xi32>
    %min3A = vector.broadcast %jit3A_4 : i32 to vector<1024xi32>
    %min3A_6 = arith.minsi %min3A, %max3A_5 : vector<1024xi32>
    %get3A_7 = arith.constant 0 : index
    %get3A_8 = arith.constant 0 : index
    %get3A_9 = arith.constant 0 : index
    %get3A_10 = vector.load %arg2[%get3A_7, %get3A_8, %get3A_9] : memref<1x1x1024xi32, #tpu.memory_space<vmem>>, vector<1x1x1024xi32>
    %get3A_11 = vector.shape_cast %get3A_10 : vector<1x1x1024xi32> to vector<1024xi32>
    %jit3A_12 = arith.constant 0 : i32
    %jit3A_13 = arith.constant 1023 : i32
    %max3A_14 = vector.broadcast %jit3A_12 : i32 to vector<1024xi32>
    %max3A_15 = arith.maxsi %max3A_14, %get3A_11 : vector<1024xi32>
    %min3A_16 = vector.broadcast %jit3A_13 : i32 to vector<1024xi32>
    %min3A_17 = arith.minsi %min3A_16, %max3A_15 : vector<1024xi32>
    %get3A_18 = arith.constant 0 : index
    %get3A_19 = arith.constant 0 : index
    %get3A_20 = arith.constant 0 : index
    %get3A_21 = vector.load %arg3[%get3A_18, %get3A_19, %get3A_20] : memref<1x1x1024xi32, #tpu.memory_space<vmem>>, vector<1x1x1024xi32>
    %get3A_22 = vector.shape_cast %get3A_21 : vector<1x1x1024xi32> to vector<1024xi32>
    %jit3A_23 = arith.constant 0 : i32
    %jit3A_24 = arith.constant 1023 : i32
    %max3A_25 = vector.broadcast %jit3A_23 : i32 to vector<1024xi32>
    %max3A_26 = arith.maxsi %max3A_25, %get3A_22 : vector<1024xi32>
    %min3A_27 = vector.broadcast %jit3A_24 : i32 to vector<1024xi32>
    %min3A_28 = arith.minsi %min3A_27, %max3A_26 : vector<1024xi32>
    %get3A_29 = arith.constant 0 : index
    %get3A_30 = arith.constant 0 : index
    %get3A_31 = arith.constant 0 : index
    %get3A_32 = vector.load %arg4[%get3A_29, %get3A_30, %get3A_31] : memref<1x1x1024xi32, #tpu.memory_space<vmem>>, vector<1x1x1024xi32>
    %get3A_33 = vector.shape_cast %get3A_32 : vector<1x1x1024xi32> to vector<1024xi32>
    %jit3A_34 = arith.constant 0 : i32
    %jit3A_35 = arith.constant 1023 : i32
    %max3A_36 = vector.broadcast %jit3A_34 : i32 to vector<1024xi32>
    %max3A_37 = arith.maxsi %max3A_36, %get3A_33 : vector<1024xi32>
    %min3A_38 = vector.broadcast %jit3A_35 : i32 to vector<1024xi32>
    %min3A_39 = arith.minsi %min3A_38, %max3A_37 : vector<1024xi32>
    %sub3A = arith.subi %min3A_28, %min3A_6 : vector<1024xi32>
    %jit3A_40 = arith.constant 0 : i32
    %jit3A_41 = arith.constant 1023 : i32
    %max3A_42 = vector.broadcast %jit3A_40 : i32 to vector<1024xi32>
    %max3A_43 = arith.maxsi %max3A_42, %sub3A : vector<1024xi32>
    %min3A_44 = vector.broadcast %jit3A_41 : i32 to vector<1024xi32>
    %min3A_45 = arith.minsi %min3A_44, %max3A_43 : vector<1024xi32>
    %sub3A_46 = arith.subi %min3A_39, %min3A_17 : vector<1024xi32>
    %jit3A_47 = arith.constant 0 : i32
    %jit3A_48 = arith.constant 1023 : i32
    %max3A_49 = vector.broadcast %jit3A_47 : i32 to vector<1024xi32>
    %max3A_50 = arith.maxsi %max3A_49, %sub3A_46 : vector<1024xi32>
    %min3A_51 = vector.broadcast %jit3A_48 : i32 to vector<1024xi32>
    %min3A_52 = arith.minsi %min3A_51, %max3A_50 : vector<1024xi32>
    %broadcast_in_dim3A = arith.constant 0.000000e+00 : f32
    %broadcast_in_dim3A_53 = vector.broadcast %broadcast_in_dim3A : f32 to vector<1024x768xf32>
    %broadcast_in_dim3A_54 = vector.shape_cast %min3A_6 : vector<1024xi32> to vector<1024x1xi32>
    %eq3A = vector.broadcast %broadcast_in_dim3A_54 : vector<1024x1xi32> to vector<1024x1024xi32>
    %eq3A_55 = arith.cmpi eq, %iota3A, %eq3A : vector<1024x1024xi32>
    %convert_element_type3A = arith.extui %eq3A_55 : vector<1024x1024xi1> to vector<1024x1024xi32>
    %convert_element_type3A_56 = arith.sitofp %convert_element_type3A : vector<1024x1024xi32> to vector<1024x1024xf32>
    %convert_element_type3A_57 = arith.truncf %convert_element_type3A_56 : vector<1024x1024xf32> to vector<1024x1024xbf16>
    %get3A_58 = arith.constant 0 : index
    %get3A_59 = arith.constant 0 : index
    %get3A_60 = vector.load %arg5[%get3A_58, %get3A_59] : memref<1024x768xbf16, #tpu.memory_space<vmem>>, vector<1024x768xbf16>
    %dot_general3A = arith.constant dense<0.000000e+00> : vector<1024x768xf32>
    %dot_general3A_61 = tpu.matmul %convert_element_type3A_57, %get3A_60, %dot_general3A {dimension_numbers = #tpu.dot_dimension_numbers<[1], [0], [0], [1], [0, 0, 1, 1], [], []>, transpose_lhs_hint = false} : vector<1024x1024xbf16>, vector<1024x768xbf16>, vector<1024x768xf32> -> vector<1024x768xf32>
    %add3A = arith.addf %broadcast_in_dim3A_53, %dot_general3A_61 : vector<1024x768xf32>
    %broadcast_in_dim3A_62 = vector.shape_cast %min3A_17 : vector<1024xi32> to vector<1024x1xi32>
    %eq3A_63 = vector.broadcast %broadcast_in_dim3A_62 : vector<1024x1xi32> to vector<1024x1024xi32>
    %eq3A_64 = arith.cmpi eq, %iota3A, %eq3A_63 : vector<1024x1024xi32>
    %convert_element_type3A_65 = arith.extui %eq3A_64 : vector<1024x1024xi1> to vector<1024x1024xi32>
    %convert_element_type3A_66 = arith.sitofp %convert_element_type3A_65 : vector<1024x1024xi32> to vector<1024x1024xf32>
    %convert_element_type3A_67 = arith.truncf %convert_element_type3A_66 : vector<1024x1024xf32> to vector<1024x1024xbf16>
    %get3A_68 = arith.constant 0 : index
    %get3A_69 = arith.constant 0 : index
    %get3A_70 = vector.load %arg6[%get3A_68, %get3A_69] : memref<1024x768xbf16, #tpu.memory_space<vmem>>, vector<1024x768xbf16>
    %dot_general3A_71 = arith.constant dense<0.000000e+00> : vector<1024x768xf32>
    %dot_general3A_72 = tpu.matmul %convert_element_type3A_67, %get3A_70, %dot_general3A_71 {dimension_numbers = #tpu.dot_dimension_numbers<[1], [0], [0], [1], [0, 0, 1, 1], [], []>, transpose_lhs_hint = false} : vector<1024x1024xbf16>, vector<1024x768xbf16>, vector<1024x768xf32> -> vector<1024x768xf32>
    %add3A_73 = arith.addf %add3A, %dot_general3A_72 : vector<1024x768xf32>
    %broadcast_in_dim3A_74 = vector.shape_cast %min3A_28 : vector<1024xi32> to vector<1024x1xi32>
    %eq3A_75 = vector.broadcast %broadcast_in_dim3A_74 : vector<1024x1xi32> to vector<1024x1024xi32>
    %eq3A_76 = arith.cmpi eq, %iota3A, %eq3A_75 : vector<1024x1024xi32>
    %convert_element_type3A_77 = arith.extui %eq3A_76 : vector<1024x1024xi1> to vector<1024x1024xi32>
    %convert_element_type3A_78 = arith.sitofp %convert_element_type3A_77 : vector<1024x1024xi32> to vector<1024x1024xf32>
    %convert_element_type3A_79 = arith.truncf %convert_element_type3A_78 : vector<1024x1024xf32> to vector<1024x1024xbf16>
    %get3A_80 = arith.constant 0 : index
    %get3A_81 = arith.constant 0 : index
    %get3A_82 = vector.load %arg7[%get3A_80, %get3A_81] : memref<1024x768xbf16, #tpu.memory_space<vmem>>, vector<1024x768xbf16>
    %dot_general3A_83 = arith.constant dense<0.000000e+00> : vector<1024x768xf32>
    %dot_general3A_84 = tpu.matmul %convert_element_type3A_79, %get3A_82, %dot_general3A_83 {dimension_numbers = #tpu.dot_dimension_numbers<[1], [0], [0], [1], [0, 0, 1, 1], [], []>, transpose_lhs_hint = false} : vector<1024x1024xbf16>, vector<1024x768xbf16>, vector<1024x768xf32> -> vector<1024x768xf32>
    %add3A_85 = arith.addf %add3A_73, %dot_general3A_84 : vector<1024x768xf32>
    %broadcast_in_dim3A_86 = vector.shape_cast %min3A_39 : vector<1024xi32> to vector<1024x1xi32>
    %eq3A_87 = vector.broadcast %broadcast_in_dim3A_86 : vector<1024x1xi32> to vector<1024x1024xi32>
    %eq3A_88 = arith.cmpi eq, %iota3A, %eq3A_87 : vector<1024x1024xi32>
    %convert_element_type3A_89 = arith.extui %eq3A_88 : vector<1024x1024xi1> to vector<1024x1024xi32>
    %convert_element_type3A_90 = arith.sitofp %convert_element_type3A_89 : vector<1024x1024xi32> to vector<1024x1024xf32>
    %convert_element_type3A_91 = arith.truncf %convert_element_type3A_90 : vector<1024x1024xf32> to vector<1024x1024xbf16>
    %get3A_92 = arith.constant 0 : index
    %get3A_93 = arith.constant 0 : index
    %get3A_94 = vector.load %arg8[%get3A_92, %get3A_93] : memref<1024x768xbf16, #tpu.memory_space<vmem>>, vector<1024x768xbf16>
    %dot_general3A_95 = arith.constant dense<0.000000e+00> : vector<1024x768xf32>
    %dot_general3A_96 = tpu.matmul %convert_element_type3A_91, %get3A_94, %dot_general3A_95 {dimension_numbers = #tpu.dot_dimension_numbers<[1], [0], [0], [1], [0, 0, 1, 1], [], []>, transpose_lhs_hint = false} : vector<1024x1024xbf16>, vector<1024x768xbf16>, vector<1024x768xf32> -> vector<1024x768xf32>
    %add3A_97 = arith.addf %add3A_85, %dot_general3A_96 : vector<1024x768xf32>
    %broadcast_in_dim3A_98 = vector.shape_cast %min3A_45 : vector<1024xi32> to vector<1024x1xi32>
    %eq3A_99 = vector.broadcast %broadcast_in_dim3A_98 : vector<1024x1xi32> to vector<1024x1024xi32>
    %eq3A_100 = arith.cmpi eq, %iota3A, %eq3A_99 : vector<1024x1024xi32>
    %convert_element_type3A_101 = arith.extui %eq3A_100 : vector<1024x1024xi1> to vector<1024x1024xi32>
    %convert_element_type3A_102 = arith.sitofp %convert_element_type3A_101 : vector<1024x1024xi32> to vector<1024x1024xf32>
    %convert_element_type3A_103 = arith.truncf %convert_element_type3A_102 : vector<1024x1024xf32> to vector<1024x1024xbf16>
    %get3A_104 = arith.constant 0 : index
    %get3A_105 = arith.constant 0 : index
    %get3A_106 = vector.load %arg9[%get3A_104, %get3A_105] : memref<1024x768xbf16, #tpu.memory_space<vmem>>, vector<1024x768xbf16>
    %dot_general3A_107 = arith.constant dense<0.000000e+00> : vector<1024x768xf32>
    %dot_general3A_108 = tpu.matmul %convert_element_type3A_103, %get3A_106, %dot_general3A_107 {dimension_numbers = #tpu.dot_dimension_numbers<[1], [0], [0], [1], [0, 0, 1, 1], [], []>, transpose_lhs_hint = false} : vector<1024x1024xbf16>, vector<1024x768xbf16>, vector<1024x768xf32> -> vector<1024x768xf32>
    %add3A_109 = arith.addf %add3A_97, %dot_general3A_108 : vector<1024x768xf32>
    %broadcast_in_dim3A_110 = vector.shape_cast %min3A_52 : vector<1024xi32> to vector<1024x1xi32>
    %eq3A_111 = vector.broadcast %broadcast_in_dim3A_110 : vector<1024x1xi32> to vector<1024x1024xi32>
    %eq3A_112 = arith.cmpi eq, %iota3A, %eq3A_111 : vector<1024x1024xi32>
    %convert_element_type3A_113 = arith.extui %eq3A_112 : vector<1024x1024xi1> to vector<1024x1024xi32>
    %convert_element_type3A_114 = arith.sitofp %convert_element_type3A_113 : vector<1024x1024xi32> to vector<1024x1024xf32>
    %convert_element_type3A_115 = arith.truncf %convert_element_type3A_114 : vector<1024x1024xf32> to vector<1024x1024xbf16>
    %get3A_116 = arith.constant 0 : index
    %get3A_117 = arith.constant 0 : index
    %get3A_118 = vector.load %arg10[%get3A_116, %get3A_117] : memref<1024x768xbf16, #tpu.memory_space<vmem>>, vector<1024x768xbf16>
    %dot_general3A_119 = arith.constant dense<0.000000e+00> : vector<1024x768xf32>
    %dot_general3A_120 = tpu.matmul %convert_element_type3A_115, %get3A_118, %dot_general3A_119 {dimension_numbers = #tpu.dot_dimension_numbers<[1], [0], [0], [1], [0, 0, 1, 1], [], []>, transpose_lhs_hint = false} : vector<1024x1024xbf16>, vector<1024x768xbf16>, vector<1024x768xf32> -> vector<1024x768xf32>
    %add3A_121 = arith.addf %add3A_109, %dot_general3A_120 : vector<1024x768xf32>
    %swap3A = arith.constant 0 : index
    %swap3A_122 = arith.constant 0 : index
    %swap3A_123 = vector.load %arg11[%swap3A, %swap3A_122] : memref<1024x768xf32, #tpu.memory_space<vmem>>, vector<1024x768xf32>
    tpu.vector_store %arg11[%swap3A, %swap3A_122], %add3A_121 {strides = array<i32>} : memref<1024x768xf32, #tpu.memory_space<vmem>>, vector<1024x768xf32>,
    return
  }
  func.func @transform_0(%arg0: i32) -> (i32, i32, i32) {
    %c0_i32 = arith.constant 0 : i32
    %c0_i32_0 = arith.constant 0 : i32
    %c0_i32_1 = arith.constant 0 : i32
    return %arg0, %c0_i32, %c0_i32_0 : i32, i32, i32
  }
  func.func @transform_1(%arg0: i32) -> (i32, i32, i32) {
    %c0_i32 = arith.constant 0 : i32
    %c0_i32_0 = arith.constant 0 : i32
    %c0_i32_1 = arith.constant 0 : i32
    return %arg0, %c0_i32, %c0_i32_0 : i32, i32, i32
  }
  func.func @transform_2(%arg0: i32) -> (i32, i32, i32) {
    %c0_i32 = arith.constant 0 : i32
    %c0_i32_0 = arith.constant 0 : i32
    %c0_i32_1 = arith.constant 0 : i32
    return %arg0, %c0_i32, %c0_i32_0 : i32, i32, i32
  }
  func.func @transform_3(%arg0: i32) -> (i32, i32, i32) {
    %c0_i32 = arith.constant 0 : i32
    %c0_i32_0 = arith.constant 0 : i32
    %c0_i32_1 = arith.constant 0 : i32
    return %arg0, %c0_i32, %c0_i32_0 : i32, i32, i32
  }
  func.func @transform_4(%arg0: i32) -> (i32, i32) {
    %c0_i32 = arith.constant 0 : i32
    %c0_i32_0 = arith.constant 0 : i32
    %c0_i32_1 = arith.constant 0 : i32
    return %c0_i32, %c0_i32_0 : i32, i32
  }
  func.func @transform_5(%arg0: i32) -> (i32, i32) {
    %c0_i32 = arith.constant 0 : i32
    %c0_i32_0 = arith.constant 0 : i32
    %c0_i32_1 = arith.constant 0 : i32
    return %c0_i32, %c0_i32_0 : i32, i32
  }
  func.func @transform_6(%arg0: i32) -> (i32, i32) {
    %c0_i32 = arith.constant 0 : i32
    %c0_i32_0 = arith.constant 0 : i32
    %c0_i32_1 = arith.constant 0 : i32
    return %c0_i32, %c0_i32_0 : i32, i32
  }
  func.func @transform_7(%arg0: i32) -> (i32, i32) {
    %c0_i32 = arith.constant 0 : i32
    %c0_i32_0 = arith.constant 0 : i32
    %c0_i32_1 = arith.constant 0 : i32
    return %c0_i32, %c0_i32_0 : i32, i32
  }
  func.func @transform_8(%arg0: i32) -> (i32, i32) {
    %c0_i32 = arith.constant 0 : i32
    %c0_i32_0 = arith.constant 0 : i32
    %c0_i32_1 = arith.constant 0 : i32
    return %c0_i32, %c0_i32_0 : i32, i32
  }
  func.func @transform_9(%arg0: i32) -> (i32, i32) {
    %c0_i32 = arith.constant 0 : i32
    %c0_i32_0 = arith.constant 0 : i32
    %c0_i32_1 = arith.constant 0 : i32
    return %c0_i32, %c0_i32_0 : i32, i32
  }
  func.func @transform_10(%arg0: i32) -> (i32, i32) {
    %add3A = arith.constant 8 : i32
    %add3A_0 = arith.addi %arg0, %add3A : i32
    %c0_i32 = arith.constant 0 : i32
    %c0_i32_1 = arith.constant 0 : i32
    return %add3A_0, %c0_i32 : i32, i32
  }
}

</mosaic_0001>

<sc_bundles>
// kernel: _run.4.cloned.1.call-start
scs
__scs_entry_jumppad:
0x0: {  	(pc) =	sbr.rel $0x88, $3  }
0x1: {  	(tag) =	ssettag $0x0;
	lr =	simm.s32 $0x1  }
0x2: {  	[smem:$0x3F9A] =	sst lr;
	_ =	strace $0xD0000000  }
0x3: {  	_ = 	snop  }
0x4: {  	_ = 	snop  }
0x5: {  	_ = 	snop  }
0x6: {  	_ = 	snop  }
0x7: {  	_ = 	snop  }
__scs_overlays_trampoline_lowered:
0x8: {  	[smem:$0x3FA9] =	sst s0  }
0x9: {  	[smem:$0x3FAA] =	sst s1  }
0xa: {  	[smem:$0x3FAB] =	sst s2  }
0xb: {  	[smem:$0x3FAC] =	sst s3  }
0xc: {  	[smem:$0x3FAD] =	sst s4  }
0xd: {  	[smem:$0x3FAE] =	sst s5  }
0xe: {  	[smem:$0x3FAF] =	sst s6  }
0xf: {  	[smem:$0x3FB0] =	sst s7  }
0x10: {  	[smem:$0x3FB1] =	sst s8  }
0x11: {  	[smem:$0x3FB2] =	sst s9;
	s0 =	simm.s32 @!p0 $0x0  }
0x12: {  	s1 =	sld [smem:$0x3F98];
	s0 =	simm.s32 @p0 $0x1  }
0x13: {  	[smem:$0x3FB3] =	sst s0;
	s0 =	simm.s32 @!p1 $0x0  }
0x14: {  	s2 =	sld [smem:$0x3F97];
	s0 =	simm.s32 @p1 $0x1  }
0x15: {  	[smem:$0x3FB4] =	sst s0;
	s0 =	simm.s32 @!p2 $0x0  }
0x16: {  	s3 =	sld [smem:$0x3FDB];
	s0 =	simm.s32 @p2 $0x1  }
0x17: {  	s4 =	simm.s32 $0x1BF5;
	[smem:$0x3FB6] =	sst s0  }
0x18: {  	s0 =	sld [smem:$0x3F99];
	_ =	swait.ge [sflag:s4], $0x0  }
0x19: {  	s7 =	sld [smem:$0x3F9A]  }
0x1a: {  	s8 =	sadd.s32 $0xFFFFE003, lr  }
0x1b: {  	s9 =	sadd.s32 $0xFFFFFEF7, lr;
	s5 =	simm.s32 $0xFFFFFFFF;
	p2 =	slt.u32 s8, $0xFFFFF086  }
0x1c: {  	p1 =	slt.u32 s9, $0xF7A;
	s5 =	simm.s32 @!p2 $0x0  }
0x1d: {  	s5 =	simm.s32 @p1 $0x1;
	p0 =	seq.s32 s7, s2  }
0x1e: {  	s7 =	smul.u32 @!p0 $0xF7A, s2;
	p2 =	seq.s32 @!p0 s5, $0x0  }
0x1f: {  	s9 =	smul.u32 $0xF7A, s1;
	s8 =	simm.s32 @!p0 $0x1BF5;
	p2 =	por !p2, p0  }
0x20: {  	[sflag:s8] =	ssyncset.s32 @!p0 $0xFFFFF086;
	s6 =	sadd.s32 @!p0 s3, s7;
	s7 =	simm.s32 @!p0 $0x108  }
0x21: {  	s3 =	sadd.s32 s3, s9;
	s6 =	sadd.s32 @!p0 $0x88, s6;
	s7 =	simm.s32 @p2 $0x1082  }
0x22: {  	[simem:s7], [sflag:s8] =	dma.local @!p0 [hbm:s6], $0xF7A  }
0x23: {  	s9 =	sor.u32 $0xD0000000, s2;
	s6 =	simm.s32 $0x108;
	_ =	swait.ge @!p0 [sflag:s8], $0x0  }
0x24: {  	s3 =	sadd.s32 $0x88, s3;
	s6 =	simm.s32 @!p1 $0x1082;
	[sflag:s4] =	ssyncset.s32 $0xFFFFF086  }
0x25: {  	[simem:s6], [sflag:s4] =	dma.local [hbm:s3], $0xF7A  }
0x26: {  	[smem:$0x3F9A] =	sst s1;
	(tag) =	ssettag s2;
	_ =	strace s9  }
0x27: {  	s1 =	sld [smem:$0x3FAA]  }
0x28: {  	s2 =	sld [smem:$0x3FAB]  }
0x29: {  	s4 =	sld [smem:$0x3FAD]  }
0x2a: {  	p0 =	seq.s32 s5, $0x0;
	s5 =	sld [smem:$0x3FAE]  }
0x2b: {  	s6 =	sld [smem:$0x3FAF]  }
0x2c: {  	s7 =	sld [smem:$0x3FB0]  }
0x2d: {  	s3 =	simm.s32 $0x108;
	s8 =	sld [smem:$0x3FB1]  }
0x2e: {  	s3 =	simm.s32 @!p0 $0x1082;
	s9 =	sld [smem:$0x3FB2]  }
0x2f: {  	lr =	sadd.s32 s0, s3;
	s0 =	sld [smem:$0x3FA9]  }
0x30: {  	s3 =	sld [smem:$0x3FAC]  }
0x31: {  	[smem:$0x3FB5] =	sst s10  }
0x32: {  	s10 =	sld [smem:$0x3FB3];
	_ =	sdelay $0x3  }
0x33: {  	p0 =	seq.s32 s10, $0x1;
	s10 =	sld [smem:$0x3FB5];
	_ =	sdelay $0x3  }
0x34: {  	[smem:$0x3FB5] =	sst s10  }
0x35: {  	s10 =	sld [smem:$0x3FB4];
	_ =	sdelay $0x3  }
0x36: {  	p1 =	seq.s32 s10, $0x1;
	s10 =	sld [smem:$0x3FB5];
	_ =	sdelay $0x3  }
0x37: {  	[smem:$0x3FB5] =	sst s10  }
0x38: {  	s10 =	sld [smem:$0x3FB6]  }
0x39: {  	_ = 	snop;
	(pc) =	sbr.ind lr, $3  }
0x3a: {  	_ = 	snop  }
0x3b: {  	_ = 	snop  }
0x3c: {  	p2 =	seq.s32 s10, $0x1;
	s10 =	sld [smem:$0x3FB5]  }
0x3d: {  	_ =	shalt  }
0x3e: {  	_ =	shalt  }
0x3f: {  	_ =	shalt  }
0x40: {  	_ =	shalt  }
0x41: {  	_ =	shalt  }
0x42: {  	_ =	shalt  }
0x43: {  	_ =	shalt  }
0x44: {  	_ =	shalt  }
0x45: {  	_ =	shalt  }
0x46: {  	_ =	shalt  }
0x47: {  	_ =	shalt  }
0x48: {  	_ =	shalt  }
0x49: {  	_ =	shalt  }
0x4a: {  	_ =	shalt  }
0x4b: {  	_ =	shalt  }
0x4c: {  	_ =	shalt  }
0x4d: {  	_ =	shalt  }
0x4e: {  	_ =	shalt  }
0x4f: {  	_ =	shalt  }
0x50: {  	_ =	shalt  }
0x51: {  	_ =	shalt  }
0x52: {  	_ =	shalt  }
0x53: {  	_ =	shalt  }
0x54: {  	_ =	shalt  }
0x55: {  	_ =	shalt  }
0x56: {  	_ =	shalt  }
0x57: {  	_ =	shalt  }
0x58: {  	_ =	shalt  }
0x59: {  	_ =	shalt  }
0x5a: {  	_ =	shalt  }
0x5b: {  	_ =	shalt  }
0x5c: {  	_ =	shalt  }
0x5d: {  	_ =	shalt  }
0x5e: {  	_ =	shalt  }
0x5f: {  	_ =	shalt  }
0x60: {  	_ =	shalt  }
0x61: {  	_ =	shalt  }
0x62: {  	_ =	shalt  }
0x63: {  	_ =	shalt  }
0x64: {  	_ =	shalt  }
0x65: {  	_ =	shalt  }
0x66: {  	_ =	shalt  }
0x67: {  	_ =	shalt  }
0x68: {  	_ =	shalt  }
0x69: {  	_ =	shalt  }
0x6a: {  	_ =	shalt  }
0x6b: {  	_ =	shalt  }
0x6c: {  	_ =	shalt  }
0x6d: {  	_ =	shalt  }
0x6e: {  	_ =	shalt  }
0x6f: {  	_ =	shalt  }
0x70: {  	_ =	shalt  }
0x71: {  	_ =	shalt  }
0x72: {  	_ =	shalt  }
0x73: {  	_ =	shalt  }
0x74: {  	_ =	shalt  }
0x75: {  	_ =	shalt  }
0x76: {  	_ =	shalt  }
0x77: {  	_ =	shalt  }
0x78: {  	_ =	shalt  }
0x79: {  	_ =	shalt  }
0x7a: {  	_ =	shalt  }
0x7b: {  	_ =	shalt  }
0x7c: {  	_ =	shalt  }
0x7d: {  	_ =	shalt  }
0x7e: {  	_ =	shalt  }
0x7f: {  	_ =	shalt  }
0x80: {  	_ =	shalt  }
0x81: {  	_ =	shalt  }
0x82: {  	_ =	shalt  }
0x83: {  	_ =	shalt  }
0x84: {  	_ =	shalt  }
0x85: {  	_ =	shalt  }
0x86: {  	_ =	shalt  }
0x87: {  	_ =	shalt  }
.Lfunc_end0:
.L_simem_size_0:
called_computation_lowered:
.L_overlay_start_0:
0x88: {  	s2 =	sld [smem:$0x3FD9]  }
0x89: {  	s3 =	sld [smem:$0x3FFE];
	_ =	sdelay $0x1  }
0x8a: {  	s1 =	srdreg.scid  }
0x8b: {  	s0 =	sand.u32 $0x1, s1  }
0x8c: {  	s17 =	sshll.u32 s0, $0xA;
	s2 =	sadd.s32 s3, s2  }
0x8d: {  	s2 =	sadd.s32 s2, s17  }
0x8e: {  	[smem:$0x3FC1] =	sst s2  }
0x8f: {  	_ = 	snop  }
0x90: {  	s2 =	sld [smem:$0x3FC8]  }
0x91: {  	s18 =	sld [smem:$0x3FC7]  }
0x92: {  	s4 =	sld [smem:$0x3FC6]  }
0x93: {  	s5 =	sld [smem:$0x3FC5]  }
0x94: {  	s6 =	sld [smem:$0x3FC4]  }
0x95: {  	s7 =	sld [smem:$0x3FC3];
	(tm) =	ssettm $0x1  }
0x96: {  	s8 =	sld [smem:$0x3FFB];
	_ =	sdelay $0x3  }
0x97: {  	_ =	strace s8  }
0x98: {  	s8 =	sld [smem:$0x3FFC];
	_ =	sdelay $0x3  }
0x99: {  	_ =	strace s8  }
0x9a: {  	s8 =	sld [smem:$0x3FFD];
	_ =	sdelay $0x3  }
0x9b: {  	_ =	strace s8  }
0x9c: {  	_ =	strace $0x8FFFFFFF  }
0x9d: {  	s19 =	sld [smem:$0x3FDB];
	_ =	sdelay $0x1  }
0x9e: {  	s9 =	simm.s32 $_scs_section_size  }
0x9f: {  	s10 =	simm.s32 $_size__tile_overlayer_lowered;
	s11 =	simm.s32 $_tile_overlayer_lowered  }
0xa0: {  	s22 =	simm.s32 $0x1BFF;
	s21 =	sshll.u32 s11, $0x1;
	s8 =	sadd.s32 s9, s19  }
0xa1: {  	s12 =	simm.s32 $0x0;
	s20 =	sshll.u32 s10, $0x1;
	s10 =	sadd.s32 s21, s8  }
0xa2: {  	[timem:s12], [sflag:s22] =	dma.local [hbm:s10], s20  }
0xa3: {  	_ =	swait.ge [sflag:s22], s20  }
0xa4: {  	s9 =	ssub.s32 $0x0, s20;
	[sflag:s22] =	ssyncset.done $0x0  }
0xa5: {  	[sflag:s22] =	ssyncadd.s32 s9;
	_ =	sdelay $0x1  }
0xa6: {  	s23 =	simm.s32 $0x1B8B  }
0xa7: {  	_ =	swait.ge [sflag:s23], $0x1  }
0xa8: {  	[sflag:s23] =	ssyncset.done $0x0  }
0xa9: {  	s25 =	simm.s32 $0x1B8E;
	s24 =	sld [smem:$0x3FFE];
	[sflag:s23] =	ssyncadd.s32 $0xFFFFFFFF  }
0xaa: {  	s26 =	simm.s32 $execute0_lowered;
	[smem:$0x3FD2] =	sst s25  }
0xab: {  	s10 =	sshll.u32 s26, $0x1;
	_ =	strace $0x80000046;
	[dreg:$0x1] =	wrdreg $0xFFFFFFFF  }
0xac: {  	s28 =	simm.s32 $_size_execute0_lowered;
	s8 =	sadd.s32 s8, s10;
	[dreg:$0x0] =	wrdreg $0x0  }
0xad: {  	s10 =	sshll.u32 s28, $0x1;
	[dreg:$0x2] =	wrdreg s8  }
0xae: {  	[dreg:$0x3] =	wrdreg s10  }
0xaf: {  	[dreg:$0x4] =	wrdreg $0xC0  }
0xb0: {  	_ =	task [dreg:s12], $0x5FFFF  }
0xb1: {  	[dreg:$0x1] =	wrdreg $0xFFFFFFFF  }
0xb2: {  	[dreg:$0x0] =	wrdreg $0x60  }
0xb3: {  	[dreg:$0x2] =	wrdreg s24  }
0xb4: {  	[dreg:$0x3] =	wrdreg s2  }
0xb5: {  	[dreg:$0x4] =	wrdreg s18  }
0xb6: {  	[dreg:$0x5] =	wrdreg s4  }
0xb7: {  	[dreg:$0x6] =	wrdreg s5  }
0xb8: {  	[dreg:$0x7] =	wrdreg s6  }
0xb9: {  	[dreg:$0x8] =	wrdreg s7  }
0xba: {  	[dreg:$0x9] =	wrdreg $0x9  }
0xbb: {  	_ =	task.clear_ibuf [dreg:s12], $0xAFFFF;
	_ =	strace $0x90000046  }
0xbc: {  	s29 =	simm.s32 $0x9;
	_ =	strace $0x80000048  }
0xbd: {  	_ =	swait.ge [sflag:s29], $0x1  }
0xbe: {  	[sflag:s29] =	ssyncadd.s32 $0xFFFFFFFF  }
0xbf: {  	_ =	strace $0x90000048  }
0xc0: {  	_ =	sfence  }
0xc1: {  	s30 =	sld [smem:$0x0];
	_ =	sdelay $0x2  }
0xc2: {  	s31 =	sshll.u32 s1, $0xD;
	s1 =	sshrl.u32 s1, $0x2  }
0xc3: {  	s3 =	sand.u32 $0x4000, s31;
	s1 =	sadd.s32 s1, s30  }
0xc4: {  	s0 =	sor.u32 s3, s0;
	s1 =	sshll.u32 s1, $0x11  }
0xc5: {  	s0 =	sor.u32 s1, s0  }
0xc6: {  	s0 =	sadd.s32 $0x8F2B, s0  }
0xc7: {  	[sflag:s0] =	ssyncadd.remote.s32 $0x1  }
0xc8: {  	_ =	sfence.sel $0xFFFF  }
0xc9: {  	[dreg:$0x0] =	wrdreg $0xFFFFFFFF;
	(pc) =	sbr.abs _section_cstart, $3  }
0xca: {  	[dreg:$0x1] =	wrdreg $0xFFFFFFFF  }
0xcb: {  	_ =	task.clear_ibuf [dreg:s12], $0x2FFFF;
	_ =	strace $0x9FFFFFFF  }
0xcc: {  	(tm) =	ssettm $0x7FFFFFFF  }
0xcd: {  	_ =	shalt  }
tec
execute0_lowered:
.L_overlay_start_1:
0x0: {  	(tag) =	ssettag $0x1  }
0x1: {  	s0 =	rddreg [dreg:$0x0]  }
0x2: {  	s1 =	rddreg [dreg:$0x1]  }
0x3: {  	s6 =	rddreg [dreg:$0x2]  }
0x4: {  	s7 =	rddreg [dreg:$0x3]  }
0x5: {  	s8 =	rddreg [dreg:$0x4]  }
0x6: {  	s9 =	rddreg [dreg:$0x5]  }
0x7: {  	s15 =	rddreg [dreg:$0x6];
	s2 =	simm.s32 $0x0  }
0x8: {  	s12 =	stileid.u32;
	s3 =	srdreg.scid;
	s21 =	simm.s32 $0x800  }
0x9: {  	s28 =	simm.s32 $0x9800;
	s18 =	simm.s32 $0x1;
	s19 =	simm.s32 $0xC00  }
0xa: {  	s20 =	simm.s32 $0x1800;
	[smem:$0x7FF] =	sst s2;
	s4 =	sshll.u32 s12, $0x6  }
0xb: {  	s5 =	sand.u32 $0x1, s3;
	s3 =	sadd.s32 $0x2600, s0;
	s10 =	sadd.s32 s4, s0  }
0xc: {  	_ =	strace $0x80000047;
	s11 =	ssub.s32 $0x2, s5;
	s29 =	sadd.s32 $0x2200, s10  }
0xd: {  	s4 =	smul.u32 $0xC00, s5;
	s30 =	sadd.s32 $0x1E00, s10;
	[dreg:$0x8] =	wrdreg s29  }
0xe: {  	s5 =	sshll.u32 s12, $0x9;
	s31 =	sadd.s32 $0x1A00, s10;
	[dreg:$0x9] =	wrdreg s30  }
0xf: {  	s26 =	sshrl.u32 s11, $0x1;
	s10 =	sadd.s32 $0x1600, s10;
	[dreg:$0xa] =	wrdreg s31  }
0x10: {  	v0 =	vlaneseq.u32;
	s0 =	ssub.s32 s11, s26;
	s16 =	sshrl.u32 s4, $0x3;
	[dreg:$0xb] =	wrdreg s10  }
0x11: {  	v1 =	vshrl.u32 v0, $0x3;
	v2 =	vand.u32 $0x7, v0;
	s10 =	sadd.s32 s1, s16;
	s11 =	sadd.s32 s6, s16;
	s12 =	sadd.s32 s7, s16  }
0x12: {  	v0 =	vor.u32 $0x8, v0;
	[tilespmem:$0x1FFD0] =	vst v2;
	v1 =	vmul.u32 $0x8, v1;
	s13 =	sadd.s32 s8, s16;
	s14 =	sadd.s32 s9, s16;
	s15 =	sadd.s32 s15, s16  }
0x13: {  	[tilespmem:$0x1FFF0] =	vst v0;
	s0 =	smax.u32 s0, $0x1;
	s1 =	simm.s32 $0x12400;
	s6 =	simm.s32 $0x2  }
0x14: {  	vm0 =	vmmov $0xffff;
	vm1 =	vmmov $0xff;
	[tilespmem:$0x1FFE0] =	vst v1;
	s7 =	simm.s32 $0x0;
	[dreg:$0xc] =	wrdreg s0;
	s22 =	sadd.s32 $0x100, s10  }
.LBB2_1:
0x15: {  	[dreg:$0xd] =	wrdreg s7  }
0x16: {  	s0 =	rddreg [dreg:$0x8];
	s17 =	simm.s32 $0x3  }
0x17: {  	[tilespmem:s2], [sflag:$0x3] =	stream.linear.gather [hbm4b:s0+s2], $0x200, $0x38;
	[tilespmem:$0x12800] =	vst v63  }
0x18: {  	_ =	swait.ge [sflag:s17], $0x200  }
0x19: {  	[sflag:s17] =	ssyncset.done $0x0  }
0x1a: {  	s8 =	simm.s32 $0x200;
	s23 =	rddreg [dreg:$0x9];
	[sflag:s17] =	ssyncadd.s32 $0xFFFFFE00  }
0x1b: {  	[tilespmem:s8], [sflag:$0x3] =	stream.linear.gather [hbm4b:s23+s2], $0x200, $0x38;
	[tilespmem:$0x12800] =	vst v63  }
0x1c: {  	_ =	swait.ge [sflag:s17], $0x200  }
0x1d: {  	[sflag:s17] =	ssyncset.done $0x0  }
0x1e: {  	s25 =	simm.s32 $0x400;
	s24 =	rddreg [dreg:$0xa];
	[sflag:s17] =	ssyncadd.s32 $0xFFFFFE00  }
0x1f: {  	[tilespmem:s25], [sflag:$0x3] =	stream.linear.gather [hbm4b:s24+s2], $0x200, $0x38;
	[tilespmem:$0x12800] =	vst v63  }
0x20: {  	_ =	swait.ge [sflag:s17], $0x200  }
0x21: {  	[sflag:s17] =	ssyncset.done $0x0  }
0x22: {  	s29 =	simm.s32 $0x600;
	s26 =	rddreg [dreg:$0xb];
	[sflag:s17] =	ssyncadd.s32 $0xFFFFFE00  }
0x23: {  	[tilespmem:s29], [sflag:$0x3] =	stream.linear.gather [hbm4b:s26+s2], $0x200, $0x38;
	[tilespmem:$0x12800] =	vst v63  }
0x24: {  	_ =	swait.ge [sflag:s17], $0x200  }
0x25: {  	[sflag:s17] =	ssyncset.done $0x0  }
0x26: {  	[sflag:s17] =	ssyncadd.s32 $0xFFFFFE00  }
0x27: {  	v0 =	vld [tilespmem:$0x0];
	_ =	sdelay $0x4  }
0x28: {  	vm2 =	vgt.s32 v0, $0x0  }
0x29: {  	v0 =	vnsel vm2, $0x0, v0  }
0x2a: {  	v8 =	vld [tilespmem:$0x1FFD0];
	v0 =	vmin.u32 v0, $0x3FF  }
0x2b: {  	v1 =	vld [tilespmem:$0x200];
	v2 =	vshrl.u32 v0, $0x3  }
0x2c: {  	v9 =	vld [tilespmem:$0x1FFE0];
	v2 =	vmul.u32 $0x30, v2  }
0x2d: {  	v3 =	vand.u32 $0x7, v0  }
0x2e: {  	v10 =	vld [tilespmem:$0x1FFF0];
	v2 =	vor.u32 v3, v2  }
0x2f: {  	v3 =	vperm.xlane v2, v8  }
0x30: {  	vm2 =	vgt.s32 v1, $0x0  }
0x31: {  	v1 =	vnsel vm2, $0x0, v1;
	v3 =	vadd.s32 v9, v3  }
0x32: {  	v1 =	vmin.u32 v1, $0x3FF  }
0x33: {  	v4 =	vld [tilespmem:$0x400];
	v5 =	vshrl.u32 v1, $0x3;
	v2 =	vperm.xlane v2, v10  }
0x34: {  	v5 =	vmul.u32 $0x30, v5  }
0x35: {  	v7 =	vand.u32 $0x7, v1;
	v2 =	vadd.s32 v9, v2  }
0x36: {  	v6 =	vld [tilespmem:$0x600];
	v5 =	vor.u32 v7, v5;
	[tilespmem:s21], [sflag:$0x1] =	stream.indirect_vreg.gather [hbm4b:s10+s2], $0x80, v3, vm0, $0xb8  }
0x37: {  	s30 =	simm.s32 $0x1000;
	v7 =	vperm.xlane v5, v8  }
0x38: {  	vm2 =	vgt.s32 v4, $0x0;
	[tilespmem:s30], [sflag:$0x1] =	stream.indirect_vreg.gather [hbm4b:s22+s2], $0x80, v3, vm1, $0xb8;
	[tilespmem:$0x12800] =	vst v63  }
0x39: {  	s31 =	simm.s32 $0x1400;
	v48 =	vnsel vm2, $0x0, v4;
	v49 =	vadd.s32 v9, v7  }
0x3a: {  	v3 =	vmin.u32 v48, $0x3FF;
	[tilespmem:s31], [sflag:$0x1] =	stream.indirect_vreg.gather [hbm4b:s10+s2], $0x80, v2, vm0, $0xb8;
	[tilespmem:$0x12800] =	vst v63  }
0x3b: {  	s7 =	simm.s32 $0x1C00;
	v5 =	vperm.xlane v5, v10;
	v50 =	vshrl.u32 v3, $0x3  }
0x3c: {  	v51 =	vmul.u32 $0x30, v50;
	[tilespmem:s7], [sflag:$0x1] =	stream.indirect_vreg.gather [hbm4b:s22+s2], $0x80, v2, vm1, $0xb8;
	[tilespmem:$0x12800] =	vst v63  }
0x3d: {  	s8 =	simm.s32 $0x2000;
	v5 =	vadd.s32 v9, v5;
	v52 =	vand.u32 $0x7, v3  }
0x3e: {  	v2 =	vor.u32 v52, v51;
	[tilespmem:s8], [sflag:$0x1] =	stream.indirect_vreg.gather [hbm4b:s11+s2], $0x80, v49, vm0, $0xb8;
	[tilespmem:$0x12800] =	vst v63  }
0x3f: {  	s9 =	simm.s32 $0x2800;
	s7 =	sadd.s32 $0x100, s11;
	v7 =	vperm.xlane v2, v8  }
0x40: {  	vm2 =	vgt.s32 v6, $0x0;
	[tilespmem:s9], [sflag:$0x1] =	stream.indirect_vreg.gather [hbm4b:s7+s2], $0x80, v49, vm1, $0xb8;
	[tilespmem:$0x12800] =	vst v63  }
0x41: {  	s16 =	simm.s32 $0x2C00;
	v53 =	vnsel vm2, $0x0, v6;
	v54 =	vadd.s32 v9, v7  }
0x42: {  	v4 =	vmin.u32 v53, $0x3FF;
	[tilespmem:s16], [sflag:$0x1] =	stream.indirect_vreg.gather [hbm4b:s11+s2], $0x80, v5, vm0, $0xb8;
	[tilespmem:$0x12800] =	vst v63  }
0x43: {  	s17 =	simm.s32 $0x3400;
	v55 =	vshrl.u32 v4, $0x3;
	v2 =	vperm.xlane v2, v10  }
0x44: {  	v56 =	vmul.u32 $0x30, v55;
	[tilespmem:s17], [sflag:$0x1] =	stream.indirect_vreg.gather [hbm4b:s7+s2], $0x80, v5, vm1, $0xb8;
	[tilespmem:$0x12800] =	vst v63  }
0x45: {  	s23 =	simm.s32 $0x3800;
	v57 =	vand.u32 $0x7, v4;
	v2 =	vadd.s32 v9, v2  }
0x46: {  	v5 =	vor.u32 v57, v56;
	[tilespmem:s23], [sflag:$0x1] =	stream.indirect_vreg.gather [hbm4b:s12+s2], $0x80, v54, vm0, $0xb8;
	[tilespmem:$0x12800] =	vst v63  }
0x47: {  	s24 =	simm.s32 $0x4000;
	s8 =	sadd.s32 $0x100, s12;
	v7 =	vperm.xlane v5, v8  }
0x48: {  	v0 =	vsub.s32 v3, v0;
	[tilespmem:s24], [sflag:$0x1] =	stream.indirect_vreg.gather [hbm4b:s8+s2], $0x80, v54, vm1, $0xb8;
	[tilespmem:$0x12800] =	vst v63  }
0x49: {  	s25 =	simm.s32 $0x4400;
	vm2 =	vgt.s32 v0, $0x0;
	v58 =	vadd.s32 v9, v7  }
0x4a: {  	v0 =	vnsel vm2, $0x0, v0;
	[tilespmem:s25], [sflag:$0x1] =	stream.indirect_vreg.gather [hbm4b:s12+s2], $0x80, v2, vm0, $0xb8;
	[tilespmem:$0x12800] =	vst v63  }
0x4b: {  	s26 =	simm.s32 $0x4C00;
	v59 =	vshrl.u32 v0, $0x3;
	v5 =	vperm.xlane v5, v10  }
0x4c: {  	v60 =	vmul.u32 $0x30, v59;
	[tilespmem:s26], [sflag:$0x1] =	stream.indirect_vreg.gather [hbm4b:s8+s2], $0x80, v2, vm1, $0xb8;
	[tilespmem:$0x12800] =	vst v63  }
0x4d: {  	s29 =	simm.s32 $0x5000;
	v0 =	vand.u32 $0x7, v0;
	v5 =	vadd.s32 v9, v5  }
0x4e: {  	v0 =	vor.u32 v0, v60;
	[tilespmem:s29], [sflag:$0x1] =	stream.indirect_vreg.gather [hbm4b:s13+s2], $0x80, v58, vm0, $0xb8;
	[tilespmem:$0x12800] =	vst v63  }
0x4f: {  	s30 =	simm.s32 $0x5800;
	s9 =	sadd.s32 $0x100, s13;
	v2 =	vperm.xlane v0, v8  }
0x50: {  	v1 =	vsub.s32 v4, v1;
	[tilespmem:s30], [sflag:$0x1] =	stream.indirect_vreg.gather [hbm4b:s9+s2], $0x80, v58, vm1, $0xb8;
	[tilespmem:$0x12800] =	vst v63  }
0x51: {  	s31 =	simm.s32 $0x5C00;
	vm2 =	vgt.s32 v1, $0x0;
	v2 =	vadd.s32 v9, v2  }
0x52: {  	v1 =	vnsel vm2, $0x0, v1;
	[tilespmem:s31], [sflag:$0x1] =	stream.indirect_vreg.gather [hbm4b:s13+s2], $0x80, v5, vm0, $0xb8;
	[tilespmem:$0x12800] =	vst v63  }
0x53: {  	v61 =	vshrl.u32 v1, $0x3;
	s16 =	simm.s32 $0x6400;
	v0 =	vperm.xlane v0, v10  }
0x54: {  	v3 =	vmul.u32 $0x30, v61;
	[tilespmem:s16], [sflag:$0x1] =	stream.indirect_vreg.gather [hbm4b:s9+s2], $0x80, v5, vm1, $0xb8;
	[tilespmem:$0x12800] =	vst v63  }
0x55: {  	v1 =	vand.u32 $0x7, v1;
	s17 =	simm.s32 $0x6800;
	v0 =	vadd.s32 v9, v0  }
0x56: {  	v1 =	vor.u32 v1, v3;
	[tilespmem:s17], [sflag:$0x1] =	stream.indirect_vreg.gather [hbm4b:s14+s2], $0x80, v2, vm0, $0xb8;
	[tilespmem:$0x12800] =	vst v63  }
0x57: {  	v3 =	vperm.xlane v1, v8;
	s23 =	simm.s32 $0x7000;
	s16 =	sadd.s32 $0x100, s14  }
0x58: {  	[tilespmem:s23], [sflag:$0x1] =	stream.indirect_vreg.gather [hbm4b:s16+s2], $0x80, v2, vm1, $0xb8;
	[tilespmem:$0x12800] =	vst v63  }
0x59: {  	v62 =	vadd.s32 v9, v3;
	s24 =	simm.s32 $0x7400  }
0x5a: {  	[tilespmem:s24], [sflag:$0x1] =	stream.indirect_vreg.gather [hbm4b:s14+s2], $0x80, v0, vm0, $0xb8;
	[tilespmem:$0x12800] =	vst v63  }
0x5b: {  	v1 =	vperm.xlane v1, v10;
	s25 =	simm.s32 $0x7C00  }
0x5c: {  	[tilespmem:s25], [sflag:$0x1] =	stream.indirect_vreg.gather [hbm4b:s16+s2], $0x80, v0, vm1, $0xb8;
	[tilespmem:$0x12800] =	vst v63  }
0x5d: {  	v63 =	vadd.s32 v9, v1;
	s26 =	simm.s32 $0x8000  }
0x5e: {  	[tilespmem:s26], [sflag:$0x1] =	stream.indirect_vreg.gather [hbm4b:s15+s2], $0x80, v62, vm0, $0xb8;
	[tilespmem:$0x12800] =	vst v63  }
0x5f: {  	s29 =	simm.s32 $0x8800;
	s17 =	sadd.s32 $0x100, s15  }
0x60: {  	[tilespmem:s29], [sflag:$0x1] =	stream.indirect_vreg.gather [hbm4b:s17+s2], $0x80, v62, vm1, $0xb8;
	[tilespmem:$0x12800] =	vst v63  }
0x61: {  	s30 =	simm.s32 $0x8C00  }
0x62: {  	[tilespmem:s30], [sflag:$0x1] =	stream.indirect_vreg.gather [hbm4b:s15+s2], $0x80, v63, vm0, $0xb8;
	[tilespmem:$0x12800] =	vst v63  }
0x63: {  	s31 =	simm.s32 $0x9400;
	s23 =	simm.s32 $0x0  }
0x64: {  	[tilespmem:s31], [sflag:$0x1] =	stream.indirect_vreg.gather [hbm4b:s17+s2], $0x80, v63, vm1, $0xb8;
	[tilespmem:$0x12800] =	vst v63  }
.LBB2_2:
0x65: {  	p0 =	seq.s32 s23, $0x0  }
0x66: {  	s26 =	simm.s32 @!p0 $0x2  }
0x67: {  	_ =	swait.ge @!p0 [sflag:s26], $0x1800  }
0x68: {  	s25 =	sshll.u32 s23, $0x5;
	[sflag:s26] =	ssyncset.done @!p0 $0x0  }
0x69: {  	s24 =	sor.u32 $0x10, s25;
	[sflag:s26] =	ssyncadd.s32 @!p0 $0xFFFFE800  }
0x6a: {  	v0 =	vld [tilespmem:s24+$0x0];
	_ =	sdelay $0x4  }
0x6b: {  	vm2 =	vgt.s32 v0, $0x0  }
0x6c: {  	v0 =	vnsel vm2, $0x0, v0  }
0x6d: {  	v8 =	vld [tilespmem:$0x1FFD0];
	v0 =	vmin.u32 v0, $0x3FF  }
0x6e: {  	v1 =	vld [tilespmem:s24+$0x200];
	v2 =	vshrl.u32 v0, $0x3  }
0x6f: {  	v9 =	vld [tilespmem:$0x1FFE0];
	v2 =	vmul.u32 $0x30, v2  }
0x70: {  	v3 =	vand.u32 $0x7, v0  }
0x71: {  	v10 =	vld [tilespmem:$0x1FFF0];
	v2 =	vor.u32 v3, v2  }
0x72: {  	v3 =	vperm.xlane v2, v8  }
0x73: {  	vm2 =	vgt.s32 v1, $0x0  }
0x74: {  	v1 =	vnsel vm2, $0x0, v1;
	v3 =	vadd.s32 v9, v3  }
0x75: {  	v1 =	vmin.u32 v1, $0x3FF  }
0x76: {  	v4 =	vld [tilespmem:s24+$0x400];
	v5 =	vshrl.u32 v1, $0x3;
	v2 =	vperm.xlane v2, v10  }
0x77: {  	v5 =	vmul.u32 $0x30, v5  }
0x78: {  	s26 =	simm.s32 $0x0;
	v7 =	vand.u32 $0x7, v1;
	v2 =	vadd.s32 v9, v2  }
0x79: {  	v6 =	vld [tilespmem:s24+$0x600];
	v5 =	vor.u32 v7, v5;
	[tilespmem:s28], [sflag:$0x1] =	stream.indirect_vreg.gather [hbm4b:s10+s26], $0x80, v3, vm0, $0xb8  }
0x7a: {  	s0 =	simm.s32 $0xA000;
	v7 =	vperm.xlane v5, v8  }
0x7b: {  	vm2 =	vgt.s32 v4, $0x0;
	[tilespmem:s0], [sflag:$0x1] =	stream.indirect_vreg.gather [hbm4b:s22+s26], $0x80, v3, vm1, $0xb8;
	[tilespmem:$0x12800] =	vst v63  }
0x7c: {  	s31 =	simm.s32 $0xA400;
	v3 =	vnsel vm2, $0x0, v4;
	v4 =	vadd.s32 v9, v7  }
0x7d: {  	v3 =	vmin.u32 v3, $0x3FF;
	[tilespmem:s31], [sflag:$0x1] =	stream.indirect_vreg.gather [hbm4b:s10+s26], $0x80, v2, vm0, $0xb8;
	[tilespmem:$0x12800] =	vst v63  }
0x7e: {  	v5 =	vperm.xlane v5, v10;
	v7 =	vshrl.u32 v3, $0x3;
	s31 =	simm.s32 $0xAC00  }
0x7f: {  	[tilespmem:s31], [sflag:$0x1] =	stream.indirect_vreg.gather [hbm4b:s22+s26], $0x80, v2, vm1, $0xb8;
	v2 =	vmul.u32 $0x30, v7;
	[tilespmem:$0x12800] =	vst v63  }
0x80: {  	v5 =	vadd.s32 v9, v5;
	v7 =	vand.u32 $0x7, v3;
	s31 =	simm.s32 $0xB000  }
0x81: {  	[tilespmem:s31], [sflag:$0x1] =	stream.indirect_vreg.gather [hbm4b:s11+s26], $0x80, v4, vm0, $0xb8;
	v2 =	vor.u32 v7, v2;
	[tilespmem:$0x12800] =	vst v63  }
0x82: {  	s31 =	simm.s32 $0xB800;
	v7 =	vperm.xlane v2, v8  }
0x83: {  	vm2 =	vgt.s32 v6, $0x0;
	[tilespmem:s31], [sflag:$0x1] =	stream.indirect_vreg.gather [hbm4b:s7+s26], $0x80, v4, vm1, $0xb8;
	[tilespmem:$0x12800] =	vst v63  }
0x84: {  	v4 =	vnsel vm2, $0x0, v6;
	s31 =	simm.s32 $0xBC00;
	v6 =	vadd.s32 v9, v7  }
0x85: {  	v4 =	vmin.u32 v4, $0x3FF;
	[tilespmem:s31], [sflag:$0x1] =	stream.indirect_vreg.gather [hbm4b:s11+s26], $0x80, v5, vm0, $0xb8;
	[tilespmem:$0x12800] =	vst v63  }
0x86: {  	v2 =	vperm.xlane v2, v10;
	v7 =	vshrl.u32 v4, $0x3;
	s31 =	simm.s32 $0xC400  }
0x87: {  	[tilespmem:s31], [sflag:$0x1] =	stream.indirect_vreg.gather [hbm4b:s7+s26], $0x80, v5, vm1, $0xb8;
	v5 =	vmul.u32 $0x30, v7;
	[tilespmem:$0x12800] =	vst v63  }
0x88: {  	v2 =	vadd.s32 v9, v2;
	v7 =	vand.u32 $0x7, v4;
	s31 =	simm.s32 $0xC800  }
0x89: {  	[tilespmem:s31], [sflag:$0x1] =	stream.indirect_vreg.gather [hbm4b:s12+s26], $0x80, v6, vm0, $0xb8;
	v5 =	vor.u32 v7, v5;
	[tilespmem:$0x12800] =	vst v63  }
0x8a: {  	s31 =	simm.s32 $0xD000;
	v7 =	vperm.xlane v5, v8  }
0x8b: {  	v0 =	vsub.s32 v3, v0;
	[tilespmem:s31], [sflag:$0x1] =	stream.indirect_vreg.gather [hbm4b:s8+s26], $0x80, v6, vm1, $0xb8;
	[tilespmem:$0x12800] =	vst v63  }
0x8c: {  	vm2 =	vgt.s32 v0, $0x0;
	s31 =	simm.s32 $0xD400;
	v3 =	vadd.s32 v9, v7  }
0x8d: {  	v0 =	vnsel vm2, $0x0, v0;
	[tilespmem:s31], [sflag:$0x1] =	stream.indirect_vreg.gather [hbm4b:s12+s26], $0x80, v2, vm0, $0xb8;
	[tilespmem:$0x12800] =	vst v63  }
0x8e: {  	v5 =	vperm.xlane v5, v10;
	v6 =	vshrl.u32 v0, $0x3;
	s31 =	simm.s32 $0xDC00  }
0x8f: {  	[tilespmem:s31], [sflag:$0x1] =	stream.indirect_vreg.gather [hbm4b:s8+s26], $0x80, v2, vm1, $0xb8;
	v2 =	vmul.u32 $0x30, v6;
	[tilespmem:$0x12800] =	vst v63  }
0x90: {  	v0 =	vand.u32 $0x7, v0;
	v5 =	vadd.s32 v9, v5;
	s31 =	simm.s32 $0xE000  }
0x91: {  	[tilespmem:s31], [sflag:$0x1] =	stream.indirect_vreg.gather [hbm4b:s13+s26], $0x80, v3, vm0, $0xb8;
	v0 =	vor.u32 v0, v2;
	[tilespmem:$0x12800] =	vst v63  }
0x92: {  	s31 =	simm.s32 $0xE800;
	v2 =	vperm.xlane v0, v8  }
0x93: {  	v1 =	vsub.s32 v4, v1;
	[tilespmem:s31], [sflag:$0x1] =	stream.indirect_vreg.gather [hbm4b:s9+s26], $0x80, v3, vm1, $0xb8;
	[tilespmem:$0x12800] =	vst v63  }
0x94: {  	vm2 =	vgt.s32 v1, $0x0;
	s31 =	simm.s32 $0xEC00;
	v2 =	vadd.s32 v9, v2  }
0x95: {  	v1 =	vnsel vm2, $0x0, v1;
	[tilespmem:s31], [sflag:$0x1] =	stream.indirect_vreg.gather [hbm4b:s13+s26], $0x80, v5, vm0, $0xb8;
	[tilespmem:$0x12800] =	vst v63  }
0x96: {  	v0 =	vperm.xlane v0, v10;
	v3 =	vshrl.u32 v1, $0x3;
	s31 =	simm.s32 $0xF400  }
0x97: {  	v3 =	vmul.u32 $0x30, v3;
	[tilespmem:s31], [sflag:$0x1] =	stream.indirect_vreg.gather [hbm4b:s9+s26], $0x80, v5, vm1, $0xb8;
	[tilespmem:$0x12800] =	vst v63  }
0x98: {  	v1 =	vand.u32 $0x7, v1;
	v0 =	vadd.s32 v9, v0;
	s31 =	simm.s32 $0xF800  }
0x99: {  	v1 =	vor.u32 v1, v3;
	[tilespmem:s31], [sflag:$0x1] =	stream.indirect_vreg.gather [hbm4b:s14+s26], $0x80, v2, vm0, $0xb8;
	[tilespmem:$0x12800] =	vst v63  }
0x9a: {  	v3 =	vperm.xlane v1, v8;
	s31 =	simm.s32 $0x10000  }
0x9b: {  	[tilespmem:s31], [sflag:$0x1] =	stream.indirect_vreg.gather [hbm4b:s16+s26], $0x80, v2, vm1, $0xb8;
	[tilespmem:$0x12800] =	vst v63  }
0x9c: {  	v2 =	vadd.s32 v9, v3;
	s31 =	simm.s32 $0x10400  }
0x9d: {  	[tilespmem:s31], [sflag:$0x1] =	stream.indirect_vreg.gather [hbm4b:s14+s26], $0x80, v0, vm0, $0xb8;
	[tilespmem:$0x12800] =	vst v63  }
0x9e: {  	v1 =	vperm.xlane v1, v10;
	s31 =	simm.s32 $0x10C00  }
0x9f: {  	[tilespmem:s31], [sflag:$0x1] =	stream.indirect_vreg.gather [hbm4b:s16+s26], $0x80, v0, vm1, $0xb8;
	[tilespmem:$0x12800] =	vst v63  }
0xa0: {  	v0 =	vadd.s32 v9, v1;
	s31 =	simm.s32 $0x11000  }
0xa1: {  	[tilespmem:s31], [sflag:$0x1] =	stream.indirect_vreg.gather [hbm4b:s15+s26], $0x80, v2, vm0, $0xb8;
	[tilespmem:$0x12800] =	vst v63  }
0xa2: {  	s31 =	simm.s32 $0x11800  }
0xa3: {  	[tilespmem:s31], [sflag:$0x1] =	stream.indirect_vreg.gather [hbm4b:s17+s26], $0x80, v2, vm1, $0xb8;
	[tilespmem:$0x12800] =	vst v63  }
0xa4: {  	s31 =	simm.s32 $0x11C00  }
0xa5: {  	[tilespmem:s31], [sflag:$0x1] =	stream.indirect_vreg.gather [hbm4b:s15+s26], $0x80, v0, vm0, $0xb8;
	[tilespmem:$0x12800] =	vst v63  }
0xa6: {  	_ = 	snop  }
0xa7: {  	[tilespmem:s1], [sflag:$0x1] =	stream.indirect_vreg.gather [hbm4b:s17+s26], $0x80, v0, vm1, $0xb8;
	[tilespmem:$0x12800] =	vst v63  }
0xa8: {  	_ =	swait.ge [sflag:s18], $0x1800  }
0xa9: {  	[sflag:s18] =	ssyncset.done $0x0  }
0xaa: {  	[sflag:s18] =	ssyncadd.s32 $0xFFFFE800  }
0xab: {  	_ =	swait.ge [sflag:s18], $0x1800  }
0xac: {  	[sflag:s18] =	ssyncset.done $0x0  }
0xad: {  	[sflag:s18] =	ssyncadd.s32 $0xFFFFE800  }
0xae: {  	_ =	swait.ge [sflag:s18], $0x1800  }
0xaf: {  	[sflag:s18] =	ssyncset.done $0x0  }
0xb0: {  	[sflag:s18] =	ssyncadd.s32 $0xFFFFE800  }
0xb1: {  	_ =	swait.ge [sflag:s18], $0x1800  }
0xb2: {  	[sflag:s18] =	ssyncset.done $0x0  }
0xb3: {  	[sflag:s18] =	ssyncadd.s32 $0xFFFFE800  }
0xb4: {  	_ =	swait.ge [sflag:s18], $0x1800  }
0xb5: {  	[sflag:s18] =	ssyncset.done $0x0  }
0xb6: {  	s29 =	simm.s32 $0x0;
	[sflag:s18] =	ssyncadd.s32 $0xFFFFE800  }
0xb7: {  	s29 =	smul.u32 $0xC00, s29;
	_ =	swait.ge [sflag:s18], $0x1800  }
0xb8: {  	s30 =	sand.u32 $0x380, s26;
	[sflag:s18] =	ssyncset.done $0x0  }
0xb9: {  	s29 =	sor.u32 s30, s29;
	[sflag:s18] =	ssyncadd.s32 $0xFFFFE800  }
0xba: {  	v1 =	vld [tilespmem:s29+$0x6C60];
	_ =	sdelay $0x4  }
0xbb: {  	[tilespmem:$0x1FDF0] =	vst v1;
	v1 =	vld [tilespmem:s29+$0x8460];
	_ =	sdelay $0x4  }
0xbc: {  	[tilespmem:$0x1FE00] =	vst v1;
	v1 =	vld [tilespmem:s29+$0x7000];
	_ =	sdelay $0x4  }
0xbd: {  	[tilespmem:$0x1FE10] =	vst v1;
	v1 =	vld [tilespmem:s29+$0x2000];
	_ =	sdelay $0x4  }
0xbe: {  	[tilespmem:$0x1FE30] =	vst v1;
	v1 =	vld [tilespmem:s29+$0x2010];
	_ =	sdelay $0x4  }
0xbf: {  	[tilespmem:$0x1FE40] =	vst v1;
	v1 =	vld [tilespmem:s29+$0x2020];
	_ =	sdelay $0x4  }
0xc0: {  	[tilespmem:$0x1FE50] =	vst v1;
	v1 =	vld [tilespmem:s29+$0x2030];
	_ =	sdelay $0x4  }
0xc1: {  	[tilespmem:$0x1FE60] =	vst v1;
	v1 =	vld [tilespmem:s29+$0x2040];
	_ =	sdelay $0x4  }
0xc2: {  	[tilespmem:$0x1FE70] =	vst v1;
	v1 =	vld [tilespmem:s29+$0x2050];
	_ =	sdelay $0x2  }
0xc3: {  	v0 =	vld [tilespmem:s29+$0x8030];
	_ =	sdelay $0x1  }
0xc4: {  	[tilespmem:$0x1FE90] =	vst v1;
	v1 =	vld [tilespmem:s29+$0x2060];
	_ =	sdelay $0x2  }
0xc5: {  	[tilespmem:$0x1FCC0] =	vst v0;
	v0 =	vld [tilespmem:s29+$0x8040];
	_ =	sdelay $0x1  }
0xc6: {  	[tilespmem:$0x1FEA0] =	vst v1;
	v1 =	vld [tilespmem:s29+$0x2070];
	_ =	sdelay $0x2  }
0xc7: {  	[tilespmem:$0x1FCD0] =	vst v0;
	v0 =	vld [tilespmem:s29+$0x6850];
	_ =	sdelay $0x1  }
0xc8: {  	[tilespmem:$0x1FEB0] =	vst v1;
	v1 =	vld [tilespmem:s29+$0x2400];
	_ =	sdelay $0x2  }
0xc9: {  	[tilespmem:$0x1FCE0] =	vst v0;
	v0 =	vld [tilespmem:s29+$0x8050];
	_ =	sdelay $0x1  }
0xca: {  	[tilespmem:$0x1FEF0] =	vst v1;
	v1 =	vld [tilespmem:s29+$0x2410];
	_ =	sdelay $0x2  }
0xcb: {  	[tilespmem:$0x1FCF0] =	vst v0;
	v0 =	vld [tilespmem:s29+$0x6860];
	_ =	sdelay $0x1  }
0xcc: {  	[tilespmem:$0x1FF10] =	vst v1;
	v1 =	vld [tilespmem:s29+$0x2420];
	_ =	sdelay $0x2  }
0xcd: {  	[tilespmem:$0x1FD00] =	vst v0;
	v0 =	vld [tilespmem:s29+$0x8060];
	_ =	sdelay $0x1  }
0xce: {  	[tilespmem:$0x1FF20] =	vst v1;
	v1 =	vld [tilespmem:s29+$0x2430];
	_ =	sdelay $0x2  }
0xcf: {  	[tilespmem:$0x1FD10] =	vst v0;
	v0 =	vld [tilespmem:s29+$0x6870];
	_ =	sdelay $0x1  }
0xd0: {  	[tilespmem:$0x1FF30] =	vst v1;
	v1 =	vld [tilespmem:s29+$0x2440];
	_ =	sdelay $0x2  }
0xd1: {  	[tilespmem:$0x1FD20] =	vst v0;
	v0 =	vld [tilespmem:s29+$0x8070];
	_ =	sdelay $0x1  }
0xd2: {  	[tilespmem:$0x1FF70] =	vst v1;
	v1 =	vld [tilespmem:s29+$0x2450];
	_ =	sdelay $0x2  }
0xd3: {  	[tilespmem:$0x1FD30] =	vst v0;
	v0 =	vld [tilespmem:s29+$0x6C00]  }
0xd4: {  	v59 =	vld [tilespmem:s29+$0x6830]  }
0xd5: {  	[tilespmem:$0x1FF90] =	vst v1;
	v1 =	vld [tilespmem:$0x1FCC0];
	_ =	sdelay $0x2  }
0xd6: {  	[tilespmem:$0x1FD40] =	vst v0;
	v0 =	vld [tilespmem:s29+$0x8400]  }
0xd7: {  	v2 =	vld [tilespmem:s29+$0x6800]  }
0xd8: {  	v3 =	vld [tilespmem:s29+$0x8000];
	v1 =	vadd.f32 v1, v59  }
0xd9: {  	v62 =	vld [tilespmem:s29+$0x6840]  }
0xda: {  	[tilespmem:$0x1FE80] =	vst v1;
	v1 =	vld [tilespmem:$0x1FCD0]  }
0xdb: {  	[tilespmem:$0x1FD50] =	vst v0;
	v0 =	vld [tilespmem:s29+$0x6C10];
	_ =	sdelay $0x3  }
0xdc: {  	v45 =	vadd.f32 v3, v2;
	v2 =	vld [tilespmem:$0x1FCF0];
	v1 =	vadd.f32 v1, v62  }
0xdd: {  	[tilespmem:$0x1FD60] =	vst v0;
	v0 =	vld [tilespmem:s29+$0x8410]  }
0xde: {  	[tilespmem:$0x1FEC0] =	vst v1;
	v1 =	vld [tilespmem:$0x1FCE0];
	_ =	sdelay $0x4  }
0xdf: {  	[tilespmem:$0x1FD70] =	vst v0;
	v0 =	vld [tilespmem:s29+$0x6C20];
	v1 =	vadd.f32 v2, v1  }
0xe0: {  	v2 =	vld [tilespmem:$0x1FD10]  }
0xe1: {  	[tilespmem:$0x1FED0] =	vst v1;
	v1 =	vld [tilespmem:$0x1FD00];
	_ =	sdelay $0x2  }
0xe2: {  	v4 =	vld [tilespmem:s29+$0x6810]  }
0xe3: {  	v12 =	vld [tilespmem:s29+$0x8010]  }
0xe4: {  	[tilespmem:$0x1FD80] =	vst v0;
	v0 =	vld [tilespmem:s29+$0x8420];
	v1 =	vadd.f32 v2, v1  }
0xe5: {  	v2 =	vld [tilespmem:$0x1FD30]  }
0xe6: {  	[tilespmem:$0x1FEE0] =	vst v1;
	v1 =	vld [tilespmem:$0x1FD20]  }
0xe7: {  	v5 =	vld [tilespmem:s29+$0x6820]  }
0xe8: {  	v47 =	vld [tilespmem:s29+$0x8020]  }
0xe9: {  	v52 =	vld [tilespmem:s29+$0x8800]  }
0xea: {  	v48 =	vld [tilespmem:s29+$0x7050]  }
0xeb: {  	[tilespmem:$0x1FD90] =	vst v0;
	v0 =	vld [tilespmem:s29+$0x6C30];
	v1 =	vadd.f32 v2, v1  }
0xec: {  	v2 =	vld [tilespmem:$0x1FD50]  }
0xed: {  	[tilespmem:$0x1FF00] =	vst v1;
	v1 =	vld [tilespmem:$0x1FD40]  }
0xee: {  	v11 =	vld [tilespmem:s29+$0x8850]  }
0xef: {  	v10 =	vld [tilespmem:s29+$0x7060]  }
0xf0: {  	v63 =	vld [tilespmem:s29+$0x8860]  }
0xf1: {  	v49 =	vld [tilespmem:s29+$0x7070]  }
0xf2: {  	[tilespmem:$0x1FDA0] =	vst v0;
	v0 =	vld [tilespmem:s29+$0x8430];
	v1 =	vadd.f32 v2, v1  }
0xf3: {  	v2 =	vld [tilespmem:$0x1FD70]  }
0xf4: {  	[tilespmem:$0x1FF40] =	vst v1;
	v1 =	vld [tilespmem:$0x1FD60]  }
0xf5: {  	v9 =	vld [tilespmem:s29+$0x8870]  }
0xf6: {  	v7 =	vld [tilespmem:s29+$0x3800]  }
0xf7: {  	v56 =	vld [tilespmem:s29+$0x5000]  }
0xf8: {  	v61 =	vld [tilespmem:s29+$0x3820]  }
0xf9: {  	[tilespmem:$0x1FDB0] =	vst v0;
	v0 =	vld [tilespmem:s29+$0x6C40];
	v1 =	vadd.f32 v2, v1  }
0xfa: {  	v2 =	vld [tilespmem:$0x1FD90]  }
0xfb: {  	[tilespmem:$0x1FF50] =	vst v1;
	v1 =	vld [tilespmem:$0x1FD80]  }
0xfc: {  	v51 =	vld [tilespmem:s29+$0x5020]  }
0xfd: {  	v44 =	vld [tilespmem:s29+$0x3830]  }
0xfe: {  	v43 =	vld [tilespmem:s29+$0x5030]  }
0xff: {  	v8 =	vld [tilespmem:s29+$0x3840]  }
0x100: {  	[tilespmem:$0x1FDC0] =	vst v0;
	v0 =	vld [tilespmem:s29+$0x8440];
	v1 =	vadd.f32 v2, v1  }
0x101: {  	v2 =	vld [tilespmem:$0x1FDB0]  }
0x102: {  	[tilespmem:$0x1FF60] =	vst v1;
	v1 =	vld [tilespmem:$0x1FDA0]  }
0x103: {  	v41 =	vld [tilespmem:s29+$0x5040]  }
0x104: {  	v35 =	vld [tilespmem:s29+$0x3860]  }
0x105: {  	v34 =	vld [tilespmem:s29+$0x5060]  }
0x106: {  	v29 =	vld [tilespmem:s29+$0x3C10]  }
0x107: {  	v28 =	vld [tilespmem:s29+$0x5410];
	[tilespmem:$0x1FDD0] =	vst v0;
	v1 =	vadd.f32 v2, v1  }
0x108: {  	v62 =	vld [tilespmem:$0x1FDD0]  }
0x109: {  	[tilespmem:$0x1FF80] =	vst v1;
	v1 =	vld [tilespmem:$0x1FDC0]  }
0x10a: {  	v0 =	vld [tilespmem:s29+$0x6C50]  }
0x10b: {  	v27 =	vld [tilespmem:s29+$0x3C20]  }
0x10c: {  	v26 =	vld [tilespmem:s29+$0x5420]  }
0x10d: {  	v25 =	vld [tilespmem:s29+$0x3C30]  }
0x10e: {  	v24 =	vld [tilespmem:s29+$0x5430];
	v1 =	vadd.f32 v62, v1  }
0x10f: {  	[tilespmem:$0x1FDE0] =	vst v0;
	v0 =	vld [tilespmem:s29+$0x8450]  }
0x110: {  	[tilespmem:$0x1FFA0] =	vst v1;
	v1 =	vld [tilespmem:$0x1FDE0]  }
0x111: {  	v23 =	vld [tilespmem:s29+$0x3C40]  }
0x112: {  	v22 =	vld [tilespmem:s29+$0x5440]  }
0x113: {  	v20 =	vld [tilespmem:s29+$0x3C60]  }
0x114: {  	v19 =	vld [tilespmem:s29+$0x5460]  }
0x115: {  	v16 =	vld [tilespmem:s29+$0x3C70];
	v0 =	vadd.f32 v0, v1  }
0x116: {  	v62 =	vld [tilespmem:$0x1FE00]  }
0x117: {  	[tilespmem:$0x1FFB0] =	vst v0;
	v0 =	vld [tilespmem:$0x1FDF0]  }
0x118: {  	v18 =	vld [tilespmem:s29+$0x4000]  }
0x119: {  	v15 =	vld [tilespmem:s29+$0x5800]  }
0x11a: {  	v47 =	vadd.f32 v47, v5;
	v5 =	vld [tilespmem:s29+$0x4020]  }
0x11b: {  	v46 =	vadd.f32 v12, v4;
	v4 =	vld [tilespmem:s29+$0x5820]  }
0x11c: {  	v0 =	vadd.f32 v62, v0;
	v62 =	vld [tilespmem:$0x1FE10]  }
0x11d: {  	v1 =	vld [tilespmem:s29+$0x4040]  }
0x11e: {  	[tilespmem:$0x1FFC0] =	vst v0;
	v0 =	vld [tilespmem:s29+$0x5840]  }
0x11f: {  	v14 =	vld [tilespmem:s29+$0x5470];
	v41 =	vadd.f32 v41, v8;
	v28 =	vadd.f32 v28, v29  }
0x120: {  	v29 =	vld [tilespmem:s29+$0x820];
	v20 =	vadd.f32 v19, v20;
	v8 =	vadd.f32 v4, v5  }
0x121: {  	v5 =	vld [tilespmem:$0x1FE50];
	v52 =	vadd.f32 v52, v62;
	v62 =	vadd.f32 v63, v10  }
0x122: {  	v63 =	vadd.f32 v9, v49;
	v9 =	vadd.f32 v56, v7;
	v56 =	vld [tilespmem:s29+$0x800]  }
0x123: {  	v19 =	vadd.f32 v15, v18;
	v15 =	vadd.f32 v0, v1;
	v1 =	vld [tilespmem:$0x1FE30]  }
0x124: {  	v13 =	vld [tilespmem:s29+$0x4010]  }
0x125: {  	v12 =	vld [tilespmem:s29+$0x5810]  }
0x126: {  	v3 =	vld [tilespmem:s29+$0x4030];
	v26 =	vadd.f32 v26, v27;
	v25 =	vadd.f32 v24, v25  }
0x127: {  	v24 =	vld [tilespmem:s29+$0x830];
	v5 =	vadd.f32 v5, v29;
	v7 =	vadd.f32 v51, v61  }
0x128: {  	v27 =	vadd.f32 v22, v23;
	v23 =	vld [tilespmem:s29+$0x840];
	v1 =	vadd.f32 v1, v56  }
0x129: {  	v5 =	vadd.f32 v7, v5;
	v7 =	vld [tilespmem:$0x1FE70]  }
0x12a: {  	v1 =	vadd.f32 v9, v1;
	v9 =	vld [tilespmem:$0x1FE60]  }
0x12b: {  	v59 =	vadd.f32 v11, v48;
	v48 =	vld [tilespmem:s29+$0x4060]  }
0x12c: {  	v2 =	vld [tilespmem:s29+$0x5830]  }
0x12d: {  	v10 =	vld [tilespmem:s29+$0x5860]  }
0x12e: {  	v23 =	vadd.f32 v7, v23;
	v7 =	vld [tilespmem:$0x1FE80]  }
0x12f: {  	v43 =	vadd.f32 v43, v44;
	v24 =	vadd.f32 v9, v24  }
0x130: {  	v34 =	vadd.f32 v34, v35  }
0x131: {  	v50 =	vld [tilespmem:s29+$0x6C70];
	v35 =	vadd.f32 v14, v16;
	v24 =	vadd.f32 v43, v24  }
0x132: {  	v18 =	vadd.f32 v12, v13;
	v16 =	vadd.f32 v2, v3;
	v2 =	vld [tilespmem:s29+$0x850]  }
0x133: {  	v13 =	vadd.f32 v10, v48;
	v48 =	vadd.f32 v7, v24;
	v7 =	vld [tilespmem:$0x1FE90]  }
0x134: {  	v53 =	vld [tilespmem:s29+$0x8470]  }
0x135: {  	v60 =	vld [tilespmem:s29+$0x7010]  }
0x136: {  	v42 =	vld [tilespmem:s29+$0x8810]  }
0x137: {  	v0 =	vld [tilespmem:s29+$0x860]  }
0x138: {  	v2 =	vadd.f32 v7, v2;
	v7 =	vld [tilespmem:$0x1FEA0]  }
0x139: {  	v57 =	vld [tilespmem:s29+$0x7020]  }
0x13a: {  	v54 =	vld [tilespmem:s29+$0x8820]  }
0x13b: {  	v55 =	vld [tilespmem:s29+$0x7030]  }
0x13c: {  	v3 =	vld [tilespmem:s29+$0x870]  }
0x13d: {  	v0 =	vadd.f32 v7, v0;
	v7 =	vld [tilespmem:$0x1FEB0]  }
0x13e: {  	v6 =	vld [tilespmem:s29+$0x8830]  }
0x13f: {  	v58 =	vld [tilespmem:s29+$0x7040]  }
0x140: {  	v38 =	vld [tilespmem:s29+$0x8840]  }
0x141: {  	v37 =	vld [tilespmem:s29+$0x3850]  }
0x142: {  	v3 =	vadd.f32 v7, v3;
	v7 =	vld [tilespmem:$0x1FEC0]  }
0x143: {  	v36 =	vld [tilespmem:s29+$0x5050]  }
0x144: {  	v39 =	vld [tilespmem:s29+$0x3810]  }
0x145: {  	v40 =	vld [tilespmem:s29+$0x5010];
	v41 =	vadd.f32 v41, v23  }
0x146: {  	v33 =	vld [tilespmem:s29+$0x3870]  }
0x147: {  	v41 =	vadd.f32 v7, v41;
	v7 =	vld [tilespmem:$0x1FED0]  }
0x148: {  	v32 =	vld [tilespmem:s29+$0x5070];
	v36 =	vadd.f32 v36, v37  }
0x149: {  	v31 =	vld [tilespmem:s29+$0x3C00]  }
0x14a: {  	v4 =	vld [tilespmem:$0x1FE40];
	v2 =	vadd.f32 v36, v2  }
0x14b: {  	[tilespmem:$0x1FE20] =	vst v52;
	v52 =	vadd.f32 v54, v57;
	v57 =	vadd.f32 v38, v58;
	v58 =	vld [tilespmem:s29+$0x810]  }
0x14c: {  	v2 =	vadd.f32 v7, v2;
	v7 =	vld [tilespmem:$0x1FF00]  }
0x14d: {  	v30 =	vld [tilespmem:s29+$0x5400];
	v32 =	vadd.f32 v32, v33;
	v1 =	vadd.f32 v45, v1  }
0x14e: {  	v21 =	vld [tilespmem:s29+$0x3C50]  }
0x14f: {  	[tilespmem:s29+$0x800] =	vst v1;
	v1 =	vld [tilespmem:$0x1FEE0];
	v3 =	vadd.f32 v32, v3  }
0x150: {  	v50 =	vadd.f32 v53, v50;
	v37 =	vld [tilespmem:s29+$0xC10]  }
0x151: {  	v4 =	vadd.f32 v4, v58;
	v58 =	vadd.f32 v7, v3;
	v3 =	vld [tilespmem:$0x1FF10]  }
0x152: {  	v53 =	vadd.f32 v42, v60;
	v60 =	vld [tilespmem:s29+$0x4050];
	v0 =	vadd.f32 v34, v0  }
0x153: {  	v29 =	vld [tilespmem:s29+$0xC00]  }
0x154: {  	v0 =	vadd.f32 v1, v0;
	v1 =	vld [tilespmem:$0x1FEF0]  }
0x155: {  	v42 =	vld [tilespmem:s29+$0x5850];
	v11 =	vadd.f32 v40, v39  }
0x156: {  	v17 =	vld [tilespmem:s29+$0x5450];
	v3 =	vadd.f32 v3, v37  }
0x157: {  	v61 =	vld [tilespmem:s29+$0xC30];
	v4 =	vadd.f32 v11, v4  }
0x158: {  	v30 =	vadd.f32 v30, v31;
	v28 =	vadd.f32 v28, v3;
	v3 =	vld [tilespmem:$0x1FF30]  }
0x159: {  	v31 =	vld [tilespmem:s29+$0x2460];
	v4 =	vadd.f32 v46, v4;
	v1 =	vadd.f32 v1, v29  }
0x15a: {  	v14 =	vadd.f32 v42, v60;
	v60 =	vld [tilespmem:s29+$0xC20]  }
0x15b: {  	[tilespmem:s29+$0x810] =	vst v4;
	v4 =	vadd.f32 v30, v1;
	v1 =	vld [tilespmem:$0x1FF20]  }
0x15c: {  	v49 =	vld [tilespmem:s29+$0x4070]  }
0x15d: {  	v30 =	vadd.f32 v3, v61;
	v3 =	vld [tilespmem:$0x1FF40]  }
0x15e: {  	v54 =	vld [tilespmem:s29+$0x5870]  }
0x15f: {  	v7 =	vld [tilespmem:$0x1FF60]  }
0x160: {  	v55 =	vadd.f32 v6, v55;
	v6 =	vld [tilespmem:s29+$0x2470];
	v29 =	vadd.f32 v1, v60  }
0x161: {  	v33 =	vld [tilespmem:s29+$0x2800]  }
0x162: {  	v22 =	vld [tilespmem:s29+$0x2810];
	v60 =	vadd.f32 v3, v4;
	v4 =	vadd.f32 v26, v29  }
0x163: {  	v12 =	vadd.f32 v54, v49;
	v54 =	vld [tilespmem:s29+$0xC40]  }
0x164: {  	v26 =	vadd.f32 v25, v30;
	v25 =	vadd.f32 v7, v4;
	v4 =	vld [tilespmem:$0x1FF70]  }
0x165: {  	v51 =	vld [tilespmem:s29+$0xC60]  }
0x166: {  	v49 =	vld [tilespmem:s29+$0xC50]  }
0x167: {  	v56 =	vld [tilespmem:s29+$0xC70]  }
0x168: {  	v5 =	vadd.f32 v47, v5;
	v7 =	vld [tilespmem:$0x1FF90]  }
0x169: {  	v29 =	vadd.f32 v4, v54;
	v4 =	vld [tilespmem:$0x1FF80]  }
0x16a: {  	[tilespmem:s29+$0x820] =	vst v5;
	v5 =	vld [tilespmem:$0x1FF50]  }
0x16b: {  	v23 =	vld [tilespmem:s29+$0x2830]  }
0x16c: {  	[tilespmem:s29+$0x860] =	vst v0;
	v0 =	vld [tilespmem:$0x1FFA0]  }
0x16d: {  	v21 =	vadd.f32 v17, v21;
	v61 =	vadd.f32 v6, v56;
	v6 =	vld [tilespmem:$0x1FFB0]  }
0x16e: {  	v24 =	vld [tilespmem:s29+$0x2820];
	v4 =	vadd.f32 v4, v26;
	v26 =	vadd.f32 v7, v49  }
0x16f: {  	v31 =	vadd.f32 v31, v51;
	v1 =	vld [tilespmem:s29+$0x2840];
	[tilespmem:s29+$0x850] =	vst v2;
	v2 =	vadd.f32 v27, v29  }
0x170: {  	v5 =	vadd.f32 v5, v28;
	v28 =	vld [tilespmem:s29+$0x1010];
	v21 =	vadd.f32 v21, v26  }
0x171: {  	v30 =	vld [tilespmem:s29+$0x1000];
	v26 =	vadd.f32 v0, v2  }
0x172: {  	v2 =	vadd.f32 v20, v31;
	v20 =	vadd.f32 v6, v21;
	v6 =	vld [tilespmem:$0x1FFC0]  }
0x173: {  	v3 =	vld [tilespmem:s29+$0x2850]  }
0x174: {  	[tilespmem:s29+$0x830] =	vst v48;
	v29 =	vld [tilespmem:s29+$0x1020]  }
0x175: {  	[tilespmem:s29+$0x840] =	vst v41;
	v27 =	vld [tilespmem:s29+$0x1030]  }
0x176: {  	[tilespmem:s29+$0x870] =	vst v58;
	v30 =	vadd.f32 v33, v30;
	v0 =	vld [tilespmem:s29+$0x2860]  }
0x177: {  	s30 =	simm.s32 $0x1;
	[tilespmem:s29+$0xC00] =	vst v60;
	v31 =	vadd.f32 v35, v61;
	v21 =	vadd.f32 v6, v2;
	v2 =	vld [tilespmem:s29+$0x2870]  }
.LBB2_3:
0x178: {  	[tilespmem:s29+$0xC20] =	vst v25;
	v25 =	vld [tilespmem:s29+$0x1050]  }
0x179: {  	v6 =	vld [tilespmem:$0x1FE20];
	_ =	sdelay $0x1  }
0x17a: {  	s31 =	sshrl.u32 s30, $0x3;
	[tilespmem:s29+$0xC10] =	vst v5;
	v5 =	vadd.f32 v50, v31;
	v11 =	vadd.f32 v22, v28;
	v22 =	vld [tilespmem:s29+$0x1040]  }
0x17b: {  	s26 =	sadd.s32 $0x80, s26;
	s31 =	smul.u32 $0xC00, s31;
	v19 =	vadd.f32 v19, v30;
	v24 =	vadd.f32 v24, v29  }
0x17c: {  	[tilespmem:s29+$0xC30] =	vst v4;
	s0 =	sand.u32 $0x380, s26;
	v3 =	vadd.f32 v3, v25;
	v4 =	vadd.f32 v18, v11;
	v18 =	vld [tilespmem:s29+$0x1060]  }
0x17d: {  	[tilespmem:s29+$0xC40] =	vst v26;
	s0 =	sor.u32 s0, s31;
	v19 =	vadd.f32 v6, v19;
	v11 =	vadd.f32 v23, v27;
	v23 =	vld [tilespmem:s29+$0x1070]  }
0x17e: {  	v6 =	vld [tilespmem:s0+$0x6800];
	[tilespmem:s29+$0xC50] =	vst v20;
	v17 =	vadd.f32 v8, v24;
	v3 =	vadd.f32 v14, v3  }
0x17f: {  	v24 =	vld [tilespmem:s0+$0x8000];
	[tilespmem:s29+$0xC60] =	vst v21;
	v4 =	vadd.f32 v53, v4;
	v1 =	vadd.f32 v1, v22  }
0x180: {  	v26 =	vld [tilespmem:s0+$0x6810];
	[tilespmem:s29+$0xC70] =	vst v5;
	v11 =	vadd.f32 v16, v11;
	v16 =	vadd.f32 v52, v17  }
0x181: {  	v28 =	vld [tilespmem:s0+$0x8010];
	[tilespmem:s29+$0x1000] =	vst v19;
	v1 =	vadd.f32 v15, v1;
	v0 =	vadd.f32 v0, v18  }
0x182: {  	v30 =	vld [tilespmem:s0+$0x6820];
	v5 =	vadd.f32 v55, v11;
	[tilespmem:s29+$0x1010] =	vst v4;
	v2 =	vadd.f32 v2, v23  }
0x183: {  	v4 =	vld [tilespmem:s0+$0x8020];
	[tilespmem:s29+$0x1020] =	vst v16;
	v1 =	vadd.f32 v57, v1;
	v0 =	vadd.f32 v13, v0  }
0x184: {  	v3 =	vadd.f32 v59, v3;
	v35 =	vld [tilespmem:s0+$0x6830];
	[tilespmem:s29+$0x1030] =	vst v5;
	v2 =	vadd.f32 v12, v2  }
0x185: {  	v5 =	vld [tilespmem:s0+$0x8030];
	[tilespmem:s29+$0x1040] =	vst v1;
	v0 =	vadd.f32 v62, v0  }
0x186: {  	v1 =	vadd.f32 v63, v2;
	v38 =	vld [tilespmem:s0+$0x6840];
	[tilespmem:s29+$0x1050] =	vst v3  }
0x187: {  	v2 =	vld [tilespmem:s0+$0x8040];
	[tilespmem:s29+$0x1060] =	vst v0  }
0x188: {  	v3 =	vld [tilespmem:s0+$0x6850];
	[tilespmem:s29+$0x1070] =	vst v1;
	s29 =	smov.u32 s0  }
0x189: {  	v1 =	vld [tilespmem:s29+$0x6C10];
	_ =	sdelay $0x4  }
0x18a: {  	[tilespmem:$0x1FAA0] =	vst v1;
	v1 =	vld [tilespmem:s29+$0x6C20];
	_ =	sdelay $0x4  }
0x18b: {  	[tilespmem:$0x1FAB0] =	vst v1;
	v1 =	vld [tilespmem:s29+$0x8420];
	_ =	sdelay $0x4  }
0x18c: {  	[tilespmem:$0x1FAC0] =	vst v1;
	v1 =	vld [tilespmem:s29+$0x6C30];
	_ =	sdelay $0x4  }
0x18d: {  	[tilespmem:$0x1FAD0] =	vst v1;
	v1 =	vld [tilespmem:s29+$0x8430];
	_ =	sdelay $0x4  }
0x18e: {  	[tilespmem:$0x1FAE0] =	vst v1;
	v1 =	vld [tilespmem:s29+$0x6C40];
	_ =	sdelay $0x4  }
0x18f: {  	[tilespmem:$0x1FAF0] =	vst v1;
	v1 =	vld [tilespmem:s29+$0x8440];
	_ =	sdelay $0x4  }
0x190: {  	[tilespmem:$0x1FB00] =	vst v1;
	v1 =	vld [tilespmem:s29+$0x6C50];
	_ =	sdelay $0x4  }
0x191: {  	[tilespmem:$0x1FB10] =	vst v1;
	v1 =	vld [tilespmem:s29+$0x8450];
	_ =	sdelay $0x4  }
0x192: {  	[tilespmem:$0x1FB20] =	vst v1;
	v1 =	vld [tilespmem:s29+$0x6C60];
	_ =	sdelay $0x4  }
0x193: {  	[tilespmem:$0x1FB30] =	vst v1;
	v1 =	vld [tilespmem:s29+$0x8460];
	_ =	sdelay $0x4  }
0x194: {  	[tilespmem:$0x1FB40] =	vst v1;
	v1 =	vld [tilespmem:s29+$0x6C70];
	_ =	sdelay $0x4  }
0x195: {  	[tilespmem:$0x1FB50] =	vst v1;
	v1 =	vld [tilespmem:s29+$0x7000];
	_ =	sdelay $0x4  }
0x196: {  	[tilespmem:$0x1FB60] =	vst v1;
	v1 =	vld [tilespmem:s29+$0x8800];
	_ =	sdelay $0x4  }
0x197: {  	[tilespmem:$0x1FB70] =	vst v1;
	v1 =	vld [tilespmem:s29+$0x7010];
	_ =	sdelay $0x2  }
0x198: {  	v42 =	vld [tilespmem:s29+$0x8050]  }
0x199: {  	v40 =	vld [tilespmem:s29+$0x6860]  }
0x19a: {  	[tilespmem:$0x1FB80] =	vst v1;
	v1 =	vld [tilespmem:s29+$0x7020]  }
0x19b: {  	v48 =	vld [tilespmem:s29+$0x8060]  }
0x19c: {  	v50 =	vld [tilespmem:s29+$0x6870]  }
0x19d: {  	v0 =	vld [tilespmem:s29+$0x8070]  }
0x19e: {  	v51 =	vld [tilespmem:s29+$0x6C00]  }
0x19f: {  	[tilespmem:$0x1FB90] =	vst v1;
	v1 =	vld [tilespmem:s29+$0x2000]  }
0x1a0: {  	v61 =	vld [tilespmem:s29+$0x8400]  }
0x1a1: {  	v56 =	vld [tilespmem:s29+$0x8410]  }
0x1a2: {  	v49 =	vld [tilespmem:s29+$0x8470]  }
0x1a3: {  	v53 =	vld [tilespmem:s29+$0x8810]  }
0x1a4: {  	[tilespmem:$0x1FBA0] =	vst v1;
	v1 =	vld [tilespmem:s29+$0x2010]  }
0x1a5: {  	v54 =	vld [tilespmem:s29+$0x8820]  }
0x1a6: {  	v55 =	vld [tilespmem:s29+$0x7030]  }
0x1a7: {  	v58 =	vld [tilespmem:s29+$0x8830]  }
0x1a8: {  	v57 =	vld [tilespmem:s29+$0x7040]  }
0x1a9: {  	[tilespmem:$0x1FBB0] =	vst v1;
	v1 =	vld [tilespmem:s29+$0x2020]  }
0x1aa: {  	v59 =	vld [tilespmem:s29+$0x8840]  }
0x1ab: {  	v60 =	vld [tilespmem:s29+$0x7050]  }
0x1ac: {  	v63 =	vld [tilespmem:s29+$0x8850]  }
0x1ad: {  	v62 =	vld [tilespmem:s29+$0x7060]  }
0x1ae: {  	[tilespmem:$0x1FBC0] =	vst v1;
	v1 =	vld [tilespmem:s29+$0x2030]  }
0x1af: {  	v47 =	vld [tilespmem:s29+$0x8860]  }
0x1b0: {  	v46 =	vld [tilespmem:s29+$0x7070]  }
0x1b1: {  	v45 =	vld [tilespmem:s29+$0x8870]  }
0x1b2: {  	v44 =	vld [tilespmem:s29+$0x3800]  }
0x1b3: {  	[tilespmem:$0x1FBD0] =	vst v1;
	v1 =	vld [tilespmem:s29+$0x2040]  }
0x1b4: {  	v43 =	vld [tilespmem:s29+$0x5000]  }
0x1b5: {  	v41 =	vld [tilespmem:s29+$0x3810]  }
0x1b6: {  	v39 =	vld [tilespmem:s29+$0x5010]  }
0x1b7: {  	v37 =	vld [tilespmem:s29+$0x3820]  }
0x1b8: {  	[tilespmem:$0x1FBE0] =	vst v1;
	v1 =	vld [tilespmem:s29+$0x2050]  }
0x1b9: {  	v36 =	vld [tilespmem:s29+$0x5020]  }
0x1ba: {  	v34 =	vld [tilespmem:s29+$0x3830]  }
0x1bb: {  	v33 =	vld [tilespmem:s29+$0x5030]  }
0x1bc: {  	v32 =	vld [tilespmem:s29+$0x3840]  }
0x1bd: {  	[tilespmem:$0x1FBF0] =	vst v1;
	v1 =	vld [tilespmem:s29+$0x2060]  }
0x1be: {  	v31 =	vld [tilespmem:s29+$0x5040]  }
0x1bf: {  	v29 =	vld [tilespmem:s29+$0x3850]  }
0x1c0: {  	v27 =	vld [tilespmem:s29+$0x5050]  }
0x1c1: {  	v25 =	vld [tilespmem:s29+$0x3860]  }
0x1c2: {  	[tilespmem:$0x1FC00] =	vst v1;
	v1 =	vld [tilespmem:s29+$0x2070]  }
0x1c3: {  	v23 =	vld [tilespmem:s29+$0x5060]  }
0x1c4: {  	v22 =	vld [tilespmem:s29+$0x3870]  }
0x1c5: {  	v21 =	vld [tilespmem:s29+$0x5070]  }
0x1c6: {  	v20 =	vld [tilespmem:s29+$0x3C00]  }
0x1c7: {  	[tilespmem:$0x1FC10] =	vst v1;
	v1 =	vld [tilespmem:s29+$0x2400]  }
0x1c8: {  	v19 =	vld [tilespmem:s29+$0x5400]  }
0x1c9: {  	v18 =	vld [tilespmem:s29+$0x3C10]  }
0x1ca: {  	v17 =	vld [tilespmem:s29+$0x5410]  }
0x1cb: {  	v16 =	vld [tilespmem:s29+$0x3C20]  }
0x1cc: {  	[tilespmem:$0x1FC20] =	vst v1;
	v1 =	vld [tilespmem:s29+$0x2410]  }
0x1cd: {  	v15 =	vld [tilespmem:s29+$0x5420]  }
0x1ce: {  	v14 =	vld [tilespmem:s29+$0x3C30]  }
0x1cf: {  	v12 =	vld [tilespmem:s29+$0x5430]  }
0x1d0: {  	v13 =	vld [tilespmem:s29+$0x3C40]  }
0x1d1: {  	[tilespmem:$0x1FC30] =	vst v1;
	v1 =	vld [tilespmem:s29+$0x2420]  }
0x1d2: {  	v11 =	vld [tilespmem:s29+$0x5440]  }
0x1d3: {  	v10 =	vld [tilespmem:s29+$0x3C50]  }
0x1d4: {  	v8 =	vld [tilespmem:s29+$0x5450]  }
0x1d5: {  	v9 =	vld [tilespmem:s29+$0x3C60]  }
0x1d6: {  	[tilespmem:$0x1FC40] =	vst v1;
	v1 =	vld [tilespmem:s29+$0x2430]  }
0x1d7: {  	v7 =	vld [tilespmem:s29+$0x5460]  }
0x1d8: {  	v24 =	vadd.f32 v24, v6;
	v26 =	vadd.f32 v28, v26;
	v6 =	vld [tilespmem:s29+$0x3C70]  }
0x1d9: {  	v28 =	vadd.f32 v4, v30;
	v30 =	vadd.f32 v5, v35;
	v5 =	vld [tilespmem:s29+$0x5470]  }
0x1da: {  	v4 =	vld [tilespmem:s29+$0x4000]  }
0x1db: {  	[tilespmem:$0x1FC50] =	vst v1;
	v1 =	vld [tilespmem:s29+$0x2440]  }
0x1dc: {  	v35 =	vadd.f32 v2, v38;
	v2 =	vld [tilespmem:s29+$0x4010]  }
0x1dd: {  	v38 =	vadd.f32 v42, v3;
	v3 =	vld [tilespmem:s29+$0x5800]  }
0x1de: {  	v55 =	vadd.f32 v58, v55;
	v58 =	vld [tilespmem:s29+$0x4040]  }
0x1df: {  	v42 =	vadd.f32 v0, v50;
	v0 =	vld [tilespmem:$0x1FAA0]  }
0x1e0: {  	[tilespmem:$0x1FC60] =	vst v1;
	v1 =	vld [tilespmem:s29+$0x2450]  }
0x1e1: {  	v57 =	vadd.f32 v59, v57;
	v59 =	vadd.f32 v63, v60;
	v60 =	vld [tilespmem:s29+$0x5840]  }
0x1e2: {  	v39 =	vadd.f32 v39, v41;
	v41 =	vld [tilespmem:s29+$0x4050]  }
0x1e3: {  	v33 =	vadd.f32 v33, v34;
	v34 =	vld [tilespmem:s29+$0x5850]  }
0x1e4: {  	v56 =	vadd.f32 v56, v0;
	v0 =	vld [tilespmem:$0x1FAB0]  }
0x1e5: {  	[tilespmem:$0x1FC80] =	vst v1;
	v1 =	vld [tilespmem:$0x1FAC0]  }
0x1e6: {  	v27 =	vadd.f32 v27, v29;
	v29 =	vld [tilespmem:s29+$0x4060]  }
0x1e7: {  	v21 =	vadd.f32 v21, v22;
	v22 =	vld [tilespmem:s29+$0x5860]  }
0x1e8: {  	v23 =	vadd.f32 v23, v25;
	v25 =	vld [tilespmem:s29+$0x4070]  }
0x1e9: {  	v36 =	vadd.f32 v36, v37;
	v37 =	vadd.f32 v12, v14;
	v12 =	vld [tilespmem:s29+$0x5870]  }
0x1ea: {  	v40 =	vadd.f32 v48, v40;
	v48 =	vadd.f32 v1, v0;
	v0 =	vld [tilespmem:$0x1FAD0]  }
0x1eb: {  	v1 =	vld [tilespmem:$0x1FAE0]  }
0x1ec: {  	v43 =	vadd.f32 v43, v44;
	v44 =	vld [tilespmem:s29+$0x800]  }
0x1ed: {  	v63 =	vadd.f32 v45, v46;
	v45 =	vld [tilespmem:s29+$0x810]  }
0x1ee: {  	v6 =	vadd.f32 v5, v6;
	v5 =	vld [tilespmem:s29+$0x820]  }
0x1ef: {  	v11 =	vadd.f32 v11, v13;
	v13 =	vadd.f32 v22, v29;
	v22 =	vld [tilespmem:$0x1FBC0]  }
0x1f0: {  	v0 =	vadd.f32 v1, v0;
	v1 =	vld [tilespmem:s29+$0x5810]  }
0x1f1: {  	v7 =	vadd.f32 v7, v9;
	v9 =	vld [tilespmem:s29+$0x2470]  }
0x1f2: {  	v20 =	vadd.f32 v19, v20;
	v19 =	vadd.f32 v3, v4;
	v4 =	vld [tilespmem:s29+$0x840]  }
0x1f3: {  	v3 =	vld [tilespmem:$0x1FBB0]  }
0x1f4: {  	v5 =	vadd.f32 v22, v5;
	v22 =	vld [tilespmem:$0x1FBD0]  }
0x1f5: {  	v17 =	vadd.f32 v17, v18;
	v18 =	vadd.f32 v1, v2;
	v1 =	vld [tilespmem:s29+$0x830]  }
0x1f6: {  	v12 =	vadd.f32 v12, v25;
	v25 =	vld [tilespmem:s29+$0x850]  }
0x1f7: {  	v31 =	vadd.f32 v31, v32;
	v29 =	vld [tilespmem:s29+$0x860]  }
0x1f8: {  	v32 =	vadd.f32 v15, v16;
	v15 =	vadd.f32 v60, v58;
	v60 =	vld [tilespmem:s29+$0xC70]  }
0x1f9: {  	v52 =	vld [tilespmem:$0x1FB00];
	v3 =	vadd.f32 v3, v45  }
0x1fa: {  	[tilespmem:$0x1FC70] =	vst v0;
	v0 =	vld [tilespmem:$0x1FAF0];
	v1 =	vadd.f32 v22, v1  }
0x1fb: {  	v3 =	vadd.f32 v39, v3;
	v2 =	vld [tilespmem:$0x1FBA0]  }
0x1fc: {  	v50 =	vld [tilespmem:$0x1FB30];
	v5 =	vadd.f32 v36, v5;
	v1 =	vadd.f32 v33, v1  }
0x1fd: {  	v61 =	vadd.f32 v61, v51;
	v51 =	vld [tilespmem:$0x1FB40];
	v3 =	vadd.f32 v26, v3  }
0x1fe: {  	v26 =	vadd.f32 v28, v5;
	v28 =	vadd.f32 v30, v1;
	v1 =	vld [tilespmem:$0x1FBF0]  }
0x1ff: {  	v5 =	vld [tilespmem:$0x1FBE0];
	v0 =	vadd.f32 v52, v0  }
0x200: {  	v52 =	vld [tilespmem:$0x1FB20];
	v2 =	vadd.f32 v2, v44  }
0x201: {  	[tilespmem:$0x1FC90] =	vst v0;
	v0 =	vld [tilespmem:$0x1FB10]  }
0x202: {  	v50 =	vadd.f32 v51, v50;
	v51 =	vld [tilespmem:$0x1FB60];
	v2 =	vadd.f32 v43, v2  }
0x203: {  	v1 =	vadd.f32 v1, v25;
	v25 =	vld [tilespmem:$0x1FC00]  }
0x204: {  	v2 =	vadd.f32 v24, v2;
	v24 =	vld [tilespmem:s29+$0x870]  }
0x205: {  	v4 =	vadd.f32 v5, v4;
	v1 =	vadd.f32 v27, v1;
	v27 =	vld [tilespmem:$0x1FC10]  }
0x206: {  	v0 =	vadd.f32 v52, v0;
	v52 =	vld [tilespmem:$0x1FB50]  }
0x207: {  	v5 =	vld [tilespmem:s29+$0xC00];
	v4 =	vadd.f32 v31, v4  }
0x208: {  	[tilespmem:s29+$0x810] =	vst v3;
	v3 =	vld [tilespmem:$0x1FC60];
	v25 =	vadd.f32 v25, v29  }
0x209: {  	v22 =	vld [tilespmem:s29+$0x2810];
	v30 =	vadd.f32 v35, v4  }
0x20a: {  	[tilespmem:$0x1FCA0] =	vst v0;
	v0 =	vld [tilespmem:s29+$0x4020];
	v24 =	vadd.f32 v27, v24;
	v4 =	vadd.f32 v23, v25  }
0x20b: {  	[tilespmem:$0x1FCB0] =	vst v50;
	v50 =	vadd.f32 v49, v52;
	v52 =	vld [tilespmem:$0x1FB70];
	v31 =	vadd.f32 v38, v1  }
0x20c: {  	v1 =	vadd.f32 v21, v24;
	v21 =	vadd.f32 v40, v4;
	v4 =	vld [tilespmem:$0x1FC20]  }
0x20d: {  	v29 =	vld [tilespmem:s29+$0xC10]  }
0x20e: {  	v58 =	vadd.f32 v42, v1;
	v1 =	vld [tilespmem:$0x1FC30]  }
0x20f: {  	v49 =	vld [tilespmem:s29+$0x5820]  }
0x210: {  	v27 =	vld [tilespmem:s29+$0xC20]  }
0x211: {  	v4 =	vadd.f32 v4, v5;
	v5 =	vld [tilespmem:$0x1FC40]  }
0x212: {  	[tilespmem:s29+$0x830] =	vst v28;
	v28 =	vld [tilespmem:s29+$0x1010]  }
0x213: {  	v51 =	vadd.f32 v52, v51;
	v52 =	vld [tilespmem:$0x1FB90];
	v1 =	vadd.f32 v1, v29  }
0x214: {  	v10 =	vadd.f32 v8, v10;
	v25 =	vld [tilespmem:s29+$0xC30]  }
0x215: {  	v8 =	vadd.f32 v49, v0;
	v1 =	vadd.f32 v17, v1;
	v17 =	vld [tilespmem:$0x1FC50]  }
0x216: {  	v0 =	vld [tilespmem:s29+$0x2460];
	v4 =	vadd.f32 v20, v4;
	v5 =	vadd.f32 v5, v27  }
0x217: {  	[tilespmem:$0x1FE20] =	vst v51;
	v51 =	vld [tilespmem:$0x1FB80]  }
0x218: {  	[tilespmem:s29+$0x800] =	vst v2;
	v23 =	vld [tilespmem:s29+$0x2830];
	v2 =	vadd.f32 v61, v4;
	v4 =	vadd.f32 v32, v5  }
0x219: {  	v24 =	vld [tilespmem:s29+$0x2820]  }
0x21a: {  	v17 =	vadd.f32 v17, v25;
	v25 =	vadd.f32 v48, v4;
	v4 =	vld [tilespmem:$0x1FC70]  }
0x21b: {  	v52 =	vadd.f32 v54, v52;
	v54 =	vld [tilespmem:s29+$0x5830]  }
0x21c: {  	v53 =	vadd.f32 v53, v51;
	v51 =	vld [tilespmem:s29+$0x4030]  }
0x21d: {  	v20 =	vld [tilespmem:s29+$0xC50];
	v17 =	vadd.f32 v37, v17  }
0x21e: {  	v27 =	vld [tilespmem:s29+$0xC60]  }
0x21f: {  	v4 =	vadd.f32 v4, v17;
	v17 =	vld [tilespmem:$0x1FC80]  }
0x220: {  	v29 =	vld [tilespmem:s29+$0xC40]  }
0x221: {  	v16 =	vadd.f32 v54, v51;
	v54 =	vld [tilespmem:s29+$0x2800]  }
0x222: {  	v61 =	vld [tilespmem:s29+$0x1000]  }
0x223: {  	[tilespmem:s29+$0xC00] =	vst v2;
	v2 =	vld [tilespmem:$0x1FCB0];
	v0 =	vadd.f32 v0, v27  }
0x224: {  	v5 =	vadd.f32 v56, v1;
	v1 =	vld [tilespmem:s29+$0x2840];
	v17 =	vadd.f32 v17, v20  }
0x225: {  	v7 =	vadd.f32 v7, v0;
	v0 =	vld [tilespmem:$0x1FCA0]  }
0x226: {  	p0 =	sne.s32 s30, $0xF;
	v10 =	vadd.f32 v10, v17;
	v17 =	vld [tilespmem:$0x1FC90]  }
.Ltmp0:
0x227: {  	v9 =	vadd.f32 v9, v60;
	[tilespmem:s29+$0x820] =	vst v26;
	v26 =	vadd.f32 v3, v29;
	v3 =	vld [tilespmem:s29+$0x2850];
	(pc) =	sbr.rel @p0 .LBB2_3-.Ltmp0, $4  }
0x228: {  	v62 =	vadd.f32 v47, v62;
	v14 =	vadd.f32 v34, v41;
	[tilespmem:s29+$0x840] =	vst v30;
	v29 =	vld [tilespmem:s29+$0x1020]  }
0x229: {  	[tilespmem:s29+$0x850] =	vst v31;
	v31 =	vadd.f32 v6, v9;
	v11 =	vadd.f32 v11, v26;
	v27 =	vld [tilespmem:s29+$0x1030]  }
0x22a: {  	[tilespmem:s29+$0x860] =	vst v21;
	v30 =	vadd.f32 v54, v61;
	v21 =	vadd.f32 v2, v7;
	v2 =	vld [tilespmem:s29+$0x2870]  }
0x22b: {  	s30 =	sadd.s32 $0x1, s30;
	[tilespmem:s29+$0x870] =	vst v58;
	v20 =	vadd.f32 v0, v10;
	v0 =	vld [tilespmem:s29+$0x2860];
	v26 =	vadd.f32 v17, v11  }
0x22c: {  	v54 =	vld [tilespmem:s29+$0x1040]  }
0x22d: {  	v9 =	vadd.f32 v22, v28;
	v58 =	vld [tilespmem:$0x1FE20]  }
0x22e: {  	[tilespmem:s29+$0xC10] =	vst v5;
	v6 =	vld [tilespmem:s29+$0x1050];
	v7 =	vadd.f32 v50, v31  }
0x22f: {  	[tilespmem:s29+$0xC20] =	vst v25;
	v11 =	vld [tilespmem:s29+$0x1060];
	v10 =	vadd.f32 v24, v29;
	v9 =	vadd.f32 v18, v9  }
0x230: {  	[tilespmem:s29+$0xC30] =	vst v4;
	v56 =	vadd.f32 v19, v30;
	v60 =	vld [tilespmem:s29+$0x1070];
	v17 =	vadd.f32 v23, v27  }
0x231: {  	[tilespmem:s29+$0xC60] =	vst v21;
	v8 =	vadd.f32 v8, v10;
	v9 =	vadd.f32 v53, v9  }
0x232: {  	[tilespmem:s29+$0xC40] =	vst v26;
	v16 =	vadd.f32 v16, v17;
	v4 =	vadd.f32 v58, v56  }
0x233: {  	[tilespmem:s29+$0xC50] =	vst v20;
	v8 =	vadd.f32 v52, v8;
	v1 =	vadd.f32 v1, v54  }
0x234: {  	[tilespmem:s29+$0xC70] =	vst v7;
	v3 =	vadd.f32 v3, v6;
	v0 =	vadd.f32 v0, v11  }
0x235: {  	v2 =	vadd.f32 v2, v60;
	[tilespmem:s29+$0x1010] =	vst v9;
	v1 =	vadd.f32 v15, v1  }
0x236: {  	s0 =	sor.u32 s5, s25;
	v61 =	vadd.f32 v55, v16;
	[tilespmem:s29+$0x1000] =	vst v4;
	v3 =	vadd.f32 v14, v3  }
0x237: {  	s0 =	sshrl.u32 s0, $0x3;
	[tilespmem:s29+$0x1020] =	vst v8;
	v0 =	vadd.f32 v13, v0;
	v1 =	vadd.f32 v57, v1  }
0x238: {  	p0 =	seq.s32 s23, $0xF;
	s0 =	smul.u32 $0x1800, s0;
	v2 =	vadd.f32 v12, v2;
	[tilespmem:s29+$0x1030] =	vst v61;
	v3 =	vadd.f32 v59, v3  }
.Ltmp1:
0x239: {  	v0 =	vadd.f32 v62, v0;
	[tilespmem:s29+$0x1040] =	vst v1;
	(pc) =	sbr.rel @p0 .LBB2_6-.Ltmp1, $4  }
0x23a: {  	s0 =	sor.u32 s4, s0;
	v63 =	vadd.f32 v63, v2;
	[tilespmem:s29+$0x1050] =	vst v3  }
0x23b: {  	s0 =	sshrl.u32 s0, $0x3;
	[tilespmem:s29+$0x1060] =	vst v0  }
0x23c: {  	s0 =	sadd.s32 s3, s0;
	[tilespmem:s29+$0x1070] =	vst v63  }
0x23d: {  	[hbm4b:s0+s19] =	stream.strided.scatter [tilespmem:s21], [sflag:$0x2], $0x1800, s20, s19, $0x38;
	[tilespmem:$0x12800] =	vst v63  }
0x23e: {  	_ =	swait.ge [sflag:s6], $0x1800  }
0x23f: {  	[sflag:s6] =	ssyncset.done $0x0  }
0x240: {  	[sflag:s6] =	ssyncadd.s32 $0xFFFFE800  }
0x241: {  	v0 =	vld [tilespmem:s25+$0x20];
	_ =	sdelay $0x4  }
0x242: {  	vm2 =	vgt.s32 v0, $0x0  }
0x243: {  	v0 =	vnsel vm2, $0x0, v0  }
0x244: {  	v8 =	vld [tilespmem:$0x1FFD0];
	v0 =	vmin.u32 v0, $0x3FF  }
0x245: {  	v1 =	vld [tilespmem:s25+$0x220];
	v2 =	vshrl.u32 v0, $0x3  }
0x246: {  	v9 =	vld [tilespmem:$0x1FFE0];
	v2 =	vmul.u32 $0x30, v2  }
0x247: {  	v3 =	vand.u32 $0x7, v0  }
0x248: {  	v10 =	vld [tilespmem:$0x1FFF0];
	v2 =	vor.u32 v3, v2  }
0x249: {  	v3 =	vperm.xlane v2, v8  }
0x24a: {  	vm2 =	vgt.s32 v1, $0x0  }
0x24b: {  	v1 =	vnsel vm2, $0x0, v1;
	v3 =	vadd.s32 v9, v3  }
0x24c: {  	v1 =	vmin.u32 v1, $0x3FF  }
0x24d: {  	v4 =	vld [tilespmem:s25+$0x420];
	v5 =	vshrl.u32 v1, $0x3;
	v2 =	vperm.xlane v2, v10  }
0x24e: {  	v5 =	vmul.u32 $0x30, v5  }
0x24f: {  	v7 =	vand.u32 $0x7, v1;
	v2 =	vadd.s32 v9, v2  }
0x250: {  	v6 =	vld [tilespmem:s25+$0x620];
	v5 =	vor.u32 v7, v5;
	[tilespmem:s21], [sflag:$0x1] =	stream.indirect_vreg.gather [hbm4b:s10+s2], $0x80, v3, vm0, $0xb8  }
0x251: {  	s0 =	simm.s32 $0x1000;
	v7 =	vperm.xlane v5, v8  }
0x252: {  	vm2 =	vgt.s32 v4, $0x0;
	[tilespmem:s0], [sflag:$0x1] =	stream.indirect_vreg.gather [hbm4b:s22+s2], $0x80, v3, vm1, $0xb8;
	[tilespmem:$0x12800] =	vst v63  }
0x253: {  	s30 =	simm.s32 $0x1400;
	v48 =	vnsel vm2, $0x0, v4;
	v49 =	vadd.s32 v9, v7  }
0x254: {  	v3 =	vmin.u32 v48, $0x3FF;
	[tilespmem:s30], [sflag:$0x1] =	stream.indirect_vreg.gather [hbm4b:s10+s2], $0x80, v2, vm0, $0xb8;
	[tilespmem:$0x12800] =	vst v63  }
0x255: {  	s31 =	simm.s32 $0x1C00;
	v5 =	vperm.xlane v5, v10;
	v50 =	vshrl.u32 v3, $0x3  }
0x256: {  	v51 =	vmul.u32 $0x30, v50;
	[tilespmem:s31], [sflag:$0x1] =	stream.indirect_vreg.gather [hbm4b:s22+s2], $0x80, v2, vm1, $0xb8;
	[tilespmem:$0x12800] =	vst v63  }
0x257: {  	s25 =	simm.s32 $0x2000;
	v5 =	vadd.s32 v9, v5;
	v52 =	vand.u32 $0x7, v3  }
0x258: {  	v2 =	vor.u32 v52, v51;
	[tilespmem:s25], [sflag:$0x1] =	stream.indirect_vreg.gather [hbm4b:s11+s2], $0x80, v49, vm0, $0xb8;
	[tilespmem:$0x12800] =	vst v63  }
0x259: {  	s26 =	simm.s32 $0x2800;
	v7 =	vperm.xlane v2, v8  }
0x25a: {  	vm2 =	vgt.s32 v6, $0x0;
	[tilespmem:s26], [sflag:$0x1] =	stream.indirect_vreg.gather [hbm4b:s7+s2], $0x80, v49, vm1, $0xb8;
	[tilespmem:$0x12800] =	vst v63  }
0x25b: {  	s29 =	simm.s32 $0x2C00;
	v53 =	vnsel vm2, $0x0, v6;
	v54 =	vadd.s32 v9, v7  }
0x25c: {  	v4 =	vmin.u32 v53, $0x3FF;
	[tilespmem:s29], [sflag:$0x1] =	stream.indirect_vreg.gather [hbm4b:s11+s2], $0x80, v5, vm0, $0xb8;
	[tilespmem:$0x12800] =	vst v63  }
0x25d: {  	v55 =	vshrl.u32 v4, $0x3;
	s30 =	simm.s32 $0x3400;
	v2 =	vperm.xlane v2, v10  }
0x25e: {  	v56 =	vmul.u32 $0x30, v55;
	[tilespmem:s30], [sflag:$0x1] =	stream.indirect_vreg.gather [hbm4b:s7+s2], $0x80, v5, vm1, $0xb8;
	[tilespmem:$0x12800] =	vst v63  }
0x25f: {  	v57 =	vand.u32 $0x7, v4;
	s31 =	simm.s32 $0x3800;
	v2 =	vadd.s32 v9, v2  }
0x260: {  	v5 =	vor.u32 v57, v56;
	[tilespmem:s31], [sflag:$0x1] =	stream.indirect_vreg.gather [hbm4b:s12+s2], $0x80, v54, vm0, $0xb8;
	[tilespmem:$0x12800] =	vst v63  }
0x261: {  	s25 =	simm.s32 $0x4000;
	v7 =	vperm.xlane v5, v8  }
0x262: {  	v0 =	vsub.s32 v3, v0;
	[tilespmem:s25], [sflag:$0x1] =	stream.indirect_vreg.gather [hbm4b:s8+s2], $0x80, v54, vm1, $0xb8;
	[tilespmem:$0x12800] =	vst v63  }
0x263: {  	vm2 =	vgt.s32 v0, $0x0;
	s26 =	simm.s32 $0x4400;
	v58 =	vadd.s32 v9, v7  }
0x264: {  	v0 =	vnsel vm2, $0x0, v0;
	[tilespmem:s26], [sflag:$0x1] =	stream.indirect_vreg.gather [hbm4b:s12+s2], $0x80, v2, vm0, $0xb8;
	[tilespmem:$0x12800] =	vst v63  }
0x265: {  	v59 =	vshrl.u32 v0, $0x3;
	s29 =	simm.s32 $0x4C00;
	v5 =	vperm.xlane v5, v10  }
0x266: {  	v60 =	vmul.u32 $0x30, v59;
	[tilespmem:s29], [sflag:$0x1] =	stream.indirect_vreg.gather [hbm4b:s8+s2], $0x80, v2, vm1, $0xb8;
	[tilespmem:$0x12800] =	vst v63  }
0x267: {  	v0 =	vand.u32 $0x7, v0;
	s30 =	simm.s32 $0x5000;
	v5 =	vadd.s32 v9, v5  }
0x268: {  	v0 =	vor.u32 v0, v60;
	[tilespmem:s30], [sflag:$0x1] =	stream.indirect_vreg.gather [hbm4b:s13+s2], $0x80, v58, vm0, $0xb8;
	[tilespmem:$0x12800] =	vst v63  }
0x269: {  	s31 =	simm.s32 $0x5800;
	v2 =	vperm.xlane v0, v8  }
0x26a: {  	v1 =	vsub.s32 v4, v1;
	[tilespmem:s31], [sflag:$0x1] =	stream.indirect_vreg.gather [hbm4b:s9+s2], $0x80, v58, vm1, $0xb8;
	[tilespmem:$0x12800] =	vst v63  }
0x26b: {  	vm2 =	vgt.s32 v1, $0x0;
	s25 =	simm.s32 $0x5C00;
	v2 =	vadd.s32 v9, v2  }
0x26c: {  	v1 =	vnsel vm2, $0x0, v1;
	[tilespmem:s25], [sflag:$0x1] =	stream.indirect_vreg.gather [hbm4b:s13+s2], $0x80, v5, vm0, $0xb8;
	[tilespmem:$0x12800] =	vst v63  }
0x26d: {  	v61 =	vshrl.u32 v1, $0x3;
	s26 =	simm.s32 $0x6400;
	v0 =	vperm.xlane v0, v10  }
0x26e: {  	v3 =	vmul.u32 $0x30, v61;
	[tilespmem:s26], [sflag:$0x1] =	stream.indirect_vreg.gather [hbm4b:s9+s2], $0x80, v5, vm1, $0xb8;
	[tilespmem:$0x12800] =	vst v63  }
0x26f: {  	v1 =	vand.u32 $0x7, v1;
	s29 =	simm.s32 $0x6800;
	v0 =	vadd.s32 v9, v0  }
0x270: {  	v1 =	vor.u32 v1, v3;
	[tilespmem:s29], [sflag:$0x1] =	stream.indirect_vreg.gather [hbm4b:s14+s2], $0x80, v2, vm0, $0xb8;
	[tilespmem:$0x12800] =	vst v63  }
0x271: {  	v3 =	vperm.xlane v1, v8;
	s30 =	simm.s32 $0x7000  }
0x272: {  	[tilespmem:s30], [sflag:$0x1] =	stream.indirect_vreg.gather [hbm4b:s16+s2], $0x80, v2, vm1, $0xb8;
	[tilespmem:$0x12800] =	vst v63  }
0x273: {  	v62 =	vadd.s32 v9, v3;
	s31 =	simm.s32 $0x7400  }
0x274: {  	[tilespmem:s31], [sflag:$0x1] =	stream.indirect_vreg.gather [hbm4b:s14+s2], $0x80, v0, vm0, $0xb8;
	[tilespmem:$0x12800] =	vst v63  }
0x275: {  	v1 =	vperm.xlane v1, v10;
	s25 =	simm.s32 $0x7C00  }
0x276: {  	[tilespmem:s25], [sflag:$0x1] =	stream.indirect_vreg.gather [hbm4b:s16+s2], $0x80, v0, vm1, $0xb8;
	[tilespmem:$0x12800] =	vst v63  }
0x277: {  	v63 =	vadd.s32 v9, v1;
	s26 =	simm.s32 $0x8000  }
0x278: {  	[tilespmem:s26], [sflag:$0x1] =	stream.indirect_vreg.gather [hbm4b:s15+s2], $0x80, v62, vm0, $0xb8;
	[tilespmem:$0x12800] =	vst v63  }
0x279: {  	s29 =	simm.s32 $0x8800  }
0x27a: {  	[tilespmem:s29], [sflag:$0x1] =	stream.indirect_vreg.gather [hbm4b:s17+s2], $0x80, v62, vm1, $0xb8;
	[tilespmem:$0x12800] =	vst v63  }
0x27b: {  	s30 =	simm.s32 $0x8C00  }
0x27c: {  	[tilespmem:s30], [sflag:$0x1] =	stream.indirect_vreg.gather [hbm4b:s15+s2], $0x80, v63, vm0, $0xb8;
	[tilespmem:$0x12800] =	vst v63  }
0x27d: {  	s31 =	simm.s32 $0x9400  }
0x27e: {  	[tilespmem:s31], [sflag:$0x1] =	stream.indirect_vreg.gather [hbm4b:s17+s2], $0x80, v63, vm1, $0xb8;
	[tilespmem:$0x12800] =	vst v63  }
.LBB2_6:
0x27f: {  	_ =	swait.ge [sflag:s18], $0x1800  }
0x280: {  	[sflag:s18] =	ssyncset.done $0x0  }
0x281: {  	[sflag:s18] =	ssyncadd.s32 $0xFFFFE800  }
0x282: {  	_ =	swait.ge [sflag:s18], $0x1800  }
0x283: {  	[sflag:s18] =	ssyncset.done $0x0  }
0x284: {  	[sflag:s18] =	ssyncadd.s32 $0xFFFFE800  }
0x285: {  	_ =	swait.ge [sflag:s18], $0x1800  }
0x286: {  	[sflag:s18] =	ssyncset.done $0x0  }
0x287: {  	[sflag:s18] =	ssyncadd.s32 $0xFFFFE800  }
0x288: {  	_ =	swait.ge [sflag:s18], $0x1800  }
0x289: {  	[sflag:s18] =	ssyncset.done $0x0  }
0x28a: {  	[sflag:s18] =	ssyncadd.s32 $0xFFFFE800  }
0x28b: {  	_ =	swait.ge [sflag:s18], $0x1800  }
0x28c: {  	[sflag:s18] =	ssyncset.done $0x0  }
0x28d: {  	[sflag:s18] =	ssyncadd.s32 $0xFFFFE800  }
0x28e: {  	_ =	swait.ge [sflag:s18], $0x1800  }
0x28f: {  	[sflag:s18] =	ssyncset.done $0x0  }
0x290: {  	s25 =	simm.s32 $0x0;
	s26 =	simm.s32 $0x0;
	[sflag:s18] =	ssyncadd.s32 $0xFFFFE800  }
.LBB2_7:
0x291: {  	s0 =	sshrl.u32 s26, $0x3  }
0x292: {  	s0 =	smul.u32 $0xC00, s0  }
0x293: {  	s29 =	sand.u32 $0x380, s25  }
0x294: {  	s29 =	sor.u32 s29, s0  }
0x295: {  	v0 =	vld [tilespmem:s29+$0x9800]  }
0x296: {  	v1 =	vld [tilespmem:s29+$0xB000]  }
0x297: {  	v2 =	vld [tilespmem:s29+$0xC800]  }
0x298: {  	v3 =	vld [tilespmem:s29+$0xE000]  }
0x299: {  	v4 =	vld [tilespmem:s29+$0xF800]  }
0x29a: {  	v5 =	vld [tilespmem:s29+$0x11000]  }
0x29b: {  	v6 =	vld [tilespmem:s29+$0x9810]  }
0x29c: {  	v7 =	vld [tilespmem:s29+$0xB010]  }
0x29d: {  	v8 =	vld [tilespmem:s29+$0xC810]  }
0x29e: {  	v9 =	vld [tilespmem:s29+$0xE010]  }
0x29f: {  	v10 =	vld [tilespmem:s29+$0xF810]  }
0x2a0: {  	v11 =	vld [tilespmem:s29+$0x11010]  }
0x2a1: {  	v12 =	vld [tilespmem:s29+$0x9820]  }
0x2a2: {  	v13 =	vld [tilespmem:s29+$0xB020]  }
0x2a3: {  	v14 =	vld [tilespmem:s29+$0xC820]  }
0x2a4: {  	v15 =	vld [tilespmem:s29+$0xE020]  }
0x2a5: {  	v16 =	vld [tilespmem:s29+$0xF820]  }
0x2a6: {  	v17 =	vld [tilespmem:s29+$0x11020]  }
0x2a7: {  	v18 =	vld [tilespmem:s29+$0x9830]  }
0x2a8: {  	v19 =	vld [tilespmem:s29+$0xB030]  }
0x2a9: {  	v20 =	vld [tilespmem:s29+$0xC830]  }
0x2aa: {  	v21 =	vld [tilespmem:s29+$0xE030]  }
0x2ab: {  	v22 =	vld [tilespmem:s29+$0xF830]  }
0x2ac: {  	v23 =	vld [tilespmem:s29+$0x11030]  }
0x2ad: {  	v24 =	vld [tilespmem:s29+$0x9840]  }
0x2ae: {  	v25 =	vld [tilespmem:s29+$0xB040]  }
0x2af: {  	v26 =	vld [tilespmem:s29+$0xC840]  }
0x2b0: {  	v27 =	vld [tilespmem:s29+$0xE040]  }
0x2b1: {  	v28 =	vld [tilespmem:s29+$0xF840]  }
0x2b2: {  	v29 =	vld [tilespmem:s29+$0x11040]  }
0x2b3: {  	v30 =	vld [tilespmem:s29+$0x9850]  }
0x2b4: {  	v31 =	vld [tilespmem:s29+$0xB050]  }
0x2b5: {  	v32 =	vld [tilespmem:s29+$0xC850]  }
0x2b6: {  	v33 =	vld [tilespmem:s29+$0xE050]  }
0x2b7: {  	v34 =	vld [tilespmem:s29+$0xF850]  }
0x2b8: {  	v35 =	vld [tilespmem:s29+$0x11050]  }
0x2b9: {  	v36 =	vld [tilespmem:s29+$0x9860]  }
0x2ba: {  	v37 =	vld [tilespmem:s29+$0xB060]  }
0x2bb: {  	v38 =	vld [tilespmem:s29+$0xC860]  }
0x2bc: {  	v39 =	vld [tilespmem:s29+$0xE060]  }
0x2bd: {  	v40 =	vld [tilespmem:s29+$0xF860]  }
0x2be: {  	v41 =	vld [tilespmem:s29+$0x11060]  }
0x2bf: {  	v42 =	vld [tilespmem:s29+$0x9870]  }
0x2c0: {  	v43 =	vld [tilespmem:s29+$0xB070]  }
0x2c1: {  	v44 =	vld [tilespmem:s29+$0xC870]  }
0x2c2: {  	v45 =	vld [tilespmem:s29+$0xE070]  }
0x2c3: {  	v46 =	vld [tilespmem:s29+$0xF870]  }
0x2c4: {  	v47 =	vld [tilespmem:s29+$0x11070]  }
0x2c5: {  	v48 =	vld [tilespmem:s29+$0x9C00]  }
0x2c6: {  	v49 =	vld [tilespmem:s29+$0xB400]  }
0x2c7: {  	v50 =	vld [tilespmem:s29+$0xCC00]  }
0x2c8: {  	v51 =	vld [tilespmem:s29+$0xE400]  }
0x2c9: {  	v52 =	vld [tilespmem:s29+$0xFC00]  }
0x2ca: {  	v53 =	vld [tilespmem:s29+$0x11400]  }
0x2cb: {  	v54 =	vld [tilespmem:s29+$0x9C10]  }
0x2cc: {  	v55 =	vld [tilespmem:s29+$0xB410]  }
0x2cd: {  	v56 =	vld [tilespmem:s29+$0xCC10]  }
0x2ce: {  	v57 =	vld [tilespmem:s29+$0xE410]  }
0x2cf: {  	v58 =	vld [tilespmem:s29+$0xFC10]  }
0x2d0: {  	v59 =	vld [tilespmem:s29+$0x11410]  }
0x2d1: {  	v60 =	vld [tilespmem:s29+$0x9C20]  }
0x2d2: {  	v63 =	vadd.f32 v3, v2;
	v2 =	vld [tilespmem:s29+$0xB420]  }
0x2d3: {  	v61 =	vadd.f32 v7, v6;
	v7 =	vld [tilespmem:s29+$0xCC20]  }
0x2d4: {  	v6 =	vld [tilespmem:s29+$0xFC20]  }
0x2d5: {  	v0 =	vadd.f32 v1, v0;
	v62 =	vadd.f32 v9, v8;
	v8 =	vld [tilespmem:s29+$0x11420]  }
0x2d6: {  	v19 =	vadd.f32 v19, v18;
	v25 =	vadd.f32 v25, v24;
	v18 =	vld [tilespmem:s29+$0x11430]  }
0x2d7: {  	v27 =	vadd.f32 v27, v26;
	v31 =	vadd.f32 v31, v30;
	v24 =	vld [tilespmem:s29+$0x11440]  }
0x2d8: {  	v32 =	vadd.f32 v33, v32;
	v33 =	vadd.f32 v29, v28;
	v28 =	vld [tilespmem:s29+$0xB450]  }
0x2d9: {  	v35 =	vadd.f32 v35, v34;
	v37 =	vadd.f32 v37, v36;
	v29 =	vld [tilespmem:s29+$0xCC50]  }
0x2da: {  	v54 =	vadd.f32 v55, v54;
	v55 =	vadd.f32 v57, v56;
	v57 =	vld [tilespmem:s29+$0x11450]  }
0x2db: {  	v39 =	vadd.f32 v39, v38;
	v43 =	vadd.f32 v43, v42;
	v38 =	vld [tilespmem:s29+$0xCC60]  }
0x2dc: {  	v44 =	vadd.f32 v45, v44;
	v45 =	vadd.f32 v41, v40;
	v41 =	vld [tilespmem:s29+$0xFC60]  }
0x2dd: {  	v47 =	vadd.f32 v47, v46;
	v51 =	vadd.f32 v51, v50;
	v50 =	vld [tilespmem:s29+$0xB470]  }
0x2de: {  	v49 =	vadd.f32 v49, v48;
	v56 =	vadd.f32 v53, v52;
	v53 =	vld [tilespmem:s29+$0xCC70]  }
0x2df: {  	v0 =	vadd.f32 v63, v0;
	v63 =	vadd.f32 v5, v4;
	v4 =	vld [tilespmem:s29+$0xE420]  }
0x2e0: {  	v3 =	vadd.f32 v62, v61;
	v61 =	vadd.f32 v11, v10;
	v10 =	vld [tilespmem:s29+$0xB430]  }
0x2e1: {  	v59 =	vadd.f32 v59, v58;
	v62 =	vadd.f32 v13, v12;
	v13 =	vld [tilespmem:s29+$0xCC30]  }
0x2e2: {  	v30 =	vadd.f32 v51, v49;
	v1 =	vadd.f32 v61, v3;
	v3 =	vld [tilespmem:s29+$0x9C30]  }
0x2e3: {  	v0 =	vadd.f32 v63, v0;
	v63 =	vadd.f32 v15, v14;
	v14 =	vld [tilespmem:s29+$0xE430]  }
0x2e4: {  	v61 =	vadd.f32 v21, v20;
	v15 =	vld [tilespmem:s29+$0xFC30];
	v2 =	vadd.f32 v2, v60  }
0x2e5: {  	v21 =	vld [tilespmem:s29+$0x9C40];
	v5 =	vadd.f32 v63, v62;
	v62 =	vadd.f32 v17, v16  }
0x2e6: {  	v11 =	vadd.f32 v61, v19;
	v63 =	vadd.f32 v23, v22;
	v22 =	vld [tilespmem:s29+$0xB440]  }
0x2e7: {  	v16 =	vadd.f32 v27, v25;
	v19 =	vadd.f32 v32, v31;
	v23 =	vld [tilespmem:s29+$0xCC40]  }
0x2e8: {  	v17 =	vld [tilespmem:s29+$0xFC40];
	v25 =	vadd.f32 v44, v43;
	v43 =	vadd.f32 v8, v6  }
0x2e9: {  	v27 =	vld [tilespmem:s29+$0x9C50];
	v4 =	vadd.f32 v4, v7;
	v5 =	vadd.f32 v62, v5  }
0x2ea: {  	v32 =	vld [tilespmem:s29+$0xE450];
	v9 =	vadd.f32 v63, v11;
	v12 =	vadd.f32 v33, v16  }
0x2eb: {  	v44 =	vld [tilespmem:s29+$0x11460];
	v16 =	vadd.f32 v35, v19;
	v19 =	vadd.f32 v39, v37  }
0x2ec: {  	v11 =	vld [tilespmem:s29+$0xE440];
	v33 =	vadd.f32 v55, v54;
	v61 =	vadd.f32 v47, v25  }
0x2ed: {  	v35 =	vld [tilespmem:s29+$0xFC50];
	v63 =	vadd.f32 v56, v30;
	v3 =	vadd.f32 v10, v3  }
0x2ee: {  	v37 =	vld [tilespmem:s29+$0x9C60];
	v40 =	vadd.f32 v14, v13;
	v42 =	vadd.f32 v4, v2  }
0x2ef: {  	[tilespmem:s29+$0x9800] =	vst v0;
	v62 =	vld [tilespmem:s29+$0xB460];
	v46 =	vadd.f32 v18, v15;
	v19 =	vadd.f32 v45, v19  }
0x2f0: {  	[tilespmem:s29+$0x9810] =	vst v1;
	v39 =	vld [tilespmem:s29+$0xE460];
	v34 =	vadd.f32 v59, v33;
	v45 =	vadd.f32 v40, v3  }
0x2f1: {  	v47 =	vld [tilespmem:s29+$0x9C70];
	[tilespmem:s29+$0x9820] =	vst v5;
	v48 =	vadd.f32 v22, v21;
	v51 =	vadd.f32 v28, v27  }
0x2f2: {  	v55 =	vld [tilespmem:s29+$0xE470];
	[tilespmem:s29+$0x9830] =	vst v9;
	v52 =	vadd.f32 v32, v29;
	v54 =	vadd.f32 v24, v17  }
0x2f3: {  	[tilespmem:s29+$0x9840] =	vst v12;
	v0 =	vadd.f32 v43, v42;
	v4 =	vadd.f32 v44, v41  }
0x2f4: {  	v58 =	vld [tilespmem:s29+$0x11470];
	[tilespmem:s29+$0x9850] =	vst v16;
	v49 =	vadd.f32 v11, v23;
	v9 =	vadd.f32 v52, v51  }
0x2f5: {  	[tilespmem:s29+$0x9870] =	vst v61;
	v56 =	vadd.f32 v57, v35;
	v57 =	vld [tilespmem:s29+$0xFC70];
	v1 =	vadd.f32 v46, v45  }
0x2f6: {  	[tilespmem:s29+$0x9C00] =	vst v63;
	v61 =	vadd.f32 v62, v37;
	v7 =	vadd.f32 v39, v38  }
0x2f7: {  	[tilespmem:s29+$0x9860] =	vst v19;
	v6 =	vadd.f32 v50, v47;
	v62 =	vadd.f32 v55, v53  }
0x2f8: {  	[tilespmem:s29+$0x9C10] =	vst v34;
	v5 =	vadd.f32 v49, v48;
	v60 =	vadd.f32 v56, v9  }
0x2f9: {  	[tilespmem:s29+$0x9C20] =	vst v0;
	v63 =	vadd.f32 v7, v61;
	v7 =	vadd.f32 v62, v6  }
0x2fa: {  	v8 =	vld [tilespmem:s29+$0xA000];
	[tilespmem:s29+$0x9C30] =	vst v1;
	v59 =	vadd.f32 v54, v5;
	v2 =	vadd.f32 v58, v57  }
0x2fb: {  	v10 =	vld [tilespmem:s29+$0xD000];
	v0 =	vadd.f32 v4, v63;
	[tilespmem:s29+$0x9C50] =	vst v60  }
0x2fc: {  	v11 =	vld [tilespmem:s29+$0xE800];
	[tilespmem:s29+$0x9C40] =	vst v59;
	v1 =	vadd.f32 v2, v7  }
0x2fd: {  	v9 =	vld [tilespmem:s29+$0xB800];
	[tilespmem:s29+$0x9C60] =	vst v0  }
0x2fe: {  	s30 =	sadd.s32 $0x800, s29;
	v13 =	vld [tilespmem:s29+$0x11800];
	[tilespmem:s29+$0x9C70] =	vst v1  }
0x2ff: {  	v12 =	vld [tilespmem:s30+$0xF800];
	_ =	sdelay $0x2  }
0x300: {  	v0 =	vadd.f32 v11, v10;
	v2 =	vadd.f32 v9, v8;
	_ =	sdelay $0x1  }
0x301: {  	v15 =	vld [tilespmem:s29+$0xA010];
	v0 =	vadd.f32 v0, v2;
	v14 =	vadd.f32 v13, v12  }
0x302: {  	v18 =	vld [tilespmem:s29+$0xE810]  }
0x303: {  	v16 =	vld [tilespmem:s29+$0xB810];
	v0 =	vadd.f32 v14, v0  }
0x304: {  	v17 =	vld [tilespmem:s29+$0xD010]  }
0x305: {  	v20 =	vld [tilespmem:s29+$0x11810];
	[tilespmem:s29+$0xA000] =	vst v0  }
0x306: {  	v19 =	vld [tilespmem:s30+$0xF810];
	_ =	sdelay $0x2  }
0x307: {  	v1 =	vadd.f32 v16, v15;
	v0 =	vadd.f32 v18, v17;
	_ =	sdelay $0x1  }
0x308: {  	v25 =	vld [tilespmem:s29+$0xE820];
	v0 =	vadd.f32 v0, v1;
	v21 =	vadd.f32 v20, v19  }
0x309: {  	v22 =	vld [tilespmem:s29+$0xA020]  }
0x30a: {  	v24 =	vld [tilespmem:s29+$0xD020];
	v0 =	vadd.f32 v21, v0  }
0x30b: {  	v23 =	vld [tilespmem:s29+$0xB820]  }
0x30c: {  	v27 =	vld [tilespmem:s29+$0x11820];
	[tilespmem:s29+$0xA010] =	vst v0  }
0x30d: {  	v26 =	vld [tilespmem:s30+$0xF820];
	_ =	sdelay $0x2  }
0x30e: {  	v1 =	vadd.f32 v23, v22;
	v0 =	vadd.f32 v25, v24;
	_ =	sdelay $0x1  }
0x30f: {  	v31 =	vld [tilespmem:s29+$0xD030];
	v0 =	vadd.f32 v0, v1;
	v28 =	vadd.f32 v27, v26  }
0x310: {  	v30 =	vld [tilespmem:s29+$0xB830]  }
0x311: {  	v29 =	vld [tilespmem:s29+$0xA030];
	v0 =	vadd.f32 v28, v0  }
0x312: {  	v32 =	vld [tilespmem:s29+$0xE830]  }
0x313: {  	v34 =	vld [tilespmem:s29+$0x11830];
	[tilespmem:s29+$0xA020] =	vst v0  }
0x314: {  	v33 =	vld [tilespmem:s30+$0xF830];
	_ =	sdelay $0x2  }
0x315: {  	v1 =	vadd.f32 v30, v29;
	v0 =	vadd.f32 v32, v31;
	_ =	sdelay $0x1  }
0x316: {  	v36 =	vld [tilespmem:s29+$0xA040];
	v0 =	vadd.f32 v0, v1;
	v35 =	vadd.f32 v34, v33  }
0x317: {  	v37 =	vld [tilespmem:s29+$0xB840]  }
0x318: {  	v38 =	vld [tilespmem:s29+$0xD040];
	v0 =	vadd.f32 v35, v0  }
0x319: {  	v39 =	vld [tilespmem:s29+$0xE840]  }
0x31a: {  	v41 =	vld [tilespmem:s29+$0x11840];
	[tilespmem:s29+$0xA030] =	vst v0  }
0x31b: {  	v40 =	vld [tilespmem:s30+$0xF840];
	_ =	sdelay $0x2  }
0x31c: {  	v1 =	vadd.f32 v37, v36;
	v0 =	vadd.f32 v39, v38;
	_ =	sdelay $0x1  }
0x31d: {  	v43 =	vld [tilespmem:s29+$0xA050];
	v0 =	vadd.f32 v0, v1;
	v42 =	vadd.f32 v41, v40  }
0x31e: {  	v44 =	vld [tilespmem:s29+$0xB850]  }
0x31f: {  	v45 =	vld [tilespmem:s29+$0xD050];
	v0 =	vadd.f32 v42, v0  }
0x320: {  	v46 =	vld [tilespmem:s29+$0xE850]  }
0x321: {  	v48 =	vld [tilespmem:s29+$0x11850];
	[tilespmem:s29+$0xA040] =	vst v0  }
0x322: {  	v47 =	vld [tilespmem:s30+$0xF850];
	_ =	sdelay $0x2  }
0x323: {  	v1 =	vadd.f32 v44, v43;
	v0 =	vadd.f32 v46, v45;
	_ =	sdelay $0x1  }
0x324: {  	v50 =	vld [tilespmem:s29+$0xA060];
	v0 =	vadd.f32 v0, v1;
	v49 =	vadd.f32 v48, v47  }
0x325: {  	v51 =	vld [tilespmem:s29+$0xB860]  }
0x326: {  	v52 =	vld [tilespmem:s29+$0xD060];
	v0 =	vadd.f32 v49, v0  }
0x327: {  	v53 =	vld [tilespmem:s29+$0xE860]  }
0x328: {  	v55 =	vld [tilespmem:s29+$0x11860];
	[tilespmem:s29+$0xA050] =	vst v0  }
0x329: {  	v54 =	vld [tilespmem:s30+$0xF860];
	_ =	sdelay $0x2  }
0x32a: {  	v1 =	vadd.f32 v51, v50;
	v0 =	vadd.f32 v53, v52;
	_ =	sdelay $0x1  }
0x32b: {  	v60 =	vld [tilespmem:s29+$0xE870];
	v0 =	vadd.f32 v0, v1;
	v56 =	vadd.f32 v55, v54  }
0x32c: {  	v57 =	vld [tilespmem:s29+$0xA070]  }
0x32d: {  	v58 =	vld [tilespmem:s29+$0xB870];
	v0 =	vadd.f32 v56, v0  }
0x32e: {  	v59 =	vld [tilespmem:s29+$0xD070]  }
0x32f: {  	v62 =	vld [tilespmem:s29+$0x11870];
	[tilespmem:s29+$0xA060] =	vst v0  }
0x330: {  	v61 =	vld [tilespmem:s30+$0xF870];
	_ =	sdelay $0x2  }
0x331: {  	v1 =	vadd.f32 v58, v57;
	v0 =	vadd.f32 v60, v59  }
0x332: {  	p0 =	sne.s32 s26, $0xF  }
.Ltmp2:
0x333: {  	v0 =	vadd.f32 v0, v1;
	v63 =	vadd.f32 v62, v61;
	(pc) =	sbr.rel @p0 .LBB2_7-.Ltmp2, $3  }
0x334: {  	_ = 	snop  }
0x335: {  	v0 =	vadd.f32 v63, v0;
	_ =	sdelay $0x1  }
0x336: {  	s25 =	sadd.s32 $0x80, s25;
	s26 =	sadd.s32 $0x1, s26;
	[tilespmem:s29+$0xA070] =	vst v0  }
0x337: {  	s0 =	sor.u32 s5, s24  }
0x338: {  	s23 =	sadd.s32 $0x1, s23;
	s0 =	sshrl.u32 s0, $0x3  }
0x339: {  	p0 =	sne.s32 s23, $0x10;
	s0 =	smul.u32 $0x1800, s0  }
.Ltmp3:
0x33a: {  	_ = 	snop;
	(pc) =	sbr.rel @p0 .LBB2_2-.Ltmp3, $4  }
0x33b: {  	s0 =	sor.u32 s4, s0  }
0x33c: {  	s0 =	sshrl.u32 s0, $0x3  }
0x33d: {  	s0 =	sadd.s32 s3, s0  }
0x33e: {  	[hbm4b:s0+s19] =	stream.strided.scatter [tilespmem:s28], [sflag:$0x2], $0x1800, s20, s19, $0x38;
	[tilespmem:$0x12800] =	vst v63  }
0x33f: {  	_ =	swait.ge [sflag:s6], $0x1800  }
0x340: {  	[sflag:s6] =	ssyncset.done $0x0  }
0x341: {  	[sflag:s6] =	ssyncadd.s32 $0xFFFFE800  }
0x342: {  	_ =	swait.ge [sflag:s6], $0x1800  }
0x343: {  	s7 =	rddreg [dreg:$0xd]  }
0x344: {  	s0 =	rddreg [dreg:$0xc];
	s7 =	sadd.s32 $0x1, s7  }
0x345: {  	p0 =	sne.s32 s7, s0  }
.Ltmp4:
0x346: {  	_ = 	snop;
	(pc) =	sbr.rel @p0 .LBB2_1-.Ltmp4, $3  }
0x347: {  	_ =	sdelay $0x1  }
0x348: {  	[sflag:s6] =	ssyncset.done $0x0  }
0x349: {  	[sflag:s6] =	ssyncadd.s32 $0xFFFFE800  }
0x34a: {  	_ =	sfence.sel $0x180000  }
0x34b: {  	[bflag:$0x0] =	sbarrier.arrive $0xFFFF  }
0x34c: {  	_ =	strace $0x90000047  }
0x34d: {  	s0 =	stileid.u32;
	[bflag:$0x2] =	sbarrier.arrive $0xFFFF  }
0x34e: {  	p0 =	sne.s32 s0, $0x0;
	s0 =	rddreg [dreg:$0x7]  }
0x34f: {  	s0 =	sadd.s32 @!p0 $0x100000, s0  }
0x350: {  	[sflag:s0] =	ssyncadd.tile.s32 @!p0 $0x1;
	_ =	shalt  }
.Lfunc_end2:
_tile_overlayer_lowered:
.L_overlay_start_2:
0x351: {  	(tag) =	ssettag $0x2  }
0x352: {  	s0 =	rddreg [dreg:$0x0];
	s2 =	stileid.u32  }
0x353: {  	s1 =	rddreg [dreg:$0x1];
	p0 =	sne.s32 s2, $0x0  }
0x354: {  	s3 =	rddreg [dreg:$0x2];
	[bflag:$0x3] =	sbarrier.arrive $0xFFFF;
	s2 =	simm.s32 @!p0 $0x1C03  }
0x355: {  	[timem:s3], [sflag:s2] =	dma.local @!p0 [hbm:s0], s1  }
0x356: {  	s0 =	simm.s32 @!p0 $0x3  }
0x357: {  	_ =	swait.ge @!p0 [sflag:s0], s1  }
0x358: {  	s1 =	ssub.s32 @!p0 $0x0, s1;
	[sflag:s0] =	ssyncset.done @!p0 $0x0  }
0x359: {  	[sflag:s0] =	ssyncadd.s32 @!p0 s1  }
0x35a: {  	[bflag:$0x3] =	sbarrier.arrive $0xFFFF  }
0x35b: {  	_ =	shalt  }

</sc_bundles>
